<compile_context>
chip_gen: v7x
topology: tpu7x:2x2x1
jax: 0.10.2.dev20260603
libtpu: 0.0.44.dev20260713+nightly
codegen_flags: <defaults>
</compile_context>

<pallas_src>
import functools

import jax
import jax.numpy as jnp
from jax import lax
from jax.experimental import pallas as pl
from jax.experimental.pallas import tpu as pltpu
from jax.experimental.pallas import tpu_sc as plsc

BATCH = 16384
HIDDEN = 32
NUM_CORES = 2
NUM_SUBCORES = 16
NUM_WORKERS = NUM_CORES * NUM_SUBCORES
B_PER_W = BATCH // NUM_WORKERS
LANES = 16
RING = 8


def _mf_body(user_hbm, item_hbm, uft_hbm, ift_hbm, out_hbm,
             uidx_v, iidx_v, ubuf_v, ibuf_v, out_v, sem_u, sem_i):
    wid = lax.axis_index("s") * NUM_CORES + lax.axis_index("c")
    base = wid * B_PER_W

    pltpu.sync_copy(user_hbm.at[pl.ds(base, B_PER_W)], uidx_v)
    pltpu.sync_copy(item_hbm.at[pl.ds(base, B_PER_W)], iidx_v)

    lane = lax.iota(jnp.int32, LANES)

    def idx_scalar(idx_ref, b):
        vec = idx_ref[pl.ds((b >> 4) << 4, LANES)]
        return jnp.sum(jnp.where(lane == (b & 15), vec, 0))

    def fetch(b, slot):
        cu = pl.multiple_of((idx_scalar(uidx_v, b) >> 7) * 128, 128)
        ci = pl.multiple_of((idx_scalar(iidx_v, b) >> 7) * 128, 128)
        pltpu.async_copy(uft_hbm.at[:, pl.ds(cu, 128)], ubuf_v.at[slot],
                         sem_u.at[slot])
        pltpu.async_copy(ift_hbm.at[:, pl.ds(ci, 128)], ibuf_v.at[slot],
                         sem_i.at[slot])

    for r in range(RING):
        fetch(r, r)

    d_lo = lane
    d_hi = lane + LANES

    def round_body(g, _):
        for r in range(RING):
            b = g * RING + r
            pltpu.make_async_copy(
                uft_hbm.at[:, pl.ds(0, 128)], ubuf_v.at[r], sem_u.at[r]).wait()
            pltpu.make_async_copy(
                ift_hbm.at[:, pl.ds(0, 128)], ibuf_v.at[r], sem_i.at[r]).wait()
            lu = jnp.full((LANES,), idx_scalar(uidx_v, b) & 127, jnp.int32)
            li = jnp.full((LANES,), idx_scalar(iidx_v, b) & 127, jnp.int32)
            rv = jnp.full((LANES,), r, jnp.int32)
            u_lo = plsc.load_gather(ubuf_v, [rv, d_lo, lu])
            u_hi = plsc.load_gather(ubuf_v, [rv, d_hi, lu])
            i_lo = plsc.load_gather(ibuf_v, [rv, d_lo, li])
            i_hi = plsc.load_gather(ibuf_v, [rv, d_hi, li])
            nb = b + RING

            @pl.when(nb < B_PER_W)
            def _():
                fetch(nb, r)

            val = jnp.sum(u_lo * i_lo + u_hi * i_hi)
            plsc.store_scatter(out_v, [jnp.full((LANES,), b, jnp.int32)],
                               jnp.full((LANES,), val, jnp.float32),
                               mask=lane == 0)

        return 0

    lax.fori_loop(0, B_PER_W // RING, round_body, 0)

    pltpu.sync_copy(out_v, out_hbm.at[pl.ds(base, B_PER_W)])


_mf = functools.partial(
    pl.kernel,
    out_type=jax.ShapeDtypeStruct((BATCH,), jnp.float32),
    mesh=plsc.VectorSubcoreMesh(core_axis_name="c", subcore_axis_name="s"),
    scratch_types=[
        pltpu.VMEM((B_PER_W,), jnp.int32),
        pltpu.VMEM((B_PER_W,), jnp.int32),
        pltpu.VMEM((RING, HIDDEN, 128), jnp.float32),
        pltpu.VMEM((RING, HIDDEN, 128), jnp.float32),
        pltpu.VMEM((B_PER_W,), jnp.float32),
        pltpu.SemaphoreType.DMA((RING,)),
        pltpu.SemaphoreType.DMA((RING,)),
    ],
    compiler_params=pltpu.CompilerParams(needs_layout_passes=False),
)(_mf_body)


def kernel(user, item, user_factors, item_factors):
    return _mf(user.astype(jnp.int32), item.astype(jnp.int32),
               user_factors.T, item_factors.T)

# --- scband reference (transcript-rebuilt; emitter-appended) ---
"""Pipeline reference for scband-mf-8830452760847 (READ-ONLY COPY).

The authoritative reference and input builder live on the scoring server;
editing this copy changes nothing except your own understanding.
"""

import jax, jax.numpy as jnp
import numpy as np

NUM_USERS = 1000000
NUM_ITEMS = 1000000
HIDDEN = 32
BATCH = 16384

def setup_inputs(seed: int = 0) -> dict:
    key = jax.random.key(seed)
    k_user, k_item, k_P, k_Q = jax.random.split(key, 4)
    user = jax.random.randint(k_user, (BATCH,), 0, NUM_USERS, dtype=jnp.int64 if jax.config.jax_enable_x64 else jnp.int32)
    item = jax.random.randint(k_item, (BATCH,), 0, NUM_ITEMS, dtype=jnp.int64 if jax.config.jax_enable_x64 else jnp.int32)
    # Embedding tables initialized uniform(-0.05, 0.05) as in the torch module
    user_factors = jax.random.uniform(k_P, (NUM_USERS, HIDDEN), dtype=jnp.float32, minval=-0.05, maxval=0.05)
    item_factors = jax.random.uniform(k_Q, (NUM_ITEMS, HIDDEN), dtype=jnp.float32, minval=-0.05, maxval=0.05)
    return {"user": user, "item": item, "user_factors": user_factors, "item_factors": item_factors}

def reference(user, item, user_factors, item_factors):
    # u = self.user_factors(user); v = self.item_factors(item); x = (u * v).sum(axis=1)
    u = jnp.take(user_factors, user, axis=0)
    v = jnp.take(item_factors, item, axis=0)
    x = (u * v).sum(axis=1)
    return x

if __name__ == "__main__":
    import jax
    _d = setup_inputs()
    print(jax.jit(kernel)(*tuple(_d.values())))

</pallas_src>

<mosaic_0001>
#map = affine_map<(d0, d1) -> (0)>
#map1 = affine_map<(d0, d1) -> (0, 0)>
module attributes {stable_mosaic.version = 14 : i64} {
  func.func @_mf_body(%arg0: i32, %arg1: i32, %arg2: memref<16384xi32, #tpu.memory_space<hbm>>, %arg3: memref<16384xi32, #tpu.memory_space<hbm>>, %arg4: memref<32x1000000xf32, #tpu.memory_space<hbm>>, %arg5: memref<32x1000000xf32, #tpu.memory_space<hbm>>, %arg6: memref<16384xf32, #tpu.memory_space<hbm>>, %arg7: memref<512xi32, #tpu.memory_space<vmem>>, %arg8: memref<512xi32, #tpu.memory_space<vmem>>, %arg9: memref<8x32x128xf32, #tpu.memory_space<vmem>>, %arg10: memref<8x32x128xf32, #tpu.memory_space<vmem>>, %arg11: memref<512xf32, #tpu.memory_space<vmem>>, %arg12: memref<8x!tpu.dma_semaphore, #tpu.memory_space<semaphore_mem>>, %arg13: memref<8x!tpu.dma_semaphore, #tpu.memory_space<semaphore_mem>>) attributes {dimension_semantics = [#tpu.dimension_semantics<core_parallel>, #tpu.dimension_semantics<subcore_parallel>], iteration_bounds = array<i64: 2, 16>, scalar_prefetch = 0 : i64, scratch_operands = 7 : i64, tpu.core_type = #tpu.core_type<sc_vector_subcore>, window_params = [{transform_indices = #map}, {transform_indices = #map}, {transform_indices = #map1}, {transform_indices = #map1}, {transform_indices = #map}]} {
    %mul3A = arith.constant 2 : i32
    %mul3A_0 = arith.muli %arg1, %mul3A : i32
    %add3A = arith.addi %mul3A_0, %arg0 : i32
    %mul3A_1 = arith.constant 512 : i32
    %mul3A_2 = arith.muli %add3A, %mul3A_1 : i32
    "tpu.region"() ({
      %run_scoped3A = tpu.sem_alloc : memref<!tpu.dma_semaphore, #tpu.memory_space<semaphore_mem>>
      %dma_start3A_531 = tpu.memref_slice %arg2[%mul3A_2] : memref<16384xi32, #tpu.memory_space<hbm>> -> memref<512xi32, #tpu.memory_space<hbm>>
      %dma_start3A_532 = tpu.memref_slice %arg2[%mul3A_2] : memref<16384xi32, #tpu.memory_space<hbm>> -> memref<512xi32, #tpu.memory_space<hbm>>
      tpu.enqueue_dma source(%dma_start3A_532 : memref<512xi32, #tpu.memory_space<hbm>>) target(%arg7 : memref<512xi32, #tpu.memory_space<vmem>>) target_semaphore(%run_scoped3A : memref<!tpu.dma_semaphore, #tpu.memory_space<semaphore_mem>>)
      %dma_wait3A = tpu.memref_slice %arg2[%mul3A_2] : memref<16384xi32, #tpu.memory_space<hbm>> -> memref<512xi32, #tpu.memory_space<hbm>>
      %dma_wait3A_533 = tpu.memref_slice %arg2[%mul3A_2] : memref<16384xi32, #tpu.memory_space<hbm>> -> memref<512xi32, #tpu.memory_space<hbm>>
      tpu.wait_dma2 semaphore(%run_scoped3A : memref<!tpu.dma_semaphore, #tpu.memory_space<semaphore_mem>>) src(%dma_wait3A_533 : memref<512xi32, #tpu.memory_space<hbm>>) dst(%arg7 : memref<512xi32, #tpu.memory_space<vmem>>)
      tpu.yield
    }) : () -> ()
    "tpu.region"() ({
      %run_scoped3A = tpu.sem_alloc : memref<!tpu.dma_semaphore, #tpu.memory_space<semaphore_mem>>
      %dma_start3A_531 = tpu.memref_slice %arg3[%mul3A_2] : memref<16384xi32, #tpu.memory_space<hbm>> -> memref<512xi32, #tpu.memory_space<hbm>>
      %dma_start3A_532 = tpu.memref_slice %arg3[%mul3A_2] : memref<16384xi32, #tpu.memory_space<hbm>> -> memref<512xi32, #tpu.memory_space<hbm>>
      tpu.enqueue_dma source(%dma_start3A_532 : memref<512xi32, #tpu.memory_space<hbm>>) target(%arg8 : memref<512xi32, #tpu.memory_space<vmem>>) target_semaphore(%run_scoped3A : memref<!tpu.dma_semaphore, #tpu.memory_space<semaphore_mem>>)
      %dma_wait3A = tpu.memref_slice %arg3[%mul3A_2] : memref<16384xi32, #tpu.memory_space<hbm>> -> memref<512xi32, #tpu.memory_space<hbm>>
      %dma_wait3A_533 = tpu.memref_slice %arg3[%mul3A_2] : memref<16384xi32, #tpu.memory_space<hbm>> -> memref<512xi32, #tpu.memory_space<hbm>>
      tpu.wait_dma2 semaphore(%run_scoped3A : memref<!tpu.dma_semaphore, #tpu.memory_space<semaphore_mem>>) src(%dma_wait3A_533 : memref<512xi32, #tpu.memory_space<hbm>>) dst(%arg8 : memref<512xi32, #tpu.memory_space<vmem>>)
      tpu.yield
    }) : () -> ()
    %iota3A = tpu.iota {dimensions = array<i32: 0>} : vector<16xi32>
    %get3A = arith.constant 0 : index
    %get3A_3 = tpu.vector_load %arg7[%get3A] {strides = array<i32>} : memref<512xi32, #tpu.memory_space<vmem>>, vector<16xi32>,
    %eq3A = arith.constant 0 : i32
    %eq3A_4 = vector.broadcast %eq3A : i32 to vector<16xi32>
    %eq3A_5 = arith.cmpi eq, %iota3A, %eq3A_4 : vector<16xi32>
    %jit3A = arith.constant 0 : i32
    %broadcast_in_dim3A = vector.broadcast %jit3A : i32 to vector<16xi32>
    %select_n3A = arith.select %eq3A_5, %get3A_3, %broadcast_in_dim3A : vector<16xi1>, vector<16xi32>
    %reduce_sum3A = arith.constant true
    %reduce_sum3A_6 = vector.broadcast %reduce_sum3A : i1 to vector<16xi1>
    %reduce_sum3A_7 = tpu.scan <sum>, %select_n3A masked %reduce_sum3A_6 : vector<16xi32>, vector<16xi1> -> vector<16xi32>
    %reduce_sum3A_8 = vector.extract %reduce_sum3A_7[15] : i32 from vector<16xi32>
    %shift_right_arithmetic3A = arith.constant 7 : i32
    %shift_right_arithmetic3A_9 = arith.shrsi %reduce_sum3A_8, %shift_right_arithmetic3A : i32
    %mul3A_10 = arith.constant 128 : i32
    %mul3A_11 = arith.muli %shift_right_arithmetic3A_9, %mul3A_10 : i32
    %multiple_of3A = tpu.assume_multiple %mul3A_11, 128 : i32
    %get3A_12 = arith.constant 0 : index
    %get3A_13 = tpu.vector_load %arg8[%get3A_12] {strides = array<i32>} : memref<512xi32, #tpu.memory_space<vmem>>, vector<16xi32>,
    %eq3A_14 = arith.constant 0 : i32
    %eq3A_15 = vector.broadcast %eq3A_14 : i32 to vector<16xi32>
    %eq3A_16 = arith.cmpi eq, %iota3A, %eq3A_15 : vector<16xi32>
    %jit3A_17 = arith.constant 0 : i32
    %broadcast_in_dim3A_18 = vector.broadcast %jit3A_17 : i32 to vector<16xi32>
    %select_n3A_19 = arith.select %eq3A_16, %get3A_13, %broadcast_in_dim3A_18 : vector<16xi1>, vector<16xi32>
    %reduce_sum3A_20 = arith.constant true
    %reduce_sum3A_21 = vector.broadcast %reduce_sum3A_20 : i1 to vector<16xi1>
    %reduce_sum3A_22 = tpu.scan <sum>, %select_n3A_19 masked %reduce_sum3A_21 : vector<16xi32>, vector<16xi1> -> vector<16xi32>
    %reduce_sum3A_23 = vector.extract %reduce_sum3A_22[15] : i32 from vector<16xi32>
    %shift_right_arithmetic3A_24 = arith.constant 7 : i32
    %shift_right_arithmetic3A_25 = arith.shrsi %reduce_sum3A_23, %shift_right_arithmetic3A_24 : i32
    %mul3A_26 = arith.constant 128 : i32
    %mul3A_27 = arith.muli %shift_right_arithmetic3A_25, %mul3A_26 : i32
    %multiple_of3A_28 = tpu.assume_multiple %mul3A_27, 128 : i32
    %dma_start3A = arith.constant 0 : i32
    %dma_start3A_29 = arith.constant 0 : i32
    %dma_start3A_30 = arith.constant 0 : i32
    %dma_start3A_31 = arith.constant 0 : i32
    %dma_start3A_32 = tpu.memref_slice %arg9[%dma_start3A, %dma_start3A_30, %dma_start3A_31] : memref<8x32x128xf32, #tpu.memory_space<vmem>> -> memref<1x32x128xf32, #tpu.memory_space<vmem>>
    %dma_start3A_33 = tpu.memref_squeeze %dma_start3A_32 : memref<1x32x128xf32, #tpu.memory_space<vmem>> -> memref<32x128xf32, #tpu.memory_space<vmem>>
    %dma_start3A_34 = arith.constant 0 : i32
    %dma_start3A_35 = tpu.memref_slice %arg4[%dma_start3A_34, %multiple_of3A] : memref<32x1000000xf32, #tpu.memory_space<hbm>> -> memref<32x128xf32, #tpu.memory_space<hbm>>
    %dma_start3A_36 = tpu.memref_slice %arg12[%dma_start3A_29] : memref<8x!tpu.dma_semaphore, #tpu.memory_space<semaphore_mem>> -> memref<1x!tpu.dma_semaphore, #tpu.memory_space<semaphore_mem>>
    %dma_start3A_37 = tpu.memref_squeeze %dma_start3A_36 : memref<1x!tpu.dma_semaphore, #tpu.memory_space<semaphore_mem>> -> memref<!tpu.dma_semaphore, #tpu.memory_space<semaphore_mem>>
    %dma_start3A_38 = arith.constant 0 : i32
    %dma_start3A_39 = arith.constant 0 : i32
    %dma_start3A_40 = tpu.memref_slice %arg9[%dma_start3A, %dma_start3A_38, %dma_start3A_39] : memref<8x32x128xf32, #tpu.memory_space<vmem>> -> memref<1x32x128xf32, #tpu.memory_space<vmem>>
    %dma_start3A_41 = tpu.memref_squeeze %dma_start3A_40 : memref<1x32x128xf32, #tpu.memory_space<vmem>> -> memref<32x128xf32, #tpu.memory_space<vmem>>
    %dma_start3A_42 = arith.constant 0 : i32
    %dma_start3A_43 = tpu.memref_slice %arg4[%dma_start3A_42, %multiple_of3A] : memref<32x1000000xf32, #tpu.memory_space<hbm>> -> memref<32x128xf32, #tpu.memory_space<hbm>>
    tpu.enqueue_dma source(%dma_start3A_43 : memref<32x128xf32, #tpu.memory_space<hbm>>) target(%dma_start3A_41 : memref<32x128xf32, #tpu.memory_space<vmem>>) target_semaphore(%dma_start3A_37 : memref<!tpu.dma_semaphore, #tpu.memory_space<semaphore_mem>>)
    %dma_start3A_44 = arith.constant 0 : i32
    %dma_start3A_45 = arith.constant 0 : i32
    %dma_start3A_46 = arith.constant 0 : i32
    %dma_start3A_47 = arith.constant 0 : i32
    %dma_start3A_48 = tpu.memref_slice %arg10[%dma_start3A_44, %dma_start3A_46, %dma_start3A_47] : memref<8x32x128xf32, #tpu.memory_space<vmem>> -> memref<1x32x128xf32, #tpu.memory_space<vmem>>
    %dma_start3A_49 = tpu.memref_squeeze %dma_start3A_48 : memref<1x32x128xf32, #tpu.memory_space<vmem>> -> memref<32x128xf32, #tpu.memory_space<vmem>>
    %dma_start3A_50 = arith.constant 0 : i32
    %dma_start3A_51 = tpu.memref_slice %arg5[%dma_start3A_50, %multiple_of3A_28] : memref<32x1000000xf32, #tpu.memory_space<hbm>> -> memref<32x128xf32, #tpu.memory_space<hbm>>
    %dma_start3A_52 = tpu.memref_slice %arg13[%dma_start3A_45] : memref<8x!tpu.dma_semaphore, #tpu.memory_space<semaphore_mem>> -> memref<1x!tpu.dma_semaphore, #tpu.memory_space<semaphore_mem>>
    %dma_start3A_53 = tpu.memref_squeeze %dma_start3A_52 : memref<1x!tpu.dma_semaphore, #tpu.memory_space<semaphore_mem>> -> memref<!tpu.dma_semaphore, #tpu.memory_space<semaphore_mem>>
    %dma_start3A_54 = arith.constant 0 : i32
    %dma_start3A_55 = arith.constant 0 : i32
    %dma_start3A_56 = tpu.memref_slice %arg10[%dma_start3A_44, %dma_start3A_54, %dma_start3A_55] : memref<8x32x128xf32, #tpu.memory_space<vmem>> -> memref<1x32x128xf32, #tpu.memory_space<vmem>>
    %dma_start3A_57 = tpu.memref_squeeze %dma_start3A_56 : memref<1x32x128xf32, #tpu.memory_space<vmem>> -> memref<32x128xf32, #tpu.memory_space<vmem>>
    %dma_start3A_58 = arith.constant 0 : i32
    %dma_start3A_59 = tpu.memref_slice %arg5[%dma_start3A_58, %multiple_of3A_28] : memref<32x1000000xf32, #tpu.memory_space<hbm>> -> memref<32x128xf32, #tpu.memory_space<hbm>>
    tpu.enqueue_dma source(%dma_start3A_59 : memref<32x128xf32, #tpu.memory_space<hbm>>) target(%dma_start3A_57 : memref<32x128xf32, #tpu.memory_space<vmem>>) target_semaphore(%dma_start3A_53 : memref<!tpu.dma_semaphore, #tpu.memory_space<semaphore_mem>>)
    %get3A_60 = arith.constant 0 : index
    %get3A_61 = tpu.vector_load %arg7[%get3A_60] {strides = array<i32>} : memref<512xi32, #tpu.memory_space<vmem>>, vector<16xi32>,
    %eq3A_62 = arith.constant 1 : i32
    %eq3A_63 = vector.broadcast %eq3A_62 : i32 to vector<16xi32>
    %eq3A_64 = arith.cmpi eq, %iota3A, %eq3A_63 : vector<16xi32>
    %jit3A_65 = arith.constant 0 : i32
    %broadcast_in_dim3A_66 = vector.broadcast %jit3A_65 : i32 to vector<16xi32>
    %select_n3A_67 = arith.select %eq3A_64, %get3A_61, %broadcast_in_dim3A_66 : vector<16xi1>, vector<16xi32>
    %reduce_sum3A_68 = arith.constant true
    %reduce_sum3A_69 = vector.broadcast %reduce_sum3A_68 : i1 to vector<16xi1>
    %reduce_sum3A_70 = tpu.scan <sum>, %select_n3A_67 masked %reduce_sum3A_69 : vector<16xi32>, vector<16xi1> -> vector<16xi32>
    %reduce_sum3A_71 = vector.extract %reduce_sum3A_70[15] : i32 from vector<16xi32>
    %shift_right_arithmetic3A_72 = arith.constant 7 : i32
    %shift_right_arithmetic3A_73 = arith.shrsi %reduce_sum3A_71, %shift_right_arithmetic3A_72 : i32
    %mul3A_74 = arith.constant 128 : i32
    %mul3A_75 = arith.muli %shift_right_arithmetic3A_73, %mul3A_74 : i32
    %multiple_of3A_76 = tpu.assume_multiple %mul3A_75, 128 : i32
    %get3A_77 = arith.constant 0 : index
    %get3A_78 = tpu.vector_load %arg8[%get3A_77] {strides = array<i32>} : memref<512xi32, #tpu.memory_space<vmem>>, vector<16xi32>,
    %eq3A_79 = arith.constant 1 : i32
    %eq3A_80 = vector.broadcast %eq3A_79 : i32 to vector<16xi32>
    %eq3A_81 = arith.cmpi eq, %iota3A, %eq3A_80 : vector<16xi32>
    %jit3A_82 = arith.constant 0 : i32
    %broadcast_in_dim3A_83 = vector.broadcast %jit3A_82 : i32 to vector<16xi32>
    %select_n3A_84 = arith.select %eq3A_81, %get3A_78, %broadcast_in_dim3A_83 : vector<16xi1>, vector<16xi32>
    %reduce_sum3A_85 = arith.constant true
    %reduce_sum3A_86 = vector.broadcast %reduce_sum3A_85 : i1 to vector<16xi1>
    %reduce_sum3A_87 = tpu.scan <sum>, %select_n3A_84 masked %reduce_sum3A_86 : vector<16xi32>, vector<16xi1> -> vector<16xi32>
    %reduce_sum3A_88 = vector.extract %reduce_sum3A_87[15] : i32 from vector<16xi32>
    %shift_right_arithmetic3A_89 = arith.constant 7 : i32
    %shift_right_arithmetic3A_90 = arith.shrsi %reduce_sum3A_88, %shift_right_arithmetic3A_89 : i32
    %mul3A_91 = arith.constant 128 : i32
    %mul3A_92 = arith.muli %shift_right_arithmetic3A_90, %mul3A_91 : i32
    %multiple_of3A_93 = tpu.assume_multiple %mul3A_92, 128 : i32
    %dma_start3A_94 = arith.constant 1 : i32
    %dma_start3A_95 = arith.constant 1 : i32
    %dma_start3A_96 = arith.constant 0 : i32
    %dma_start3A_97 = arith.constant 0 : i32
    %dma_start3A_98 = tpu.memref_slice %arg9[%dma_start3A_94, %dma_start3A_96, %dma_start3A_97] : memref<8x32x128xf32, #tpu.memory_space<vmem>> -> memref<1x32x128xf32, #tpu.memory_space<vmem>>
    %dma_start3A_99 = tpu.memref_squeeze %dma_start3A_98 : memref<1x32x128xf32, #tpu.memory_space<vmem>> -> memref<32x128xf32, #tpu.memory_space<vmem>>
    %dma_start3A_100 = arith.constant 0 : i32
    %dma_start3A_101 = tpu.memref_slice %arg4[%dma_start3A_100, %multiple_of3A_76] : memref<32x1000000xf32, #tpu.memory_space<hbm>> -> memref<32x128xf32, #tpu.memory_space<hbm>>
    %dma_start3A_102 = tpu.memref_slice %arg12[%dma_start3A_95] : memref<8x!tpu.dma_semaphore, #tpu.memory_space<semaphore_mem>> -> memref<1x!tpu.dma_semaphore, #tpu.memory_space<semaphore_mem>>
    %dma_start3A_103 = tpu.memref_squeeze %dma_start3A_102 : memref<1x!tpu.dma_semaphore, #tpu.memory_space<semaphore_mem>> -> memref<!tpu.dma_semaphore, #tpu.memory_space<semaphore_mem>>
    %dma_start3A_104 = arith.constant 0 : i32
    %dma_start3A_105 = arith.constant 0 : i32
    %dma_start3A_106 = tpu.memref_slice %arg9[%dma_start3A_94, %dma_start3A_104, %dma_start3A_105] : memref<8x32x128xf32, #tpu.memory_space<vmem>> -> memref<1x32x128xf32, #tpu.memory_space<vmem>>
    %dma_start3A_107 = tpu.memref_squeeze %dma_start3A_106 : memref<1x32x128xf32, #tpu.memory_space<vmem>> -> memref<32x128xf32, #tpu.memory_space<vmem>>
    %dma_start3A_108 = arith.constant 0 : i32
    %dma_start3A_109 = tpu.memref_slice %arg4[%dma_start3A_108, %multiple_of3A_76] : memref<32x1000000xf32, #tpu.memory_space<hbm>> -> memref<32x128xf32, #tpu.memory_space<hbm>>
    tpu.enqueue_dma source(%dma_start3A_109 : memref<32x128xf32, #tpu.memory_space<hbm>>) target(%dma_start3A_107 : memref<32x128xf32, #tpu.memory_space<vmem>>) target_semaphore(%dma_start3A_103 : memref<!tpu.dma_semaphore, #tpu.memory_space<semaphore_mem>>)
    %dma_start3A_110 = arith.constant 1 : i32
    %dma_start3A_111 = arith.constant 1 : i32
    %dma_start3A_112 = arith.constant 0 : i32
    %dma_start3A_113 = arith.constant 0 : i32
    %dma_start3A_114 = tpu.memref_slice %arg10[%dma_start3A_110, %dma_start3A_112, %dma_start3A_113] : memref<8x32x128xf32, #tpu.memory_space<vmem>> -> memref<1x32x128xf32, #tpu.memory_space<vmem>>
    %dma_start3A_115 = tpu.memref_squeeze %dma_start3A_114 : memref<1x32x128xf32, #tpu.memory_space<vmem>> -> memref<32x128xf32, #tpu.memory_space<vmem>>
    %dma_start3A_116 = arith.constant 0 : i32
    %dma_start3A_117 = tpu.memref_slice %arg5[%dma_start3A_116, %multiple_of3A_93] : memref<32x1000000xf32, #tpu.memory_space<hbm>> -> memref<32x128xf32, #tpu.memory_space<hbm>>
    %dma_start3A_118 = tpu.memref_slice %arg13[%dma_start3A_111] : memref<8x!tpu.dma_semaphore, #tpu.memory_space<semaphore_mem>> -> memref<1x!tpu.dma_semaphore, #tpu.memory_space<semaphore_mem>>
    %dma_start3A_119 = tpu.memref_squeeze %dma_start3A_118 : memref<1x!tpu.dma_semaphore, #tpu.memory_space<semaphore_mem>> -> memref<!tpu.dma_semaphore, #tpu.memory_space<semaphore_mem>>
    %dma_start3A_120 = arith.constant 0 : i32
    %dma_start3A_121 = arith.constant 0 : i32
    %dma_start3A_122 = tpu.memref_slice %arg10[%dma_start3A_110, %dma_start3A_120, %dma_start3A_121] : memref<8x32x128xf32, #tpu.memory_space<vmem>> -> memref<1x32x128xf32, #tpu.memory_space<vmem>>
    %dma_start3A_123 = tpu.memref_squeeze %dma_start3A_122 : memref<1x32x128xf32, #tpu.memory_space<vmem>> -> memref<32x128xf32, #tpu.memory_space<vmem>>
    %dma_start3A_124 = arith.constant 0 : i32
    %dma_start3A_125 = tpu.memref_slice %arg5[%dma_start3A_124, %multiple_of3A_93] : memref<32x1000000xf32, #tpu.memory_space<hbm>> -> memref<32x128xf32, #tpu.memory_space<hbm>>
    tpu.enqueue_dma source(%dma_start3A_125 : memref<32x128xf32, #tpu.memory_space<hbm>>) target(%dma_start3A_123 : memref<32x128xf32, #tpu.memory_space<vmem>>) target_semaphore(%dma_start3A_119 : memref<!tpu.dma_semaphore, #tpu.memory_space<semaphore_mem>>)
    %get3A_126 = arith.constant 0 : index
    %get3A_127 = tpu.vector_load %arg7[%get3A_126] {strides = array<i32>} : memref<512xi32, #tpu.memory_space<vmem>>, vector<16xi32>,
    %eq3A_128 = arith.constant 2 : i32
    %eq3A_129 = vector.broadcast %eq3A_128 : i32 to vector<16xi32>
    %eq3A_130 = arith.cmpi eq, %iota3A, %eq3A_129 : vector<16xi32>
    %jit3A_131 = arith.constant 0 : i32
    %broadcast_in_dim3A_132 = vector.broadcast %jit3A_131 : i32 to vector<16xi32>
    %select_n3A_133 = arith.select %eq3A_130, %get3A_127, %broadcast_in_dim3A_132 : vector<16xi1>, vector<16xi32>
    %reduce_sum3A_134 = arith.constant true
    %reduce_sum3A_135 = vector.broadcast %reduce_sum3A_134 : i1 to vector<16xi1>
    %reduce_sum3A_136 = tpu.scan <sum>, %select_n3A_133 masked %reduce_sum3A_135 : vector<16xi32>, vector<16xi1> -> vector<16xi32>
    %reduce_sum3A_137 = vector.extract %reduce_sum3A_136[15] : i32 from vector<16xi32>
    %shift_right_arithmetic3A_138 = arith.constant 7 : i32
    %shift_right_arithmetic3A_139 = arith.shrsi %reduce_sum3A_137, %shift_right_arithmetic3A_138 : i32
    %mul3A_140 = arith.constant 128 : i32
    %mul3A_141 = arith.muli %shift_right_arithmetic3A_139, %mul3A_140 : i32
    %multiple_of3A_142 = tpu.assume_multiple %mul3A_141, 128 : i32
    %get3A_143 = arith.constant 0 : index
    %get3A_144 = tpu.vector_load %arg8[%get3A_143] {strides = array<i32>} : memref<512xi32, #tpu.memory_space<vmem>>, vector<16xi32>,
    %eq3A_145 = arith.constant 2 : i32
    %eq3A_146 = vector.broadcast %eq3A_145 : i32 to vector<16xi32>
    %eq3A_147 = arith.cmpi eq, %iota3A, %eq3A_146 : vector<16xi32>
    %jit3A_148 = arith.constant 0 : i32
    %broadcast_in_dim3A_149 = vector.broadcast %jit3A_148 : i32 to vector<16xi32>
    %select_n3A_150 = arith.select %eq3A_147, %get3A_144, %broadcast_in_dim3A_149 : vector<16xi1>, vector<16xi32>
    %reduce_sum3A_151 = arith.constant true
    %reduce_sum3A_152 = vector.broadcast %reduce_sum3A_151 : i1 to vector<16xi1>
    %reduce_sum3A_153 = tpu.scan <sum>, %select_n3A_150 masked %reduce_sum3A_152 : vector<16xi32>, vector<16xi1> -> vector<16xi32>
    %reduce_sum3A_154 = vector.extract %reduce_sum3A_153[15] : i32 from vector<16xi32>
    %shift_right_arithmetic3A_155 = arith.constant 7 : i32
    %shift_right_arithmetic3A_156 = arith.shrsi %reduce_sum3A_154, %shift_right_arithmetic3A_155 : i32
    %mul3A_157 = arith.constant 128 : i32
    %mul3A_158 = arith.muli %shift_right_arithmetic3A_156, %mul3A_157 : i32
    %multiple_of3A_159 = tpu.assume_multiple %mul3A_158, 128 : i32
    %dma_start3A_160 = arith.constant 2 : i32
    %dma_start3A_161 = arith.constant 2 : i32
    %dma_start3A_162 = arith.constant 0 : i32
    %dma_start3A_163 = arith.constant 0 : i32
    %dma_start3A_164 = tpu.memref_slice %arg9[%dma_start3A_160, %dma_start3A_162, %dma_start3A_163] : memref<8x32x128xf32, #tpu.memory_space<vmem>> -> memref<1x32x128xf32, #tpu.memory_space<vmem>>
    %dma_start3A_165 = tpu.memref_squeeze %dma_start3A_164 : memref<1x32x128xf32, #tpu.memory_space<vmem>> -> memref<32x128xf32, #tpu.memory_space<vmem>>
    %dma_start3A_166 = arith.constant 0 : i32
    %dma_start3A_167 = tpu.memref_slice %arg4[%dma_start3A_166, %multiple_of3A_142] : memref<32x1000000xf32, #tpu.memory_space<hbm>> -> memref<32x128xf32, #tpu.memory_space<hbm>>
    %dma_start3A_168 = tpu.memref_slice %arg12[%dma_start3A_161] : memref<8x!tpu.dma_semaphore, #tpu.memory_space<semaphore_mem>> -> memref<1x!tpu.dma_semaphore, #tpu.memory_space<semaphore_mem>>
    %dma_start3A_169 = tpu.memref_squeeze %dma_start3A_168 : memref<1x!tpu.dma_semaphore, #tpu.memory_space<semaphore_mem>> -> memref<!tpu.dma_semaphore, #tpu.memory_space<semaphore_mem>>
    %dma_start3A_170 = arith.constant 0 : i32
    %dma_start3A_171 = arith.constant 0 : i32
    %dma_start3A_172 = tpu.memref_slice %arg9[%dma_start3A_160, %dma_start3A_170, %dma_start3A_171] : memref<8x32x128xf32, #tpu.memory_space<vmem>> -> memref<1x32x128xf32, #tpu.memory_space<vmem>>
    %dma_start3A_173 = tpu.memref_squeeze %dma_start3A_172 : memref<1x32x128xf32, #tpu.memory_space<vmem>> -> memref<32x128xf32, #tpu.memory_space<vmem>>
    %dma_start3A_174 = arith.constant 0 : i32
    %dma_start3A_175 = tpu.memref_slice %arg4[%dma_start3A_174, %multiple_of3A_142] : memref<32x1000000xf32, #tpu.memory_space<hbm>> -> memref<32x128xf32, #tpu.memory_space<hbm>>
    tpu.enqueue_dma source(%dma_start3A_175 : memref<32x128xf32, #tpu.memory_space<hbm>>) target(%dma_start3A_173 : memref<32x128xf32, #tpu.memory_space<vmem>>) target_semaphore(%dma_start3A_169 : memref<!tpu.dma_semaphore, #tpu.memory_space<semaphore_mem>>)
    %dma_start3A_176 = arith.constant 2 : i32
    %dma_start3A_177 = arith.constant 2 : i32
    %dma_start3A_178 = arith.constant 0 : i32
    %dma_start3A_179 = arith.constant 0 : i32
    %dma_start3A_180 = tpu.memref_slice %arg10[%dma_start3A_176, %dma_start3A_178, %dma_start3A_179] : memref<8x32x128xf32, #tpu.memory_space<vmem>> -> memref<1x32x128xf32, #tpu.memory_space<vmem>>
    %dma_start3A_181 = tpu.memref_squeeze %dma_start3A_180 : memref<1x32x128xf32, #tpu.memory_space<vmem>> -> memref<32x128xf32, #tpu.memory_space<vmem>>
    %dma_start3A_182 = arith.constant 0 : i32
    %dma_start3A_183 = tpu.memref_slice %arg5[%dma_start3A_182, %multiple_of3A_159] : memref<32x1000000xf32, #tpu.memory_space<hbm>> -> memref<32x128xf32, #tpu.memory_space<hbm>>
    %dma_start3A_184 = tpu.memref_slice %arg13[%dma_start3A_177] : memref<8x!tpu.dma_semaphore, #tpu.memory_space<semaphore_mem>> -> memref<1x!tpu.dma_semaphore, #tpu.memory_space<semaphore_mem>>
    %dma_start3A_185 = tpu.memref_squeeze %dma_start3A_184 : memref<1x!tpu.dma_semaphore, #tpu.memory_space<semaphore_mem>> -> memref<!tpu.dma_semaphore, #tpu.memory_space<semaphore_mem>>
    %dma_start3A_186 = arith.constant 0 : i32
    %dma_start3A_187 = arith.constant 0 : i32
    %dma_start3A_188 = tpu.memref_slice %arg10[%dma_start3A_176, %dma_start3A_186, %dma_start3A_187] : memref<8x32x128xf32, #tpu.memory_space<vmem>> -> memref<1x32x128xf32, #tpu.memory_space<vmem>>
    %dma_start3A_189 = tpu.memref_squeeze %dma_start3A_188 : memref<1x32x128xf32, #tpu.memory_space<vmem>> -> memref<32x128xf32, #tpu.memory_space<vmem>>
    %dma_start3A_190 = arith.constant 0 : i32
    %dma_start3A_191 = tpu.memref_slice %arg5[%dma_start3A_190, %multiple_of3A_159] : memref<32x1000000xf32, #tpu.memory_space<hbm>> -> memref<32x128xf32, #tpu.memory_space<hbm>>
    tpu.enqueue_dma source(%dma_start3A_191 : memref<32x128xf32, #tpu.memory_space<hbm>>) target(%dma_start3A_189 : memref<32x128xf32, #tpu.memory_space<vmem>>) target_semaphore(%dma_start3A_185 : memref<!tpu.dma_semaphore, #tpu.memory_space<semaphore_mem>>)
    %get3A_192 = arith.constant 0 : index
    %get3A_193 = tpu.vector_load %arg7[%get3A_192] {strides = array<i32>} : memref<512xi32, #tpu.memory_space<vmem>>, vector<16xi32>,
    %eq3A_194 = arith.constant 3 : i32
    %eq3A_195 = vector.broadcast %eq3A_194 : i32 to vector<16xi32>
    %eq3A_196 = arith.cmpi eq, %iota3A, %eq3A_195 : vector<16xi32>
    %jit3A_197 = arith.constant 0 : i32
    %broadcast_in_dim3A_198 = vector.broadcast %jit3A_197 : i32 to vector<16xi32>
    %select_n3A_199 = arith.select %eq3A_196, %get3A_193, %broadcast_in_dim3A_198 : vector<16xi1>, vector<16xi32>
    %reduce_sum3A_200 = arith.constant true
    %reduce_sum3A_201 = vector.broadcast %reduce_sum3A_200 : i1 to vector<16xi1>
    %reduce_sum3A_202 = tpu.scan <sum>, %select_n3A_199 masked %reduce_sum3A_201 : vector<16xi32>, vector<16xi1> -> vector<16xi32>
    %reduce_sum3A_203 = vector.extract %reduce_sum3A_202[15] : i32 from vector<16xi32>
    %shift_right_arithmetic3A_204 = arith.constant 7 : i32
    %shift_right_arithmetic3A_205 = arith.shrsi %reduce_sum3A_203, %shift_right_arithmetic3A_204 : i32
    %mul3A_206 = arith.constant 128 : i32
    %mul3A_207 = arith.muli %shift_right_arithmetic3A_205, %mul3A_206 : i32
    %multiple_of3A_208 = tpu.assume_multiple %mul3A_207, 128 : i32
    %get3A_209 = arith.constant 0 : index
    %get3A_210 = tpu.vector_load %arg8[%get3A_209] {strides = array<i32>} : memref<512xi32, #tpu.memory_space<vmem>>, vector<16xi32>,
    %eq3A_211 = arith.constant 3 : i32
    %eq3A_212 = vector.broadcast %eq3A_211 : i32 to vector<16xi32>
    %eq3A_213 = arith.cmpi eq, %iota3A, %eq3A_212 : vector<16xi32>
    %jit3A_214 = arith.constant 0 : i32
    %broadcast_in_dim3A_215 = vector.broadcast %jit3A_214 : i32 to vector<16xi32>
    %select_n3A_216 = arith.select %eq3A_213, %get3A_210, %broadcast_in_dim3A_215 : vector<16xi1>, vector<16xi32>
    %reduce_sum3A_217 = arith.constant true
    %reduce_sum3A_218 = vector.broadcast %reduce_sum3A_217 : i1 to vector<16xi1>
    %reduce_sum3A_219 = tpu.scan <sum>, %select_n3A_216 masked %reduce_sum3A_218 : vector<16xi32>, vector<16xi1> -> vector<16xi32>
    %reduce_sum3A_220 = vector.extract %reduce_sum3A_219[15] : i32 from vector<16xi32>
    %shift_right_arithmetic3A_221 = arith.constant 7 : i32
    %shift_right_arithmetic3A_222 = arith.shrsi %reduce_sum3A_220, %shift_right_arithmetic3A_221 : i32
    %mul3A_223 = arith.constant 128 : i32
    %mul3A_224 = arith.muli %shift_right_arithmetic3A_222, %mul3A_223 : i32
    %multiple_of3A_225 = tpu.assume_multiple %mul3A_224, 128 : i32
    %dma_start3A_226 = arith.constant 3 : i32
    %dma_start3A_227 = arith.constant 3 : i32
    %dma_start3A_228 = arith.constant 0 : i32
    %dma_start3A_229 = arith.constant 0 : i32
    %dma_start3A_230 = tpu.memref_slice %arg9[%dma_start3A_226, %dma_start3A_228, %dma_start3A_229] : memref<8x32x128xf32, #tpu.memory_space<vmem>> -> memref<1x32x128xf32, #tpu.memory_space<vmem>>
    %dma_start3A_231 = tpu.memref_squeeze %dma_start3A_230 : memref<1x32x128xf32, #tpu.memory_space<vmem>> -> memref<32x128xf32, #tpu.memory_space<vmem>>
    %dma_start3A_232 = arith.constant 0 : i32
    %dma_start3A_233 = tpu.memref_slice %arg4[%dma_start3A_232, %multiple_of3A_208] : memref<32x1000000xf32, #tpu.memory_space<hbm>> -> memref<32x128xf32, #tpu.memory_space<hbm>>
    %dma_start3A_234 = tpu.memref_slice %arg12[%dma_start3A_227] : memref<8x!tpu.dma_semaphore, #tpu.memory_space<semaphore_mem>> -> memref<1x!tpu.dma_semaphore, #tpu.memory_space<semaphore_mem>>
    %dma_start3A_235 = tpu.memref_squeeze %dma_start3A_234 : memref<1x!tpu.dma_semaphore, #tpu.memory_space<semaphore_mem>> -> memref<!tpu.dma_semaphore, #tpu.memory_space<semaphore_mem>>
    %dma_start3A_236 = arith.constant 0 : i32
    %dma_start3A_237 = arith.constant 0 : i32
    %dma_start3A_238 = tpu.memref_slice %arg9[%dma_start3A_226, %dma_start3A_236, %dma_start3A_237] : memref<8x32x128xf32, #tpu.memory_space<vmem>> -> memref<1x32x128xf32, #tpu.memory_space<vmem>>
    %dma_start3A_239 = tpu.memref_squeeze %dma_start3A_238 : memref<1x32x128xf32, #tpu.memory_space<vmem>> -> memref<32x128xf32, #tpu.memory_space<vmem>>
    %dma_start3A_240 = arith.constant 0 : i32
    %dma_start3A_241 = tpu.memref_slice %arg4[%dma_start3A_240, %multiple_of3A_208] : memref<32x1000000xf32, #tpu.memory_space<hbm>> -> memref<32x128xf32, #tpu.memory_space<hbm>>
    tpu.enqueue_dma source(%dma_start3A_241 : memref<32x128xf32, #tpu.memory_space<hbm>>) target(%dma_start3A_239 : memref<32x128xf32, #tpu.memory_space<vmem>>) target_semaphore(%dma_start3A_235 : memref<!tpu.dma_semaphore, #tpu.memory_space<semaphore_mem>>)
    %dma_start3A_242 = arith.constant 3 : i32
    %dma_start3A_243 = arith.constant 3 : i32
    %dma_start3A_244 = arith.constant 0 : i32
    %dma_start3A_245 = arith.constant 0 : i32
    %dma_start3A_246 = tpu.memref_slice %arg10[%dma_start3A_242, %dma_start3A_244, %dma_start3A_245] : memref<8x32x128xf32, #tpu.memory_space<vmem>> -> memref<1x32x128xf32, #tpu.memory_space<vmem>>
    %dma_start3A_247 = tpu.memref_squeeze %dma_start3A_246 : memref<1x32x128xf32, #tpu.memory_space<vmem>> -> memref<32x128xf32, #tpu.memory_space<vmem>>
    %dma_start3A_248 = arith.constant 0 : i32
    %dma_start3A_249 = tpu.memref_slice %arg5[%dma_start3A_248, %multiple_of3A_225] : memref<32x1000000xf32, #tpu.memory_space<hbm>> -> memref<32x128xf32, #tpu.memory_space<hbm>>
    %dma_start3A_250 = tpu.memref_slice %arg13[%dma_start3A_243] : memref<8x!tpu.dma_semaphore, #tpu.memory_space<semaphore_mem>> -> memref<1x!tpu.dma_semaphore, #tpu.memory_space<semaphore_mem>>
    %dma_start3A_251 = tpu.memref_squeeze %dma_start3A_250 : memref<1x!tpu.dma_semaphore, #tpu.memory_space<semaphore_mem>> -> memref<!tpu.dma_semaphore, #tpu.memory_space<semaphore_mem>>
    %dma_start3A_252 = arith.constant 0 : i32
    %dma_start3A_253 = arith.constant 0 : i32
    %dma_start3A_254 = tpu.memref_slice %arg10[%dma_start3A_242, %dma_start3A_252, %dma_start3A_253] : memref<8x32x128xf32, #tpu.memory_space<vmem>> -> memref<1x32x128xf32, #tpu.memory_space<vmem>>
    %dma_start3A_255 = tpu.memref_squeeze %dma_start3A_254 : memref<1x32x128xf32, #tpu.memory_space<vmem>> -> memref<32x128xf32, #tpu.memory_space<vmem>>
    %dma_start3A_256 = arith.constant 0 : i32
    %dma_start3A_257 = tpu.memref_slice %arg5[%dma_start3A_256, %multiple_of3A_225] : memref<32x1000000xf32, #tpu.memory_space<hbm>> -> memref<32x128xf32, #tpu.memory_space<hbm>>
    tpu.enqueue_dma source(%dma_start3A_257 : memref<32x128xf32, #tpu.memory_space<hbm>>) target(%dma_start3A_255 : memref<32x128xf32, #tpu.memory_space<vmem>>) target_semaphore(%dma_start3A_251 : memref<!tpu.dma_semaphore, #tpu.memory_space<semaphore_mem>>)
    %get3A_258 = arith.constant 0 : index
    %get3A_259 = tpu.vector_load %arg7[%get3A_258] {strides = array<i32>} : memref<512xi32, #tpu.memory_space<vmem>>, vector<16xi32>,
    %eq3A_260 = arith.constant 4 : i32
    %eq3A_261 = vector.broadcast %eq3A_260 : i32 to vector<16xi32>
    %eq3A_262 = arith.cmpi eq, %iota3A, %eq3A_261 : vector<16xi32>
    %jit3A_263 = arith.constant 0 : i32
    %broadcast_in_dim3A_264 = vector.broadcast %jit3A_263 : i32 to vector<16xi32>
    %select_n3A_265 = arith.select %eq3A_262, %get3A_259, %broadcast_in_dim3A_264 : vector<16xi1>, vector<16xi32>
    %reduce_sum3A_266 = arith.constant true
    %reduce_sum3A_267 = vector.broadcast %reduce_sum3A_266 : i1 to vector<16xi1>
    %reduce_sum3A_268 = tpu.scan <sum>, %select_n3A_265 masked %reduce_sum3A_267 : vector<16xi32>, vector<16xi1> -> vector<16xi32>
    %reduce_sum3A_269 = vector.extract %reduce_sum3A_268[15] : i32 from vector<16xi32>
    %shift_right_arithmetic3A_270 = arith.constant 7 : i32
    %shift_right_arithmetic3A_271 = arith.shrsi %reduce_sum3A_269, %shift_right_arithmetic3A_270 : i32
    %mul3A_272 = arith.constant 128 : i32
    %mul3A_273 = arith.muli %shift_right_arithmetic3A_271, %mul3A_272 : i32
    %multiple_of3A_274 = tpu.assume_multiple %mul3A_273, 128 : i32
    %get3A_275 = arith.constant 0 : index
    %get3A_276 = tpu.vector_load %arg8[%get3A_275] {strides = array<i32>} : memref<512xi32, #tpu.memory_space<vmem>>, vector<16xi32>,
    %eq3A_277 = arith.constant 4 : i32
    %eq3A_278 = vector.broadcast %eq3A_277 : i32 to vector<16xi32>
    %eq3A_279 = arith.cmpi eq, %iota3A, %eq3A_278 : vector<16xi32>
    %jit3A_280 = arith.constant 0 : i32
    %broadcast_in_dim3A_281 = vector.broadcast %jit3A_280 : i32 to vector<16xi32>
    %select_n3A_282 = arith.select %eq3A_279, %get3A_276, %broadcast_in_dim3A_281 : vector<16xi1>, vector<16xi32>
    %reduce_sum3A_283 = arith.constant true
    %reduce_sum3A_284 = vector.broadcast %reduce_sum3A_283 : i1 to vector<16xi1>
    %reduce_sum3A_285 = tpu.scan <sum>, %select_n3A_282 masked %reduce_sum3A_284 : vector<16xi32>, vector<16xi1> -> vector<16xi32>
    %reduce_sum3A_286 = vector.extract %reduce_sum3A_285[15] : i32 from vector<16xi32>
    %shift_right_arithmetic3A_287 = arith.constant 7 : i32
    %shift_right_arithmetic3A_288 = arith.shrsi %reduce_sum3A_286, %shift_right_arithmetic3A_287 : i32
    %mul3A_289 = arith.constant 128 : i32
    %mul3A_290 = arith.muli %shift_right_arithmetic3A_288, %mul3A_289 : i32
    %multiple_of3A_291 = tpu.assume_multiple %mul3A_290, 128 : i32
    %dma_start3A_292 = arith.constant 4 : i32
    %dma_start3A_293 = arith.constant 4 : i32
    %dma_start3A_294 = arith.constant 0 : i32
    %dma_start3A_295 = arith.constant 0 : i32
    %dma_start3A_296 = tpu.memref_slice %arg9[%dma_start3A_292, %dma_start3A_294, %dma_start3A_295] : memref<8x32x128xf32, #tpu.memory_space<vmem>> -> memref<1x32x128xf32, #tpu.memory_space<vmem>>
    %dma_start3A_297 = tpu.memref_squeeze %dma_start3A_296 : memref<1x32x128xf32, #tpu.memory_space<vmem>> -> memref<32x128xf32, #tpu.memory_space<vmem>>
    %dma_start3A_298 = arith.constant 0 : i32
    %dma_start3A_299 = tpu.memref_slice %arg4[%dma_start3A_298, %multiple_of3A_274] : memref<32x1000000xf32, #tpu.memory_space<hbm>> -> memref<32x128xf32, #tpu.memory_space<hbm>>
    %dma_start3A_300 = tpu.memref_slice %arg12[%dma_start3A_293] : memref<8x!tpu.dma_semaphore, #tpu.memory_space<semaphore_mem>> -> memref<1x!tpu.dma_semaphore, #tpu.memory_space<semaphore_mem>>
    %dma_start3A_301 = tpu.memref_squeeze %dma_start3A_300 : memref<1x!tpu.dma_semaphore, #tpu.memory_space<semaphore_mem>> -> memref<!tpu.dma_semaphore, #tpu.memory_space<semaphore_mem>>
    %dma_start3A_302 = arith.constant 0 : i32
    %dma_start3A_303 = arith.constant 0 : i32
    %dma_start3A_304 = tpu.memref_slice %arg9[%dma_start3A_292, %dma_start3A_302, %dma_start3A_303] : memref<8x32x128xf32, #tpu.memory_space<vmem>> -> memref<1x32x128xf32, #tpu.memory_space<vmem>>
    %dma_start3A_305 = tpu.memref_squeeze %dma_start3A_304 : memref<1x32x128xf32, #tpu.memory_space<vmem>> -> memref<32x128xf32, #tpu.memory_space<vmem>>
    %dma_start3A_306 = arith.constant 0 : i32
    %dma_start3A_307 = tpu.memref_slice %arg4[%dma_start3A_306, %multiple_of3A_274] : memref<32x1000000xf32, #tpu.memory_space<hbm>> -> memref<32x128xf32, #tpu.memory_space<hbm>>
    tpu.enqueue_dma source(%dma_start3A_307 : memref<32x128xf32, #tpu.memory_space<hbm>>) target(%dma_start3A_305 : memref<32x128xf32, #tpu.memory_space<vmem>>) target_semaphore(%dma_start3A_301 : memref<!tpu.dma_semaphore, #tpu.memory_space<semaphore_mem>>)
    %dma_start3A_308 = arith.constant 4 : i32
    %dma_start3A_309 = arith.constant 4 : i32
    %dma_start3A_310 = arith.constant 0 : i32
    %dma_start3A_311 = arith.constant 0 : i32
    %dma_start3A_312 = tpu.memref_slice %arg10[%dma_start3A_308, %dma_start3A_310, %dma_start3A_311] : memref<8x32x128xf32, #tpu.memory_space<vmem>> -> memref<1x32x128xf32, #tpu.memory_space<vmem>>
    %dma_start3A_313 = tpu.memref_squeeze %dma_start3A_312 : memref<1x32x128xf32, #tpu.memory_space<vmem>> -> memref<32x128xf32, #tpu.memory_space<vmem>>
    %dma_start3A_314 = arith.constant 0 : i32
    %dma_start3A_315 = tpu.memref_slice %arg5[%dma_start3A_314, %multiple_of3A_291] : memref<32x1000000xf32, #tpu.memory_space<hbm>> -> memref<32x128xf32, #tpu.memory_space<hbm>>
    %dma_start3A_316 = tpu.memref_slice %arg13[%dma_start3A_309] : memref<8x!tpu.dma_semaphore, #tpu.memory_space<semaphore_mem>> -> memref<1x!tpu.dma_semaphore, #tpu.memory_space<semaphore_mem>>
    %dma_start3A_317 = tpu.memref_squeeze %dma_start3A_316 : memref<1x!tpu.dma_semaphore, #tpu.memory_space<semaphore_mem>> -> memref<!tpu.dma_semaphore, #tpu.memory_space<semaphore_mem>>
    %dma_start3A_318 = arith.constant 0 : i32
    %dma_start3A_319 = arith.constant 0 : i32
    %dma_start3A_320 = tpu.memref_slice %arg10[%dma_start3A_308, %dma_start3A_318, %dma_start3A_319] : memref<8x32x128xf32, #tpu.memory_space<vmem>> -> memref<1x32x128xf32, #tpu.memory_space<vmem>>
    %dma_start3A_321 = tpu.memref_squeeze %dma_start3A_320 : memref<1x32x128xf32, #tpu.memory_space<vmem>> -> memref<32x128xf32, #tpu.memory_space<vmem>>
    %dma_start3A_322 = arith.constant 0 : i32
    %dma_start3A_323 = tpu.memref_slice %arg5[%dma_start3A_322, %multiple_of3A_291] : memref<32x1000000xf32, #tpu.memory_space<hbm>> -> memref<32x128xf32, #tpu.memory_space<hbm>>
    tpu.enqueue_dma source(%dma_start3A_323 : memref<32x128xf32, #tpu.memory_space<hbm>>) target(%dma_start3A_321 : memref<32x128xf32, #tpu.memory_space<vmem>>) target_semaphore(%dma_start3A_317 : memref<!tpu.dma_semaphore, #tpu.memory_space<semaphore_mem>>)
    %get3A_324 = arith.constant 0 : index
    %get3A_325 = tpu.vector_load %arg7[%get3A_324] {strides = array<i32>} : memref<512xi32, #tpu.memory_space<vmem>>, vector<16xi32>,
    %eq3A_326 = arith.constant 5 : i32
    %eq3A_327 = vector.broadcast %eq3A_326 : i32 to vector<16xi32>
    %eq3A_328 = arith.cmpi eq, %iota3A, %eq3A_327 : vector<16xi32>
    %jit3A_329 = arith.constant 0 : i32
    %broadcast_in_dim3A_330 = vector.broadcast %jit3A_329 : i32 to vector<16xi32>
    %select_n3A_331 = arith.select %eq3A_328, %get3A_325, %broadcast_in_dim3A_330 : vector<16xi1>, vector<16xi32>
    %reduce_sum3A_332 = arith.constant true
    %reduce_sum3A_333 = vector.broadcast %reduce_sum3A_332 : i1 to vector<16xi1>
    %reduce_sum3A_334 = tpu.scan <sum>, %select_n3A_331 masked %reduce_sum3A_333 : vector<16xi32>, vector<16xi1> -> vector<16xi32>
    %reduce_sum3A_335 = vector.extract %reduce_sum3A_334[15] : i32 from vector<16xi32>
    %shift_right_arithmetic3A_336 = arith.constant 7 : i32
    %shift_right_arithmetic3A_337 = arith.shrsi %reduce_sum3A_335, %shift_right_arithmetic3A_336 : i32
    %mul3A_338 = arith.constant 128 : i32
    %mul3A_339 = arith.muli %shift_right_arithmetic3A_337, %mul3A_338 : i32
    %multiple_of3A_340 = tpu.assume_multiple %mul3A_339, 128 : i32
    %get3A_341 = arith.constant 0 : index
    %get3A_342 = tpu.vector_load %arg8[%get3A_341] {strides = array<i32>} : memref<512xi32, #tpu.memory_space<vmem>>, vector<16xi32>,
    %eq3A_343 = arith.constant 5 : i32
    %eq3A_344 = vector.broadcast %eq3A_343 : i32 to vector<16xi32>
    %eq3A_345 = arith.cmpi eq, %iota3A, %eq3A_344 : vector<16xi32>
    %jit3A_346 = arith.constant 0 : i32
    %broadcast_in_dim3A_347 = vector.broadcast %jit3A_346 : i32 to vector<16xi32>
    %select_n3A_348 = arith.select %eq3A_345, %get3A_342, %broadcast_in_dim3A_347 : vector<16xi1>, vector<16xi32>
    %reduce_sum3A_349 = arith.constant true
    %reduce_sum3A_350 = vector.broadcast %reduce_sum3A_349 : i1 to vector<16xi1>
    %reduce_sum3A_351 = tpu.scan <sum>, %select_n3A_348 masked %reduce_sum3A_350 : vector<16xi32>, vector<16xi1> -> vector<16xi32>
    %reduce_sum3A_352 = vector.extract %reduce_sum3A_351[15] : i32 from vector<16xi32>
    %shift_right_arithmetic3A_353 = arith.constant 7 : i32
    %shift_right_arithmetic3A_354 = arith.shrsi %reduce_sum3A_352, %shift_right_arithmetic3A_353 : i32
    %mul3A_355 = arith.constant 128 : i32
    %mul3A_356 = arith.muli %shift_right_arithmetic3A_354, %mul3A_355 : i32
    %multiple_of3A_357 = tpu.assume_multiple %mul3A_356, 128 : i32
    %dma_start3A_358 = arith.constant 5 : i32
    %dma_start3A_359 = arith.constant 5 : i32
    %dma_start3A_360 = arith.constant 0 : i32
    %dma_start3A_361 = arith.constant 0 : i32
    %dma_start3A_362 = tpu.memref_slice %arg9[%dma_start3A_358, %dma_start3A_360, %dma_start3A_361] : memref<8x32x128xf32, #tpu.memory_space<vmem>> -> memref<1x32x128xf32, #tpu.memory_space<vmem>>
    %dma_start3A_363 = tpu.memref_squeeze %dma_start3A_362 : memref<1x32x128xf32, #tpu.memory_space<vmem>> -> memref<32x128xf32, #tpu.memory_space<vmem>>
    %dma_start3A_364 = arith.constant 0 : i32
    %dma_start3A_365 = tpu.memref_slice %arg4[%dma_start3A_364, %multiple_of3A_340] : memref<32x1000000xf32, #tpu.memory_space<hbm>> -> memref<32x128xf32, #tpu.memory_space<hbm>>
    %dma_start3A_366 = tpu.memref_slice %arg12[%dma_start3A_359] : memref<8x!tpu.dma_semaphore, #tpu.memory_space<semaphore_mem>> -> memref<1x!tpu.dma_semaphore, #tpu.memory_space<semaphore_mem>>
    %dma_start3A_367 = tpu.memref_squeeze %dma_start3A_366 : memref<1x!tpu.dma_semaphore, #tpu.memory_space<semaphore_mem>> -> memref<!tpu.dma_semaphore, #tpu.memory_space<semaphore_mem>>
    %dma_start3A_368 = arith.constant 0 : i32
    %dma_start3A_369 = arith.constant 0 : i32
    %dma_start3A_370 = tpu.memref_slice %arg9[%dma_start3A_358, %dma_start3A_368, %dma_start3A_369] : memref<8x32x128xf32, #tpu.memory_space<vmem>> -> memref<1x32x128xf32, #tpu.memory_space<vmem>>
    %dma_start3A_371 = tpu.memref_squeeze %dma_start3A_370 : memref<1x32x128xf32, #tpu.memory_space<vmem>> -> memref<32x128xf32, #tpu.memory_space<vmem>>
    %dma_start3A_372 = arith.constant 0 : i32
    %dma_start3A_373 = tpu.memref_slice %arg4[%dma_start3A_372, %multiple_of3A_340] : memref<32x1000000xf32, #tpu.memory_space<hbm>> -> memref<32x128xf32, #tpu.memory_space<hbm>>
    tpu.enqueue_dma source(%dma_start3A_373 : memref<32x128xf32, #tpu.memory_space<hbm>>) target(%dma_start3A_371 : memref<32x128xf32, #tpu.memory_space<vmem>>) target_semaphore(%dma_start3A_367 : memref<!tpu.dma_semaphore, #tpu.memory_space<semaphore_mem>>)
    %dma_start3A_374 = arith.constant 5 : i32
    %dma_start3A_375 = arith.constant 5 : i32
    %dma_start3A_376 = arith.constant 0 : i32
    %dma_start3A_377 = arith.constant 0 : i32
    %dma_start3A_378 = tpu.memref_slice %arg10[%dma_start3A_374, %dma_start3A_376, %dma_start3A_377] : memref<8x32x128xf32, #tpu.memory_space<vmem>> -> memref<1x32x128xf32, #tpu.memory_space<vmem>>
    %dma_start3A_379 = tpu.memref_squeeze %dma_start3A_378 : memref<1x32x128xf32, #tpu.memory_space<vmem>> -> memref<32x128xf32, #tpu.memory_space<vmem>>
    %dma_start3A_380 = arith.constant 0 : i32
    %dma_start3A_381 = tpu.memref_slice %arg5[%dma_start3A_380, %multiple_of3A_357] : memref<32x1000000xf32, #tpu.memory_space<hbm>> -> memref<32x128xf32, #tpu.memory_space<hbm>>
    %dma_start3A_382 = tpu.memref_slice %arg13[%dma_start3A_375] : memref<8x!tpu.dma_semaphore, #tpu.memory_space<semaphore_mem>> -> memref<1x!tpu.dma_semaphore, #tpu.memory_space<semaphore_mem>>
    %dma_start3A_383 = tpu.memref_squeeze %dma_start3A_382 : memref<1x!tpu.dma_semaphore, #tpu.memory_space<semaphore_mem>> -> memref<!tpu.dma_semaphore, #tpu.memory_space<semaphore_mem>>
    %dma_start3A_384 = arith.constant 0 : i32
    %dma_start3A_385 = arith.constant 0 : i32
    %dma_start3A_386 = tpu.memref_slice %arg10[%dma_start3A_374, %dma_start3A_384, %dma_start3A_385] : memref<8x32x128xf32, #tpu.memory_space<vmem>> -> memref<1x32x128xf32, #tpu.memory_space<vmem>>
    %dma_start3A_387 = tpu.memref_squeeze %dma_start3A_386 : memref<1x32x128xf32, #tpu.memory_space<vmem>> -> memref<32x128xf32, #tpu.memory_space<vmem>>
    %dma_start3A_388 = arith.constant 0 : i32
    %dma_start3A_389 = tpu.memref_slice %arg5[%dma_start3A_388, %multiple_of3A_357] : memref<32x1000000xf32, #tpu.memory_space<hbm>> -> memref<32x128xf32, #tpu.memory_space<hbm>>
    tpu.enqueue_dma source(%dma_start3A_389 : memref<32x128xf32, #tpu.memory_space<hbm>>) target(%dma_start3A_387 : memref<32x128xf32, #tpu.memory_space<vmem>>) target_semaphore(%dma_start3A_383 : memref<!tpu.dma_semaphore, #tpu.memory_space<semaphore_mem>>)
    %get3A_390 = arith.constant 0 : index
    %get3A_391 = tpu.vector_load %arg7[%get3A_390] {strides = array<i32>} : memref<512xi32, #tpu.memory_space<vmem>>, vector<16xi32>,
    %eq3A_392 = arith.constant 6 : i32
    %eq3A_393 = vector.broadcast %eq3A_392 : i32 to vector<16xi32>
    %eq3A_394 = arith.cmpi eq, %iota3A, %eq3A_393 : vector<16xi32>
    %jit3A_395 = arith.constant 0 : i32
    %broadcast_in_dim3A_396 = vector.broadcast %jit3A_395 : i32 to vector<16xi32>
    %select_n3A_397 = arith.select %eq3A_394, %get3A_391, %broadcast_in_dim3A_396 : vector<16xi1>, vector<16xi32>
    %reduce_sum3A_398 = arith.constant true
    %reduce_sum3A_399 = vector.broadcast %reduce_sum3A_398 : i1 to vector<16xi1>
    %reduce_sum3A_400 = tpu.scan <sum>, %select_n3A_397 masked %reduce_sum3A_399 : vector<16xi32>, vector<16xi1> -> vector<16xi32>
    %reduce_sum3A_401 = vector.extract %reduce_sum3A_400[15] : i32 from vector<16xi32>
    %shift_right_arithmetic3A_402 = arith.constant 7 : i32
    %shift_right_arithmetic3A_403 = arith.shrsi %reduce_sum3A_401, %shift_right_arithmetic3A_402 : i32
    %mul3A_404 = arith.constant 128 : i32
    %mul3A_405 = arith.muli %shift_right_arithmetic3A_403, %mul3A_404 : i32
    %multiple_of3A_406 = tpu.assume_multiple %mul3A_405, 128 : i32
    %get3A_407 = arith.constant 0 : index
    %get3A_408 = tpu.vector_load %arg8[%get3A_407] {strides = array<i32>} : memref<512xi32, #tpu.memory_space<vmem>>, vector<16xi32>,
    %eq3A_409 = arith.constant 6 : i32
    %eq3A_410 = vector.broadcast %eq3A_409 : i32 to vector<16xi32>
    %eq3A_411 = arith.cmpi eq, %iota3A, %eq3A_410 : vector<16xi32>
    %jit3A_412 = arith.constant 0 : i32
    %broadcast_in_dim3A_413 = vector.broadcast %jit3A_412 : i32 to vector<16xi32>
    %select_n3A_414 = arith.select %eq3A_411, %get3A_408, %broadcast_in_dim3A_413 : vector<16xi1>, vector<16xi32>
    %reduce_sum3A_415 = arith.constant true
    %reduce_sum3A_416 = vector.broadcast %reduce_sum3A_415 : i1 to vector<16xi1>
    %reduce_sum3A_417 = tpu.scan <sum>, %select_n3A_414 masked %reduce_sum3A_416 : vector<16xi32>, vector<16xi1> -> vector<16xi32>
    %reduce_sum3A_418 = vector.extract %reduce_sum3A_417[15] : i32 from vector<16xi32>
    %shift_right_arithmetic3A_419 = arith.constant 7 : i32
    %shift_right_arithmetic3A_420 = arith.shrsi %reduce_sum3A_418, %shift_right_arithmetic3A_419 : i32
    %mul3A_421 = arith.constant 128 : i32
    %mul3A_422 = arith.muli %shift_right_arithmetic3A_420, %mul3A_421 : i32
    %multiple_of3A_423 = tpu.assume_multiple %mul3A_422, 128 : i32
    %dma_start3A_424 = arith.constant 6 : i32
    %dma_start3A_425 = arith.constant 6 : i32
    %dma_start3A_426 = arith.constant 0 : i32
    %dma_start3A_427 = arith.constant 0 : i32
    %dma_start3A_428 = tpu.memref_slice %arg9[%dma_start3A_424, %dma_start3A_426, %dma_start3A_427] : memref<8x32x128xf32, #tpu.memory_space<vmem>> -> memref<1x32x128xf32, #tpu.memory_space<vmem>>
    %dma_start3A_429 = tpu.memref_squeeze %dma_start3A_428 : memref<1x32x128xf32, #tpu.memory_space<vmem>> -> memref<32x128xf32, #tpu.memory_space<vmem>>
    %dma_start3A_430 = arith.constant 0 : i32
    %dma_start3A_431 = tpu.memref_slice %arg4[%dma_start3A_430, %multiple_of3A_406] : memref<32x1000000xf32, #tpu.memory_space<hbm>> -> memref<32x128xf32, #tpu.memory_space<hbm>>
    %dma_start3A_432 = tpu.memref_slice %arg12[%dma_start3A_425] : memref<8x!tpu.dma_semaphore, #tpu.memory_space<semaphore_mem>> -> memref<1x!tpu.dma_semaphore, #tpu.memory_space<semaphore_mem>>
    %dma_start3A_433 = tpu.memref_squeeze %dma_start3A_432 : memref<1x!tpu.dma_semaphore, #tpu.memory_space<semaphore_mem>> -> memref<!tpu.dma_semaphore, #tpu.memory_space<semaphore_mem>>
    %dma_start3A_434 = arith.constant 0 : i32
    %dma_start3A_435 = arith.constant 0 : i32
    %dma_start3A_436 = tpu.memref_slice %arg9[%dma_start3A_424, %dma_start3A_434, %dma_start3A_435] : memref<8x32x128xf32, #tpu.memory_space<vmem>> -> memref<1x32x128xf32, #tpu.memory_space<vmem>>
    %dma_start3A_437 = tpu.memref_squeeze %dma_start3A_436 : memref<1x32x128xf32, #tpu.memory_space<vmem>> -> memref<32x128xf32, #tpu.memory_space<vmem>>
    %dma_start3A_438 = arith.constant 0 : i32
    %dma_start3A_439 = tpu.memref_slice %arg4[%dma_start3A_438, %multiple_of3A_406] : memref<32x1000000xf32, #tpu.memory_space<hbm>> -> memref<32x128xf32, #tpu.memory_space<hbm>>
    tpu.enqueue_dma source(%dma_start3A_439 : memref<32x128xf32, #tpu.memory_space<hbm>>) target(%dma_start3A_437 : memref<32x128xf32, #tpu.memory_space<vmem>>) target_semaphore(%dma_start3A_433 : memref<!tpu.dma_semaphore, #tpu.memory_space<semaphore_mem>>)
    %dma_start3A_440 = arith.constant 6 : i32
    %dma_start3A_441 = arith.constant 6 : i32
    %dma_start3A_442 = arith.constant 0 : i32
    %dma_start3A_443 = arith.constant 0 : i32
    %dma_start3A_444 = tpu.memref_slice %arg10[%dma_start3A_440, %dma_start3A_442, %dma_start3A_443] : memref<8x32x128xf32, #tpu.memory_space<vmem>> -> memref<1x32x128xf32, #tpu.memory_space<vmem>>
    %dma_start3A_445 = tpu.memref_squeeze %dma_start3A_444 : memref<1x32x128xf32, #tpu.memory_space<vmem>> -> memref<32x128xf32, #tpu.memory_space<vmem>>
    %dma_start3A_446 = arith.constant 0 : i32
    %dma_start3A_447 = tpu.memref_slice %arg5[%dma_start3A_446, %multiple_of3A_423] : memref<32x1000000xf32, #tpu.memory_space<hbm>> -> memref<32x128xf32, #tpu.memory_space<hbm>>
    %dma_start3A_448 = tpu.memref_slice %arg13[%dma_start3A_441] : memref<8x!tpu.dma_semaphore, #tpu.memory_space<semaphore_mem>> -> memref<1x!tpu.dma_semaphore, #tpu.memory_space<semaphore_mem>>
    %dma_start3A_449 = tpu.memref_squeeze %dma_start3A_448 : memref<1x!tpu.dma_semaphore, #tpu.memory_space<semaphore_mem>> -> memref<!tpu.dma_semaphore, #tpu.memory_space<semaphore_mem>>
    %dma_start3A_450 = arith.constant 0 : i32
    %dma_start3A_451 = arith.constant 0 : i32
    %dma_start3A_452 = tpu.memref_slice %arg10[%dma_start3A_440, %dma_start3A_450, %dma_start3A_451] : memref<8x32x128xf32, #tpu.memory_space<vmem>> -> memref<1x32x128xf32, #tpu.memory_space<vmem>>
    %dma_start3A_453 = tpu.memref_squeeze %dma_start3A_452 : memref<1x32x128xf32, #tpu.memory_space<vmem>> -> memref<32x128xf32, #tpu.memory_space<vmem>>
    %dma_start3A_454 = arith.constant 0 : i32
    %dma_start3A_455 = tpu.memref_slice %arg5[%dma_start3A_454, %multiple_of3A_423] : memref<32x1000000xf32, #tpu.memory_space<hbm>> -> memref<32x128xf32, #tpu.memory_space<hbm>>
    tpu.enqueue_dma source(%dma_start3A_455 : memref<32x128xf32, #tpu.memory_space<hbm>>) target(%dma_start3A_453 : memref<32x128xf32, #tpu.memory_space<vmem>>) target_semaphore(%dma_start3A_449 : memref<!tpu.dma_semaphore, #tpu.memory_space<semaphore_mem>>)
    %get3A_456 = arith.constant 0 : index
    %get3A_457 = tpu.vector_load %arg7[%get3A_456] {strides = array<i32>} : memref<512xi32, #tpu.memory_space<vmem>>, vector<16xi32>,
    %eq3A_458 = arith.constant 7 : i32
    %eq3A_459 = vector.broadcast %eq3A_458 : i32 to vector<16xi32>
    %eq3A_460 = arith.cmpi eq, %iota3A, %eq3A_459 : vector<16xi32>
    %jit3A_461 = arith.constant 0 : i32
    %broadcast_in_dim3A_462 = vector.broadcast %jit3A_461 : i32 to vector<16xi32>
    %select_n3A_463 = arith.select %eq3A_460, %get3A_457, %broadcast_in_dim3A_462 : vector<16xi1>, vector<16xi32>
    %reduce_sum3A_464 = arith.constant true
    %reduce_sum3A_465 = vector.broadcast %reduce_sum3A_464 : i1 to vector<16xi1>
    %reduce_sum3A_466 = tpu.scan <sum>, %select_n3A_463 masked %reduce_sum3A_465 : vector<16xi32>, vector<16xi1> -> vector<16xi32>
    %reduce_sum3A_467 = vector.extract %reduce_sum3A_466[15] : i32 from vector<16xi32>
    %shift_right_arithmetic3A_468 = arith.constant 7 : i32
    %shift_right_arithmetic3A_469 = arith.shrsi %reduce_sum3A_467, %shift_right_arithmetic3A_468 : i32
    %mul3A_470 = arith.constant 128 : i32
    %mul3A_471 = arith.muli %shift_right_arithmetic3A_469, %mul3A_470 : i32
    %multiple_of3A_472 = tpu.assume_multiple %mul3A_471, 128 : i32
    %get3A_473 = arith.constant 0 : index
    %get3A_474 = tpu.vector_load %arg8[%get3A_473] {strides = array<i32>} : memref<512xi32, #tpu.memory_space<vmem>>, vector<16xi32>,
    %eq3A_475 = arith.constant 7 : i32
    %eq3A_476 = vector.broadcast %eq3A_475 : i32 to vector<16xi32>
    %eq3A_477 = arith.cmpi eq, %iota3A, %eq3A_476 : vector<16xi32>
    %jit3A_478 = arith.constant 0 : i32
    %broadcast_in_dim3A_479 = vector.broadcast %jit3A_478 : i32 to vector<16xi32>
    %select_n3A_480 = arith.select %eq3A_477, %get3A_474, %broadcast_in_dim3A_479 : vector<16xi1>, vector<16xi32>
    %reduce_sum3A_481 = arith.constant true
    %reduce_sum3A_482 = vector.broadcast %reduce_sum3A_481 : i1 to vector<16xi1>
    %reduce_sum3A_483 = tpu.scan <sum>, %select_n3A_480 masked %reduce_sum3A_482 : vector<16xi32>, vector<16xi1> -> vector<16xi32>
    %reduce_sum3A_484 = vector.extract %reduce_sum3A_483[15] : i32 from vector<16xi32>
    %shift_right_arithmetic3A_485 = arith.constant 7 : i32
    %shift_right_arithmetic3A_486 = arith.shrsi %reduce_sum3A_484, %shift_right_arithmetic3A_485 : i32
    %mul3A_487 = arith.constant 128 : i32
    %mul3A_488 = arith.muli %shift_right_arithmetic3A_486, %mul3A_487 : i32
    %multiple_of3A_489 = tpu.assume_multiple %mul3A_488, 128 : i32
    %dma_start3A_490 = arith.constant 7 : i32
    %dma_start3A_491 = arith.constant 7 : i32
    %dma_start3A_492 = arith.constant 0 : i32
    %dma_start3A_493 = arith.constant 0 : i32
    %dma_start3A_494 = tpu.memref_slice %arg9[%dma_start3A_490, %dma_start3A_492, %dma_start3A_493] : memref<8x32x128xf32, #tpu.memory_space<vmem>> -> memref<1x32x128xf32, #tpu.memory_space<vmem>>
    %dma_start3A_495 = tpu.memref_squeeze %dma_start3A_494 : memref<1x32x128xf32, #tpu.memory_space<vmem>> -> memref<32x128xf32, #tpu.memory_space<vmem>>
    %dma_start3A_496 = arith.constant 0 : i32
    %dma_start3A_497 = tpu.memref_slice %arg4[%dma_start3A_496, %multiple_of3A_472] : memref<32x1000000xf32, #tpu.memory_space<hbm>> -> memref<32x128xf32, #tpu.memory_space<hbm>>
    %dma_start3A_498 = tpu.memref_slice %arg12[%dma_start3A_491] : memref<8x!tpu.dma_semaphore, #tpu.memory_space<semaphore_mem>> -> memref<1x!tpu.dma_semaphore, #tpu.memory_space<semaphore_mem>>
    %dma_start3A_499 = tpu.memref_squeeze %dma_start3A_498 : memref<1x!tpu.dma_semaphore, #tpu.memory_space<semaphore_mem>> -> memref<!tpu.dma_semaphore, #tpu.memory_space<semaphore_mem>>
    %dma_start3A_500 = arith.constant 0 : i32
    %dma_start3A_501 = arith.constant 0 : i32
    %dma_start3A_502 = tpu.memref_slice %arg9[%dma_start3A_490, %dma_start3A_500, %dma_start3A_501] : memref<8x32x128xf32, #tpu.memory_space<vmem>> -> memref<1x32x128xf32, #tpu.memory_space<vmem>>
    %dma_start3A_503 = tpu.memref_squeeze %dma_start3A_502 : memref<1x32x128xf32, #tpu.memory_space<vmem>> -> memref<32x128xf32, #tpu.memory_space<vmem>>
    %dma_start3A_504 = arith.constant 0 : i32
    %dma_start3A_505 = tpu.memref_slice %arg4[%dma_start3A_504, %multiple_of3A_472] : memref<32x1000000xf32, #tpu.memory_space<hbm>> -> memref<32x128xf32, #tpu.memory_space<hbm>>
    tpu.enqueue_dma source(%dma_start3A_505 : memref<32x128xf32, #tpu.memory_space<hbm>>) target(%dma_start3A_503 : memref<32x128xf32, #tpu.memory_space<vmem>>) target_semaphore(%dma_start3A_499 : memref<!tpu.dma_semaphore, #tpu.memory_space<semaphore_mem>>)
    %dma_start3A_506 = arith.constant 7 : i32
    %dma_start3A_507 = arith.constant 7 : i32
    %dma_start3A_508 = arith.constant 0 : i32
    %dma_start3A_509 = arith.constant 0 : i32
    %dma_start3A_510 = tpu.memref_slice %arg10[%dma_start3A_506, %dma_start3A_508, %dma_start3A_509] : memref<8x32x128xf32, #tpu.memory_space<vmem>> -> memref<1x32x128xf32, #tpu.memory_space<vmem>>
    %dma_start3A_511 = tpu.memref_squeeze %dma_start3A_510 : memref<1x32x128xf32, #tpu.memory_space<vmem>> -> memref<32x128xf32, #tpu.memory_space<vmem>>
    %dma_start3A_512 = arith.constant 0 : i32
    %dma_start3A_513 = tpu.memref_slice %arg5[%dma_start3A_512, %multiple_of3A_489] : memref<32x1000000xf32, #tpu.memory_space<hbm>> -> memref<32x128xf32, #tpu.memory_space<hbm>>
    %dma_start3A_514 = tpu.memref_slice %arg13[%dma_start3A_507] : memref<8x!tpu.dma_semaphore, #tpu.memory_space<semaphore_mem>> -> memref<1x!tpu.dma_semaphore, #tpu.memory_space<semaphore_mem>>
    %dma_start3A_515 = tpu.memref_squeeze %dma_start3A_514 : memref<1x!tpu.dma_semaphore, #tpu.memory_space<semaphore_mem>> -> memref<!tpu.dma_semaphore, #tpu.memory_space<semaphore_mem>>
    %dma_start3A_516 = arith.constant 0 : i32
    %dma_start3A_517 = arith.constant 0 : i32
    %dma_start3A_518 = tpu.memref_slice %arg10[%dma_start3A_506, %dma_start3A_516, %dma_start3A_517] : memref<8x32x128xf32, #tpu.memory_space<vmem>> -> memref<1x32x128xf32, #tpu.memory_space<vmem>>
    %dma_start3A_519 = tpu.memref_squeeze %dma_start3A_518 : memref<1x32x128xf32, #tpu.memory_space<vmem>> -> memref<32x128xf32, #tpu.memory_space<vmem>>
    %dma_start3A_520 = arith.constant 0 : i32
    %dma_start3A_521 = tpu.memref_slice %arg5[%dma_start3A_520, %multiple_of3A_489] : memref<32x1000000xf32, #tpu.memory_space<hbm>> -> memref<32x128xf32, #tpu.memory_space<hbm>>
    tpu.enqueue_dma source(%dma_start3A_521 : memref<32x128xf32, #tpu.memory_space<hbm>>) target(%dma_start3A_519 : memref<32x128xf32, #tpu.memory_space<vmem>>) target_semaphore(%dma_start3A_515 : memref<!tpu.dma_semaphore, #tpu.memory_space<semaphore_mem>>)
    %add3A_522 = arith.constant 16 : i32
    %add3A_523 = vector.broadcast %add3A_522 : i32 to vector<16xi32>
    %add3A_524 = arith.addi %iota3A, %add3A_523 : vector<16xi32>
    %scan3A = arith.constant 0 : i32
    %scan3A_525 = arith.constant 0 : i32
    %scan3A_526 = arith.constant 64 : i32
    %scan3A_527 = arith.addi %scan3A_525, %scan3A_526 : i32
    %scan3A_528 = arith.constant 1 : i32
    %scan3A_529 = scf.for %scan3A_531 = %scan3A_525 to %scan3A_527 step %scan3A_528 iter_args(%scan3A_532 = %scan3A) -> (i32)  : i32 {
      %mul3A_533 = arith.constant 8 : i32
      %mul3A_534 = arith.muli %scan3A_531, %mul3A_533 : i32
      %add3A_535 = arith.constant 0 : i32
      %add3A_536 = arith.addi %mul3A_534, %add3A_535 : i32
      %dma_wait3A = arith.constant 0 : i32
      %dma_wait3A_537 = arith.constant 0 : i32
      %dma_wait3A_538 = arith.constant 0 : i32
      %dma_wait3A_539 = arith.constant 0 : i32
      %dma_wait3A_540 = tpu.memref_slice %arg9[%dma_wait3A, %dma_wait3A_538, %dma_wait3A_539] : memref<8x32x128xf32, #tpu.memory_space<vmem>> -> memref<1x32x128xf32, #tpu.memory_space<vmem>>
      %dma_wait3A_541 = tpu.memref_squeeze %dma_wait3A_540 : memref<1x32x128xf32, #tpu.memory_space<vmem>> -> memref<32x128xf32, #tpu.memory_space<vmem>>
      %dma_wait3A_542 = arith.constant 0 : i32
      %dma_wait3A_543 = arith.constant 0 : i32
      %dma_wait3A_544 = tpu.memref_slice %arg4[%dma_wait3A_542, %dma_wait3A_543] : memref<32x1000000xf32, #tpu.memory_space<hbm>> -> memref<32x128xf32, #tpu.memory_space<hbm>>
      %dma_wait3A_545 = tpu.memref_slice %arg12[%dma_wait3A_537] : memref<8x!tpu.dma_semaphore, #tpu.memory_space<semaphore_mem>> -> memref<1x!tpu.dma_semaphore, #tpu.memory_space<semaphore_mem>>
      %dma_wait3A_546 = tpu.memref_squeeze %dma_wait3A_545 : memref<1x!tpu.dma_semaphore, #tpu.memory_space<semaphore_mem>> -> memref<!tpu.dma_semaphore, #tpu.memory_space<semaphore_mem>>
      %dma_wait3A_547 = arith.constant 0 : i32
      %dma_wait3A_548 = arith.constant 0 : i32
      %dma_wait3A_549 = tpu.memref_slice %arg9[%dma_wait3A, %dma_wait3A_547, %dma_wait3A_548] : memref<8x32x128xf32, #tpu.memory_space<vmem>> -> memref<1x32x128xf32, #tpu.memory_space<vmem>>
      %dma_wait3A_550 = tpu.memref_squeeze %dma_wait3A_549 : memref<1x32x128xf32, #tpu.memory_space<vmem>> -> memref<32x128xf32, #tpu.memory_space<vmem>>
      %dma_wait3A_551 = arith.constant 0 : i32
      %dma_wait3A_552 = arith.constant 0 : i32
      %dma_wait3A_553 = tpu.memref_slice %arg4[%dma_wait3A_551, %dma_wait3A_552] : memref<32x1000000xf32, #tpu.memory_space<hbm>> -> memref<32x128xf32, #tpu.memory_space<hbm>>
      tpu.wait_dma2 semaphore(%dma_wait3A_546 : memref<!tpu.dma_semaphore, #tpu.memory_space<semaphore_mem>>) src(%dma_wait3A_553 : memref<32x128xf32, #tpu.memory_space<hbm>>) dst(%dma_wait3A_550 : memref<32x128xf32, #tpu.memory_space<vmem>>)
      %dma_wait3A_554 = arith.constant 0 : i32
      %dma_wait3A_555 = arith.constant 0 : i32
      %dma_wait3A_556 = arith.constant 0 : i32
      %dma_wait3A_557 = arith.constant 0 : i32
      %dma_wait3A_558 = tpu.memref_slice %arg10[%dma_wait3A_554, %dma_wait3A_556, %dma_wait3A_557] : memref<8x32x128xf32, #tpu.memory_space<vmem>> -> memref<1x32x128xf32, #tpu.memory_space<vmem>>
      %dma_wait3A_559 = tpu.memref_squeeze %dma_wait3A_558 : memref<1x32x128xf32, #tpu.memory_space<vmem>> -> memref<32x128xf32, #tpu.memory_space<vmem>>
      %dma_wait3A_560 = arith.constant 0 : i32
      %dma_wait3A_561 = arith.constant 0 : i32
      %dma_wait3A_562 = tpu.memref_slice %arg5[%dma_wait3A_560, %dma_wait3A_561] : memref<32x1000000xf32, #tpu.memory_space<hbm>> -> memref<32x128xf32, #tpu.memory_space<hbm>>
      %dma_wait3A_563 = tpu.memref_slice %arg13[%dma_wait3A_555] : memref<8x!tpu.dma_semaphore, #tpu.memory_space<semaphore_mem>> -> memref<1x!tpu.dma_semaphore, #tpu.memory_space<semaphore_mem>>
      %dma_wait3A_564 = tpu.memref_squeeze %dma_wait3A_563 : memref<1x!tpu.dma_semaphore, #tpu.memory_space<semaphore_mem>> -> memref<!tpu.dma_semaphore, #tpu.memory_space<semaphore_mem>>
      %dma_wait3A_565 = arith.constant 0 : i32
      %dma_wait3A_566 = arith.constant 0 : i32
      %dma_wait3A_567 = tpu.memref_slice %arg10[%dma_wait3A_554, %dma_wait3A_565, %dma_wait3A_566] : memref<8x32x128xf32, #tpu.memory_space<vmem>> -> memref<1x32x128xf32, #tpu.memory_space<vmem>>
      %dma_wait3A_568 = tpu.memref_squeeze %dma_wait3A_567 : memref<1x32x128xf32, #tpu.memory_space<vmem>> -> memref<32x128xf32, #tpu.memory_space<vmem>>
      %dma_wait3A_569 = arith.constant 0 : i32
      %dma_wait3A_570 = arith.constant 0 : i32
      %dma_wait3A_571 = tpu.memref_slice %arg5[%dma_wait3A_569, %dma_wait3A_570] : memref<32x1000000xf32, #tpu.memory_space<hbm>> -> memref<32x128xf32, #tpu.memory_space<hbm>>
      tpu.wait_dma2 semaphore(%dma_wait3A_564 : memref<!tpu.dma_semaphore, #tpu.memory_space<semaphore_mem>>) src(%dma_wait3A_571 : memref<32x128xf32, #tpu.memory_space<hbm>>) dst(%dma_wait3A_568 : memref<32x128xf32, #tpu.memory_space<vmem>>)
      %shift_right_arithmetic3A_572 = arith.constant 4 : i32
      %shift_right_arithmetic3A_573 = arith.shrsi %add3A_536, %shift_right_arithmetic3A_572 : i32
      %shift_left3A = arith.constant 4 : i32
      %shift_left3A_574 = arith.shli %shift_right_arithmetic3A_573, %shift_left3A : i32
      %get3A_575 = arith.index_cast %shift_left3A_574 : i32 to index
      %get3A_576 = tpu.vector_load %arg7[%get3A_575] {strides = array<i32>} : memref<512xi32, #tpu.memory_space<vmem>>, vector<16xi32>,
      %and3A = arith.constant 15 : i32
      %and3A_577 = arith.andi %add3A_536, %and3A : i32
      %eq3A_578 = vector.broadcast %and3A_577 : i32 to vector<16xi32>
      %eq3A_579 = arith.cmpi eq, %iota3A, %eq3A_578 : vector<16xi32>
      %jit3A_580 = arith.constant 0 : i32
      %broadcast_in_dim3A_581 = vector.broadcast %jit3A_580 : i32 to vector<16xi32>
      %select_n3A_582 = arith.select %eq3A_579, %get3A_576, %broadcast_in_dim3A_581 : vector<16xi1>, vector<16xi32>
      %reduce_sum3A_583 = arith.constant true
      %reduce_sum3A_584 = vector.broadcast %reduce_sum3A_583 : i1 to vector<16xi1>
      %reduce_sum3A_585 = tpu.scan <sum>, %select_n3A_582 masked %reduce_sum3A_584 : vector<16xi32>, vector<16xi1> -> vector<16xi32>
      %reduce_sum3A_586 = vector.extract %reduce_sum3A_585[15] : i32 from vector<16xi32>
      %and3A_587 = arith.constant 127 : i32
      %and3A_588 = arith.andi %reduce_sum3A_586, %and3A_587 : i32
      %broadcast_in_dim3A_589 = vector.broadcast %and3A_588 : i32 to vector<16xi32>
      %shift_right_arithmetic3A_590 = arith.constant 4 : i32
      %shift_right_arithmetic3A_591 = arith.shrsi %add3A_536, %shift_right_arithmetic3A_590 : i32
      %shift_left3A_592 = arith.constant 4 : i32
      %shift_left3A_593 = arith.shli %shift_right_arithmetic3A_591, %shift_left3A_592 : i32
      %get3A_594 = arith.index_cast %shift_left3A_593 : i32 to index
      %get3A_595 = tpu.vector_load %arg8[%get3A_594] {strides = array<i32>} : memref<512xi32, #tpu.memory_space<vmem>>, vector<16xi32>,
      %and3A_596 = arith.constant 15 : i32
      %and3A_597 = arith.andi %add3A_536, %and3A_596 : i32
      %eq3A_598 = vector.broadcast %and3A_597 : i32 to vector<16xi32>
      %eq3A_599 = arith.cmpi eq, %iota3A, %eq3A_598 : vector<16xi32>
      %jit3A_600 = arith.constant 0 : i32
      %broadcast_in_dim3A_601 = vector.broadcast %jit3A_600 : i32 to vector<16xi32>
      %select_n3A_602 = arith.select %eq3A_599, %get3A_595, %broadcast_in_dim3A_601 : vector<16xi1>, vector<16xi32>
      %reduce_sum3A_603 = arith.constant true
      %reduce_sum3A_604 = vector.broadcast %reduce_sum3A_603 : i1 to vector<16xi1>
      %reduce_sum3A_605 = tpu.scan <sum>, %select_n3A_602 masked %reduce_sum3A_604 : vector<16xi32>, vector<16xi1> -> vector<16xi32>
      %reduce_sum3A_606 = vector.extract %reduce_sum3A_605[15] : i32 from vector<16xi32>
      %and3A_607 = arith.constant 127 : i32
      %and3A_608 = arith.andi %reduce_sum3A_606, %and3A_607 : i32
      %broadcast_in_dim3A_609 = vector.broadcast %and3A_608 : i32 to vector<16xi32>
      %broadcast_in_dim3A_610 = arith.constant 0 : i32
      %broadcast_in_dim3A_611 = vector.broadcast %broadcast_in_dim3A_610 : i32 to vector<16xi32>
      %gather3A = tpu.vector_load_idx %arg9[%broadcast_in_dim3A_611, %iota3A, %broadcast_in_dim3A_589] : memref<8x32x128xf32, #tpu.memory_space<vmem>>[vector<16xi32>, vector<16xi32>, vector<16xi32>], vector<16xf32>,
      %gather3A_612 = tpu.vector_load_idx %arg9[%broadcast_in_dim3A_611, %add3A_524, %broadcast_in_dim3A_589] : memref<8x32x128xf32, #tpu.memory_space<vmem>>[vector<16xi32>, vector<16xi32>, vector<16xi32>], vector<16xf32>,
      %gather3A_613 = tpu.vector_load_idx %arg10[%broadcast_in_dim3A_611, %iota3A, %broadcast_in_dim3A_609] : memref<8x32x128xf32, #tpu.memory_space<vmem>>[vector<16xi32>, vector<16xi32>, vector<16xi32>], vector<16xf32>,
      %gather3A_614 = tpu.vector_load_idx %arg10[%broadcast_in_dim3A_611, %add3A_524, %broadcast_in_dim3A_609] : memref<8x32x128xf32, #tpu.memory_space<vmem>>[vector<16xi32>, vector<16xi32>, vector<16xi32>], vector<16xf32>,
      %add3A_615 = arith.constant 8 : i32
      %add3A_616 = arith.addi %add3A_536, %add3A_615 : i32
      %lt3A = arith.constant 512 : i32
      %lt3A_617 = arith.cmpi slt, %add3A_616, %lt3A : i32
      %convert_element_type3A = arith.extui %lt3A_617 : i1 to i32
      %cond3A = arith.constant 0 : i32
      %cond3A_618 = arith.cmpi ne, %convert_element_type3A, %cond3A : i32
      scf.if %cond3A_618 {
        %shift_right_arithmetic3A_1367 = arith.constant 4 : i32
        %shift_right_arithmetic3A_1368 = arith.shrsi %add3A_616, %shift_right_arithmetic3A_1367 : i32
        %shift_left3A_1369 = arith.constant 4 : i32
        %shift_left3A_1370 = arith.shli %shift_right_arithmetic3A_1368, %shift_left3A_1369 : i32
        %get3A_1371 = arith.index_cast %shift_left3A_1370 : i32 to index
        %get3A_1372 = tpu.vector_load %arg7[%get3A_1371] {strides = array<i32>} : memref<512xi32, #tpu.memory_space<vmem>>, vector<16xi32>,
        %and3A_1373 = arith.constant 15 : i32
        %and3A_1374 = arith.andi %add3A_616, %and3A_1373 : i32
        %eq3A_1375 = vector.broadcast %and3A_1374 : i32 to vector<16xi32>
        %eq3A_1376 = arith.cmpi eq, %iota3A, %eq3A_1375 : vector<16xi32>
        %jit3A_1377 = arith.constant 0 : i32
        %broadcast_in_dim3A_1378 = vector.broadcast %jit3A_1377 : i32 to vector<16xi32>
        %select_n3A_1379 = arith.select %eq3A_1376, %get3A_1372, %broadcast_in_dim3A_1378 : vector<16xi1>, vector<16xi32>
        %reduce_sum3A_1380 = arith.constant true
        %reduce_sum3A_1381 = vector.broadcast %reduce_sum3A_1380 : i1 to vector<16xi1>
        %reduce_sum3A_1382 = tpu.scan <sum>, %select_n3A_1379 masked %reduce_sum3A_1381 : vector<16xi32>, vector<16xi1> -> vector<16xi32>
        %reduce_sum3A_1383 = vector.extract %reduce_sum3A_1382[15] : i32 from vector<16xi32>
        %shift_right_arithmetic3A_1384 = arith.constant 7 : i32
        %shift_right_arithmetic3A_1385 = arith.shrsi %reduce_sum3A_1383, %shift_right_arithmetic3A_1384 : i32
        %mul3A_1386 = arith.constant 128 : i32
        %mul3A_1387 = arith.muli %shift_right_arithmetic3A_1385, %mul3A_1386 : i32
        %multiple_of3A_1388 = tpu.assume_multiple %mul3A_1387, 128 : i32
        %shift_right_arithmetic3A_1389 = arith.constant 4 : i32
        %shift_right_arithmetic3A_1390 = arith.shrsi %add3A_616, %shift_right_arithmetic3A_1389 : i32
        %shift_left3A_1391 = arith.constant 4 : i32
        %shift_left3A_1392 = arith.shli %shift_right_arithmetic3A_1390, %shift_left3A_1391 : i32
        %get3A_1393 = arith.index_cast %shift_left3A_1392 : i32 to index
        %get3A_1394 = tpu.vector_load %arg8[%get3A_1393] {strides = array<i32>} : memref<512xi32, #tpu.memory_space<vmem>>, vector<16xi32>,
        %and3A_1395 = arith.constant 15 : i32
        %and3A_1396 = arith.andi %add3A_616, %and3A_1395 : i32
        %eq3A_1397 = vector.broadcast %and3A_1396 : i32 to vector<16xi32>
        %eq3A_1398 = arith.cmpi eq, %iota3A, %eq3A_1397 : vector<16xi32>
        %jit3A_1399 = arith.constant 0 : i32
        %broadcast_in_dim3A_1400 = vector.broadcast %jit3A_1399 : i32 to vector<16xi32>
        %select_n3A_1401 = arith.select %eq3A_1398, %get3A_1394, %broadcast_in_dim3A_1400 : vector<16xi1>, vector<16xi32>
        %reduce_sum3A_1402 = arith.constant true
        %reduce_sum3A_1403 = vector.broadcast %reduce_sum3A_1402 : i1 to vector<16xi1>
        %reduce_sum3A_1404 = tpu.scan <sum>, %select_n3A_1401 masked %reduce_sum3A_1403 : vector<16xi32>, vector<16xi1> -> vector<16xi32>
        %reduce_sum3A_1405 = vector.extract %reduce_sum3A_1404[15] : i32 from vector<16xi32>
        %shift_right_arithmetic3A_1406 = arith.constant 7 : i32
        %shift_right_arithmetic3A_1407 = arith.shrsi %reduce_sum3A_1405, %shift_right_arithmetic3A_1406 : i32
        %mul3A_1408 = arith.constant 128 : i32
        %mul3A_1409 = arith.muli %shift_right_arithmetic3A_1407, %mul3A_1408 : i32
        %multiple_of3A_1410 = tpu.assume_multiple %mul3A_1409, 128 : i32
        %dma_start3A_1411 = arith.constant 0 : i32
        %dma_start3A_1412 = arith.constant 0 : i32
        %dma_start3A_1413 = arith.constant 0 : i32
        %dma_start3A_1414 = arith.constant 0 : i32
        %dma_start3A_1415 = tpu.memref_slice %arg9[%dma_start3A_1411, %dma_start3A_1413, %dma_start3A_1414] : memref<8x32x128xf32, #tpu.memory_space<vmem>> -> memref<1x32x128xf32, #tpu.memory_space<vmem>>
        %dma_start3A_1416 = tpu.memref_squeeze %dma_start3A_1415 : memref<1x32x128xf32, #tpu.memory_space<vmem>> -> memref<32x128xf32, #tpu.memory_space<vmem>>
        %dma_start3A_1417 = arith.constant 0 : i32
        %dma_start3A_1418 = tpu.memref_slice %arg4[%dma_start3A_1417, %multiple_of3A_1388] : memref<32x1000000xf32, #tpu.memory_space<hbm>> -> memref<32x128xf32, #tpu.memory_space<hbm>>
        %dma_start3A_1419 = tpu.memref_slice %arg12[%dma_start3A_1412] : memref<8x!tpu.dma_semaphore, #tpu.memory_space<semaphore_mem>> -> memref<1x!tpu.dma_semaphore, #tpu.memory_space<semaphore_mem>>
        %dma_start3A_1420 = tpu.memref_squeeze %dma_start3A_1419 : memref<1x!tpu.dma_semaphore, #tpu.memory_space<semaphore_mem>> -> memref<!tpu.dma_semaphore, #tpu.memory_space<semaphore_mem>>
        %dma_start3A_1421 = arith.constant 0 : i32
        %dma_start3A_1422 = arith.constant 0 : i32
        %dma_start3A_1423 = tpu.memref_slice %arg9[%dma_start3A_1411, %dma_start3A_1421, %dma_start3A_1422] : memref<8x32x128xf32, #tpu.memory_space<vmem>> -> memref<1x32x128xf32, #tpu.memory_space<vmem>>
        %dma_start3A_1424 = tpu.memref_squeeze %dma_start3A_1423 : memref<1x32x128xf32, #tpu.memory_space<vmem>> -> memref<32x128xf32, #tpu.memory_space<vmem>>
        %dma_start3A_1425 = arith.constant 0 : i32
        %dma_start3A_1426 = tpu.memref_slice %arg4[%dma_start3A_1425, %multiple_of3A_1388] : memref<32x1000000xf32, #tpu.memory_space<hbm>> -> memref<32x128xf32, #tpu.memory_space<hbm>>
        tpu.enqueue_dma source(%dma_start3A_1426 : memref<32x128xf32, #tpu.memory_space<hbm>>) target(%dma_start3A_1424 : memref<32x128xf32, #tpu.memory_space<vmem>>) target_semaphore(%dma_start3A_1420 : memref<!tpu.dma_semaphore, #tpu.memory_space<semaphore_mem>>)
        %dma_start3A_1427 = arith.constant 0 : i32
        %dma_start3A_1428 = arith.constant 0 : i32
        %dma_start3A_1429 = arith.constant 0 : i32
        %dma_start3A_1430 = arith.constant 0 : i32
        %dma_start3A_1431 = tpu.memref_slice %arg10[%dma_start3A_1427, %dma_start3A_1429, %dma_start3A_1430] : memref<8x32x128xf32, #tpu.memory_space<vmem>> -> memref<1x32x128xf32, #tpu.memory_space<vmem>>
        %dma_start3A_1432 = tpu.memref_squeeze %dma_start3A_1431 : memref<1x32x128xf32, #tpu.memory_space<vmem>> -> memref<32x128xf32, #tpu.memory_space<vmem>>
        %dma_start3A_1433 = arith.constant 0 : i32
        %dma_start3A_1434 = tpu.memref_slice %arg5[%dma_start3A_1433, %multiple_of3A_1410] : memref<32x1000000xf32, #tpu.memory_space<hbm>> -> memref<32x128xf32, #tpu.memory_space<hbm>>
        %dma_start3A_1435 = tpu.memref_slice %arg13[%dma_start3A_1428] : memref<8x!tpu.dma_semaphore, #tpu.memory_space<semaphore_mem>> -> memref<1x!tpu.dma_semaphore, #tpu.memory_space<semaphore_mem>>
        %dma_start3A_1436 = tpu.memref_squeeze %dma_start3A_1435 : memref<1x!tpu.dma_semaphore, #tpu.memory_space<semaphore_mem>> -> memref<!tpu.dma_semaphore, #tpu.memory_space<semaphore_mem>>
        %dma_start3A_1437 = arith.constant 0 : i32
        %dma_start3A_1438 = arith.constant 0 : i32
        %dma_start3A_1439 = tpu.memref_slice %arg10[%dma_start3A_1427, %dma_start3A_1437, %dma_start3A_1438] : memref<8x32x128xf32, #tpu.memory_space<vmem>> -> memref<1x32x128xf32, #tpu.memory_space<vmem>>
        %dma_start3A_1440 = tpu.memref_squeeze %dma_start3A_1439 : memref<1x32x128xf32, #tpu.memory_space<vmem>> -> memref<32x128xf32, #tpu.memory_space<vmem>>
        %dma_start3A_1441 = arith.constant 0 : i32
        %dma_start3A_1442 = tpu.memref_slice %arg5[%dma_start3A_1441, %multiple_of3A_1410] : memref<32x1000000xf32, #tpu.memory_space<hbm>> -> memref<32x128xf32, #tpu.memory_space<hbm>>
        tpu.enqueue_dma source(%dma_start3A_1442 : memref<32x128xf32, #tpu.memory_space<hbm>>) target(%dma_start3A_1440 : memref<32x128xf32, #tpu.memory_space<vmem>>) target_semaphore(%dma_start3A_1436 : memref<!tpu.dma_semaphore, #tpu.memory_space<semaphore_mem>>)
      } else {
      }
      %mul3A_619 = arith.mulf %gather3A, %gather3A_613 : vector<16xf32>
      %mul3A_620 = arith.mulf %gather3A_612, %gather3A_614 : vector<16xf32>
      %add3A_621 = arith.addf %mul3A_619, %mul3A_620 : vector<16xf32>
      %reduce_sum3A_622 = arith.constant true
      %reduce_sum3A_623 = vector.broadcast %reduce_sum3A_622 : i1 to vector<16xi1>
      %reduce_sum3A_624 = tpu.scan <sum>, %add3A_621 masked %reduce_sum3A_623 : vector<16xf32>, vector<16xi1> -> vector<16xf32>
      %reduce_sum3A_625 = vector.extract %reduce_sum3A_624[15] : f32 from vector<16xf32>
      %broadcast_in_dim3A_626 = vector.broadcast %add3A_536 : i32 to vector<16xi32>
      %broadcast_in_dim3A_627 = vector.broadcast %reduce_sum3A_625 : f32 to vector<16xf32>
      %eq3A_628 = arith.constant 0 : i32
      %eq3A_629 = vector.broadcast %eq3A_628 : i32 to vector<16xi32>
      %eq3A_630 = arith.cmpi eq, %iota3A, %eq3A_629 : vector<16xi32>
      tpu.vector_store_idx %arg11[%broadcast_in_dim3A_626], %broadcast_in_dim3A_627 masked %eq3A_630 : memref<512xf32, #tpu.memory_space<vmem>>[vector<16xi32>], vector<16xf32>, vector<16xi1>
      %mul3A_631 = arith.constant 8 : i32
      %mul3A_632 = arith.muli %scan3A_531, %mul3A_631 : i32
      %add3A_633 = arith.constant 1 : i32
      %add3A_634 = arith.addi %mul3A_632, %add3A_633 : i32
      %dma_wait3A_635 = arith.constant 1 : i32
      %dma_wait3A_636 = arith.constant 1 : i32
      %dma_wait3A_637 = arith.constant 0 : i32
      %dma_wait3A_638 = arith.constant 0 : i32
      %dma_wait3A_639 = tpu.memref_slice %arg9[%dma_wait3A_635, %dma_wait3A_637, %dma_wait3A_638] : memref<8x32x128xf32, #tpu.memory_space<vmem>> -> memref<1x32x128xf32, #tpu.memory_space<vmem>>
      %dma_wait3A_640 = tpu.memref_squeeze %dma_wait3A_639 : memref<1x32x128xf32, #tpu.memory_space<vmem>> -> memref<32x128xf32, #tpu.memory_space<vmem>>
      %dma_wait3A_641 = arith.constant 0 : i32
      %dma_wait3A_642 = arith.constant 0 : i32
      %dma_wait3A_643 = tpu.memref_slice %arg4[%dma_wait3A_641, %dma_wait3A_642] : memref<32x1000000xf32, #tpu.memory_space<hbm>> -> memref<32x128xf32, #tpu.memory_space<hbm>>
      %dma_wait3A_644 = tpu.memref_slice %arg12[%dma_wait3A_636] : memref<8x!tpu.dma_semaphore, #tpu.memory_space<semaphore_mem>> -> memref<1x!tpu.dma_semaphore, #tpu.memory_space<semaphore_mem>>
      %dma_wait3A_645 = tpu.memref_squeeze %dma_wait3A_644 : memref<1x!tpu.dma_semaphore, #tpu.memory_space<semaphore_mem>> -> memref<!tpu.dma_semaphore, #tpu.memory_space<semaphore_mem>>
      %dma_wait3A_646 = arith.constant 0 : i32
      %dma_wait3A_647 = arith.constant 0 : i32
      %dma_wait3A_648 = tpu.memref_slice %arg9[%dma_wait3A_635, %dma_wait3A_646, %dma_wait3A_647] : memref<8x32x128xf32, #tpu.memory_space<vmem>> -> memref<1x32x128xf32, #tpu.memory_space<vmem>>
      %dma_wait3A_649 = tpu.memref_squeeze %dma_wait3A_648 : memref<1x32x128xf32, #tpu.memory_space<vmem>> -> memref<32x128xf32, #tpu.memory_space<vmem>>
      %dma_wait3A_650 = arith.constant 0 : i32
      %dma_wait3A_651 = arith.constant 0 : i32
      %dma_wait3A_652 = tpu.memref_slice %arg4[%dma_wait3A_650, %dma_wait3A_651] : memref<32x1000000xf32, #tpu.memory_space<hbm>> -> memref<32x128xf32, #tpu.memory_space<hbm>>
      tpu.wait_dma2 semaphore(%dma_wait3A_645 : memref<!tpu.dma_semaphore, #tpu.memory_space<semaphore_mem>>) src(%dma_wait3A_652 : memref<32x128xf32, #tpu.memory_space<hbm>>) dst(%dma_wait3A_649 : memref<32x128xf32, #tpu.memory_space<vmem>>)
      %dma_wait3A_653 = arith.constant 1 : i32
      %dma_wait3A_654 = arith.constant 1 : i32
      %dma_wait3A_655 = arith.constant 0 : i32
      %dma_wait3A_656 = arith.constant 0 : i32
      %dma_wait3A_657 = tpu.memref_slice %arg10[%dma_wait3A_653, %dma_wait3A_655, %dma_wait3A_656] : memref<8x32x128xf32, #tpu.memory_space<vmem>> -> memref<1x32x128xf32, #tpu.memory_space<vmem>>
      %dma_wait3A_658 = tpu.memref_squeeze %dma_wait3A_657 : memref<1x32x128xf32, #tpu.memory_space<vmem>> -> memref<32x128xf32, #tpu.memory_space<vmem>>
      %dma_wait3A_659 = arith.constant 0 : i32
      %dma_wait3A_660 = arith.constant 0 : i32
      %dma_wait3A_661 = tpu.memref_slice %arg5[%dma_wait3A_659, %dma_wait3A_660] : memref<32x1000000xf32, #tpu.memory_space<hbm>> -> memref<32x128xf32, #tpu.memory_space<hbm>>
      %dma_wait3A_662 = tpu.memref_slice %arg13[%dma_wait3A_654] : memref<8x!tpu.dma_semaphore, #tpu.memory_space<semaphore_mem>> -> memref<1x!tpu.dma_semaphore, #tpu.memory_space<semaphore_mem>>
      %dma_wait3A_663 = tpu.memref_squeeze %dma_wait3A_662 : memref<1x!tpu.dma_semaphore, #tpu.memory_space<semaphore_mem>> -> memref<!tpu.dma_semaphore, #tpu.memory_space<semaphore_mem>>
      %dma_wait3A_664 = arith.constant 0 : i32
      %dma_wait3A_665 = arith.constant 0 : i32
      %dma_wait3A_666 = tpu.memref_slice %arg10[%dma_wait3A_653, %dma_wait3A_664, %dma_wait3A_665] : memref<8x32x128xf32, #tpu.memory_space<vmem>> -> memref<1x32x128xf32, #tpu.memory_space<vmem>>
      %dma_wait3A_667 = tpu.memref_squeeze %dma_wait3A_666 : memref<1x32x128xf32, #tpu.memory_space<vmem>> -> memref<32x128xf32, #tpu.memory_space<vmem>>
      %dma_wait3A_668 = arith.constant 0 : i32
      %dma_wait3A_669 = arith.constant 0 : i32
      %dma_wait3A_670 = tpu.memref_slice %arg5[%dma_wait3A_668, %dma_wait3A_669] : memref<32x1000000xf32, #tpu.memory_space<hbm>> -> memref<32x128xf32, #tpu.memory_space<hbm>>
      tpu.wait_dma2 semaphore(%dma_wait3A_663 : memref<!tpu.dma_semaphore, #tpu.memory_space<semaphore_mem>>) src(%dma_wait3A_670 : memref<32x128xf32, #tpu.memory_space<hbm>>) dst(%dma_wait3A_667 : memref<32x128xf32, #tpu.memory_space<vmem>>)
      %shift_right_arithmetic3A_671 = arith.constant 4 : i32
      %shift_right_arithmetic3A_672 = arith.shrsi %add3A_634, %shift_right_arithmetic3A_671 : i32
      %shift_left3A_673 = arith.constant 4 : i32
      %shift_left3A_674 = arith.shli %shift_right_arithmetic3A_672, %shift_left3A_673 : i32
      %get3A_675 = arith.index_cast %shift_left3A_674 : i32 to index
      %get3A_676 = tpu.vector_load %arg7[%get3A_675] {strides = array<i32>} : memref<512xi32, #tpu.memory_space<vmem>>, vector<16xi32>,
      %and3A_677 = arith.constant 15 : i32
      %and3A_678 = arith.andi %add3A_634, %and3A_677 : i32
      %eq3A_679 = vector.broadcast %and3A_678 : i32 to vector<16xi32>
      %eq3A_680 = arith.cmpi eq, %iota3A, %eq3A_679 : vector<16xi32>
      %jit3A_681 = arith.constant 0 : i32
      %broadcast_in_dim3A_682 = vector.broadcast %jit3A_681 : i32 to vector<16xi32>
      %select_n3A_683 = arith.select %eq3A_680, %get3A_676, %broadcast_in_dim3A_682 : vector<16xi1>, vector<16xi32>
      %reduce_sum3A_684 = arith.constant true
      %reduce_sum3A_685 = vector.broadcast %reduce_sum3A_684 : i1 to vector<16xi1>
      %reduce_sum3A_686 = tpu.scan <sum>, %select_n3A_683 masked %reduce_sum3A_685 : vector<16xi32>, vector<16xi1> -> vector<16xi32>
      %reduce_sum3A_687 = vector.extract %reduce_sum3A_686[15] : i32 from vector<16xi32>
      %and3A_688 = arith.constant 127 : i32
      %and3A_689 = arith.andi %reduce_sum3A_687, %and3A_688 : i32
      %broadcast_in_dim3A_690 = vector.broadcast %and3A_689 : i32 to vector<16xi32>
      %shift_right_arithmetic3A_691 = arith.constant 4 : i32
      %shift_right_arithmetic3A_692 = arith.shrsi %add3A_634, %shift_right_arithmetic3A_691 : i32
      %shift_left3A_693 = arith.constant 4 : i32
      %shift_left3A_694 = arith.shli %shift_right_arithmetic3A_692, %shift_left3A_693 : i32
      %get3A_695 = arith.index_cast %shift_left3A_694 : i32 to index
      %get3A_696 = tpu.vector_load %arg8[%get3A_695] {strides = array<i32>} : memref<512xi32, #tpu.memory_space<vmem>>, vector<16xi32>,
      %and3A_697 = arith.constant 15 : i32
      %and3A_698 = arith.andi %add3A_634, %and3A_697 : i32
      %eq3A_699 = vector.broadcast %and3A_698 : i32 to vector<16xi32>
      %eq3A_700 = arith.cmpi eq, %iota3A, %eq3A_699 : vector<16xi32>
      %jit3A_701 = arith.constant 0 : i32
      %broadcast_in_dim3A_702 = vector.broadcast %jit3A_701 : i32 to vector<16xi32>
      %select_n3A_703 = arith.select %eq3A_700, %get3A_696, %broadcast_in_dim3A_702 : vector<16xi1>, vector<16xi32>
      %reduce_sum3A_704 = arith.constant true
      %reduce_sum3A_705 = vector.broadcast %reduce_sum3A_704 : i1 to vector<16xi1>
      %reduce_sum3A_706 = tpu.scan <sum>, %select_n3A_703 masked %reduce_sum3A_705 : vector<16xi32>, vector<16xi1> -> vector<16xi32>
      %reduce_sum3A_707 = vector.extract %reduce_sum3A_706[15] : i32 from vector<16xi32>
      %and3A_708 = arith.constant 127 : i32
      %and3A_709 = arith.andi %reduce_sum3A_707, %and3A_708 : i32
      %broadcast_in_dim3A_710 = vector.broadcast %and3A_709 : i32 to vector<16xi32>
      %broadcast_in_dim3A_711 = arith.constant 1 : i32
      %broadcast_in_dim3A_712 = vector.broadcast %broadcast_in_dim3A_711 : i32 to vector<16xi32>
      %gather3A_713 = tpu.vector_load_idx %arg9[%broadcast_in_dim3A_712, %iota3A, %broadcast_in_dim3A_690] : memref<8x32x128xf32, #tpu.memory_space<vmem>>[vector<16xi32>, vector<16xi32>, vector<16xi32>], vector<16xf32>,
      %gather3A_714 = tpu.vector_load_idx %arg9[%broadcast_in_dim3A_712, %add3A_524, %broadcast_in_dim3A_690] : memref<8x32x128xf32, #tpu.memory_space<vmem>>[vector<16xi32>, vector<16xi32>, vector<16xi32>], vector<16xf32>,
      %gather3A_715 = tpu.vector_load_idx %arg10[%broadcast_in_dim3A_712, %iota3A, %broadcast_in_dim3A_710] : memref<8x32x128xf32, #tpu.memory_space<vmem>>[vector<16xi32>, vector<16xi32>, vector<16xi32>], vector<16xf32>,
      %gather3A_716 = tpu.vector_load_idx %arg10[%broadcast_in_dim3A_712, %add3A_524, %broadcast_in_dim3A_710] : memref<8x32x128xf32, #tpu.memory_space<vmem>>[vector<16xi32>, vector<16xi32>, vector<16xi32>], vector<16xf32>,
      %add3A_717 = arith.constant 8 : i32
      %add3A_718 = arith.addi %add3A_634, %add3A_717 : i32
      %lt3A_719 = arith.constant 512 : i32
      %lt3A_720 = arith.cmpi slt, %add3A_718, %lt3A_719 : i32
      %convert_element_type3A_721 = arith.extui %lt3A_720 : i1 to i32
      %cond3A_722 = arith.constant 0 : i32
      %cond3A_723 = arith.cmpi ne, %convert_element_type3A_721, %cond3A_722 : i32
      scf.if %cond3A_723 {
        %shift_right_arithmetic3A_1367 = arith.constant 4 : i32
        %shift_right_arithmetic3A_1368 = arith.shrsi %add3A_718, %shift_right_arithmetic3A_1367 : i32
        %shift_left3A_1369 = arith.constant 4 : i32
        %shift_left3A_1370 = arith.shli %shift_right_arithmetic3A_1368, %shift_left3A_1369 : i32
        %get3A_1371 = arith.index_cast %shift_left3A_1370 : i32 to index
        %get3A_1372 = tpu.vector_load %arg7[%get3A_1371] {strides = array<i32>} : memref<512xi32, #tpu.memory_space<vmem>>, vector<16xi32>,
        %and3A_1373 = arith.constant 15 : i32
        %and3A_1374 = arith.andi %add3A_718, %and3A_1373 : i32
        %eq3A_1375 = vector.broadcast %and3A_1374 : i32 to vector<16xi32>
        %eq3A_1376 = arith.cmpi eq, %iota3A, %eq3A_1375 : vector<16xi32>
        %jit3A_1377 = arith.constant 0 : i32
        %broadcast_in_dim3A_1378 = vector.broadcast %jit3A_1377 : i32 to vector<16xi32>
        %select_n3A_1379 = arith.select %eq3A_1376, %get3A_1372, %broadcast_in_dim3A_1378 : vector<16xi1>, vector<16xi32>
        %reduce_sum3A_1380 = arith.constant true
        %reduce_sum3A_1381 = vector.broadcast %reduce_sum3A_1380 : i1 to vector<16xi1>
        %reduce_sum3A_1382 = tpu.scan <sum>, %select_n3A_1379 masked %reduce_sum3A_1381 : vector<16xi32>, vector<16xi1> -> vector<16xi32>
        %reduce_sum3A_1383 = vector.extract %reduce_sum3A_1382[15] : i32 from vector<16xi32>
        %shift_right_arithmetic3A_1384 = arith.constant 7 : i32
        %shift_right_arithmetic3A_1385 = arith.shrsi %reduce_sum3A_1383, %shift_right_arithmetic3A_1384 : i32
        %mul3A_1386 = arith.constant 128 : i32
        %mul3A_1387 = arith.muli %shift_right_arithmetic3A_1385, %mul3A_1386 : i32
        %multiple_of3A_1388 = tpu.assume_multiple %mul3A_1387, 128 : i32
        %shift_right_arithmetic3A_1389 = arith.constant 4 : i32
        %shift_right_arithmetic3A_1390 = arith.shrsi %add3A_718, %shift_right_arithmetic3A_1389 : i32
        %shift_left3A_1391 = arith.constant 4 : i32
        %shift_left3A_1392 = arith.shli %shift_right_arithmetic3A_1390, %shift_left3A_1391 : i32
        %get3A_1393 = arith.index_cast %shift_left3A_1392 : i32 to index
        %get3A_1394 = tpu.vector_load %arg8[%get3A_1393] {strides = array<i32>} : memref<512xi32, #tpu.memory_space<vmem>>, vector<16xi32>,
        %and3A_1395 = arith.constant 15 : i32
        %and3A_1396 = arith.andi %add3A_718, %and3A_1395 : i32
        %eq3A_1397 = vector.broadcast %and3A_1396 : i32 to vector<16xi32>
        %eq3A_1398 = arith.cmpi eq, %iota3A, %eq3A_1397 : vector<16xi32>
        %jit3A_1399 = arith.constant 0 : i32
        %broadcast_in_dim3A_1400 = vector.broadcast %jit3A_1399 : i32 to vector<16xi32>
        %select_n3A_1401 = arith.select %eq3A_1398, %get3A_1394, %broadcast_in_dim3A_1400 : vector<16xi1>, vector<16xi32>
        %reduce_sum3A_1402 = arith.constant true
        %reduce_sum3A_1403 = vector.broadcast %reduce_sum3A_1402 : i1 to vector<16xi1>
        %reduce_sum3A_1404 = tpu.scan <sum>, %select_n3A_1401 masked %reduce_sum3A_1403 : vector<16xi32>, vector<16xi1> -> vector<16xi32>
        %reduce_sum3A_1405 = vector.extract %reduce_sum3A_1404[15] : i32 from vector<16xi32>
        %shift_right_arithmetic3A_1406 = arith.constant 7 : i32
        %shift_right_arithmetic3A_1407 = arith.shrsi %reduce_sum3A_1405, %shift_right_arithmetic3A_1406 : i32
        %mul3A_1408 = arith.constant 128 : i32
        %mul3A_1409 = arith.muli %shift_right_arithmetic3A_1407, %mul3A_1408 : i32
        %multiple_of3A_1410 = tpu.assume_multiple %mul3A_1409, 128 : i32
        %dma_start3A_1411 = arith.constant 1 : i32
        %dma_start3A_1412 = arith.constant 1 : i32
        %dma_start3A_1413 = arith.constant 0 : i32
        %dma_start3A_1414 = arith.constant 0 : i32
        %dma_start3A_1415 = tpu.memref_slice %arg9[%dma_start3A_1411, %dma_start3A_1413, %dma_start3A_1414] : memref<8x32x128xf32, #tpu.memory_space<vmem>> -> memref<1x32x128xf32, #tpu.memory_space<vmem>>
        %dma_start3A_1416 = tpu.memref_squeeze %dma_start3A_1415 : memref<1x32x128xf32, #tpu.memory_space<vmem>> -> memref<32x128xf32, #tpu.memory_space<vmem>>
        %dma_start3A_1417 = arith.constant 0 : i32
        %dma_start3A_1418 = tpu.memref_slice %arg4[%dma_start3A_1417, %multiple_of3A_1388] : memref<32x1000000xf32, #tpu.memory_space<hbm>> -> memref<32x128xf32, #tpu.memory_space<hbm>>
        %dma_start3A_1419 = tpu.memref_slice %arg12[%dma_start3A_1412] : memref<8x!tpu.dma_semaphore, #tpu.memory_space<semaphore_mem>> -> memref<1x!tpu.dma_semaphore, #tpu.memory_space<semaphore_mem>>
        %dma_start3A_1420 = tpu.memref_squeeze %dma_start3A_1419 : memref<1x!tpu.dma_semaphore, #tpu.memory_space<semaphore_mem>> -> memref<!tpu.dma_semaphore, #tpu.memory_space<semaphore_mem>>
        %dma_start3A_1421 = arith.constant 0 : i32
        %dma_start3A_1422 = arith.constant 0 : i32
        %dma_start3A_1423 = tpu.memref_slice %arg9[%dma_start3A_1411, %dma_start3A_1421, %dma_start3A_1422] : memref<8x32x128xf32, #tpu.memory_space<vmem>> -> memref<1x32x128xf32, #tpu.memory_space<vmem>>
        %dma_start3A_1424 = tpu.memref_squeeze %dma_start3A_1423 : memref<1x32x128xf32, #tpu.memory_space<vmem>> -> memref<32x128xf32, #tpu.memory_space<vmem>>
        %dma_start3A_1425 = arith.constant 0 : i32
        %dma_start3A_1426 = tpu.memref_slice %arg4[%dma_start3A_1425, %multiple_of3A_1388] : memref<32x1000000xf32, #tpu.memory_space<hbm>> -> memref<32x128xf32, #tpu.memory_space<hbm>>
        tpu.enqueue_dma source(%dma_start3A_1426 : memref<32x128xf32, #tpu.memory_space<hbm>>) target(%dma_start3A_1424 : memref<32x128xf32, #tpu.memory_space<vmem>>) target_semaphore(%dma_start3A_1420 : memref<!tpu.dma_semaphore, #tpu.memory_space<semaphore_mem>>)
        %dma_start3A_1427 = arith.constant 1 : i32
        %dma_start3A_1428 = arith.constant 1 : i32
        %dma_start3A_1429 = arith.constant 0 : i32
        %dma_start3A_1430 = arith.constant 0 : i32
        %dma_start3A_1431 = tpu.memref_slice %arg10[%dma_start3A_1427, %dma_start3A_1429, %dma_start3A_1430] : memref<8x32x128xf32, #tpu.memory_space<vmem>> -> memref<1x32x128xf32, #tpu.memory_space<vmem>>
        %dma_start3A_1432 = tpu.memref_squeeze %dma_start3A_1431 : memref<1x32x128xf32, #tpu.memory_space<vmem>> -> memref<32x128xf32, #tpu.memory_space<vmem>>
        %dma_start3A_1433 = arith.constant 0 : i32
        %dma_start3A_1434 = tpu.memref_slice %arg5[%dma_start3A_1433, %multiple_of3A_1410] : memref<32x1000000xf32, #tpu.memory_space<hbm>> -> memref<32x128xf32, #tpu.memory_space<hbm>>
        %dma_start3A_1435 = tpu.memref_slice %arg13[%dma_start3A_1428] : memref<8x!tpu.dma_semaphore, #tpu.memory_space<semaphore_mem>> -> memref<1x!tpu.dma_semaphore, #tpu.memory_space<semaphore_mem>>
        %dma_start3A_1436 = tpu.memref_squeeze %dma_start3A_1435 : memref<1x!tpu.dma_semaphore, #tpu.memory_space<semaphore_mem>> -> memref<!tpu.dma_semaphore, #tpu.memory_space<semaphore_mem>>
        %dma_start3A_1437 = arith.constant 0 : i32
        %dma_start3A_1438 = arith.constant 0 : i32
        %dma_start3A_1439 = tpu.memref_slice %arg10[%dma_start3A_1427, %dma_start3A_1437, %dma_start3A_1438] : memref<8x32x128xf32, #tpu.memory_space<vmem>> -> memref<1x32x128xf32, #tpu.memory_space<vmem>>
        %dma_start3A_1440 = tpu.memref_squeeze %dma_start3A_1439 : memref<1x32x128xf32, #tpu.memory_space<vmem>> -> memref<32x128xf32, #tpu.memory_space<vmem>>
        %dma_start3A_1441 = arith.constant 0 : i32
        %dma_start3A_1442 = tpu.memref_slice %arg5[%dma_start3A_1441, %multiple_of3A_1410] : memref<32x1000000xf32, #tpu.memory_space<hbm>> -> memref<32x128xf32, #tpu.memory_space<hbm>>
        tpu.enqueue_dma source(%dma_start3A_1442 : memref<32x128xf32, #tpu.memory_space<hbm>>) target(%dma_start3A_1440 : memref<32x128xf32, #tpu.memory_space<vmem>>) target_semaphore(%dma_start3A_1436 : memref<!tpu.dma_semaphore, #tpu.memory_space<semaphore_mem>>)
      } else {
      }
      %mul3A_724 = arith.mulf %gather3A_713, %gather3A_715 : vector<16xf32>
      %mul3A_725 = arith.mulf %gather3A_714, %gather3A_716 : vector<16xf32>
      %add3A_726 = arith.addf %mul3A_724, %mul3A_725 : vector<16xf32>
      %reduce_sum3A_727 = arith.constant true
      %reduce_sum3A_728 = vector.broadcast %reduce_sum3A_727 : i1 to vector<16xi1>
      %reduce_sum3A_729 = tpu.scan <sum>, %add3A_726 masked %reduce_sum3A_728 : vector<16xf32>, vector<16xi1> -> vector<16xf32>
      %reduce_sum3A_730 = vector.extract %reduce_sum3A_729[15] : f32 from vector<16xf32>
      %broadcast_in_dim3A_731 = vector.broadcast %add3A_634 : i32 to vector<16xi32>
      %broadcast_in_dim3A_732 = vector.broadcast %reduce_sum3A_730 : f32 to vector<16xf32>
      %eq3A_733 = arith.constant 0 : i32
      %eq3A_734 = vector.broadcast %eq3A_733 : i32 to vector<16xi32>
      %eq3A_735 = arith.cmpi eq, %iota3A, %eq3A_734 : vector<16xi32>
      tpu.vector_store_idx %arg11[%broadcast_in_dim3A_731], %broadcast_in_dim3A_732 masked %eq3A_735 : memref<512xf32, #tpu.memory_space<vmem>>[vector<16xi32>], vector<16xf32>, vector<16xi1>
      %mul3A_736 = arith.constant 8 : i32
      %mul3A_737 = arith.muli %scan3A_531, %mul3A_736 : i32
      %add3A_738 = arith.constant 2 : i32
      %add3A_739 = arith.addi %mul3A_737, %add3A_738 : i32
      %dma_wait3A_740 = arith.constant 2 : i32
      %dma_wait3A_741 = arith.constant 2 : i32
      %dma_wait3A_742 = arith.constant 0 : i32
      %dma_wait3A_743 = arith.constant 0 : i32
      %dma_wait3A_744 = tpu.memref_slice %arg9[%dma_wait3A_740, %dma_wait3A_742, %dma_wait3A_743] : memref<8x32x128xf32, #tpu.memory_space<vmem>> -> memref<1x32x128xf32, #tpu.memory_space<vmem>>
      %dma_wait3A_745 = tpu.memref_squeeze %dma_wait3A_744 : memref<1x32x128xf32, #tpu.memory_space<vmem>> -> memref<32x128xf32, #tpu.memory_space<vmem>>
      %dma_wait3A_746 = arith.constant 0 : i32
      %dma_wait3A_747 = arith.constant 0 : i32
      %dma_wait3A_748 = tpu.memref_slice %arg4[%dma_wait3A_746, %dma_wait3A_747] : memref<32x1000000xf32, #tpu.memory_space<hbm>> -> memref<32x128xf32, #tpu.memory_space<hbm>>
      %dma_wait3A_749 = tpu.memref_slice %arg12[%dma_wait3A_741] : memref<8x!tpu.dma_semaphore, #tpu.memory_space<semaphore_mem>> -> memref<1x!tpu.dma_semaphore, #tpu.memory_space<semaphore_mem>>
      %dma_wait3A_750 = tpu.memref_squeeze %dma_wait3A_749 : memref<1x!tpu.dma_semaphore, #tpu.memory_space<semaphore_mem>> -> memref<!tpu.dma_semaphore, #tpu.memory_space<semaphore_mem>>
      %dma_wait3A_751 = arith.constant 0 : i32
      %dma_wait3A_752 = arith.constant 0 : i32
      %dma_wait3A_753 = tpu.memref_slice %arg9[%dma_wait3A_740, %dma_wait3A_751, %dma_wait3A_752] : memref<8x32x128xf32, #tpu.memory_space<vmem>> -> memref<1x32x128xf32, #tpu.memory_space<vmem>>
      %dma_wait3A_754 = tpu.memref_squeeze %dma_wait3A_753 : memref<1x32x128xf32, #tpu.memory_space<vmem>> -> memref<32x128xf32, #tpu.memory_space<vmem>>
      %dma_wait3A_755 = arith.constant 0 : i32
      %dma_wait3A_756 = arith.constant 0 : i32
      %dma_wait3A_757 = tpu.memref_slice %arg4[%dma_wait3A_755, %dma_wait3A_756] : memref<32x1000000xf32, #tpu.memory_space<hbm>> -> memref<32x128xf32, #tpu.memory_space<hbm>>
      tpu.wait_dma2 semaphore(%dma_wait3A_750 : memref<!tpu.dma_semaphore, #tpu.memory_space<semaphore_mem>>) src(%dma_wait3A_757 : memref<32x128xf32, #tpu.memory_space<hbm>>) dst(%dma_wait3A_754 : memref<32x128xf32, #tpu.memory_space<vmem>>)
      %dma_wait3A_758 = arith.constant 2 : i32
      %dma_wait3A_759 = arith.constant 2 : i32
      %dma_wait3A_760 = arith.constant 0 : i32
      %dma_wait3A_761 = arith.constant 0 : i32
      %dma_wait3A_762 = tpu.memref_slice %arg10[%dma_wait3A_758, %dma_wait3A_760, %dma_wait3A_761] : memref<8x32x128xf32, #tpu.memory_space<vmem>> -> memref<1x32x128xf32, #tpu.memory_space<vmem>>
      %dma_wait3A_763 = tpu.memref_squeeze %dma_wait3A_762 : memref<1x32x128xf32, #tpu.memory_space<vmem>> -> memref<32x128xf32, #tpu.memory_space<vmem>>
      %dma_wait3A_764 = arith.constant 0 : i32
      %dma_wait3A_765 = arith.constant 0 : i32
      %dma_wait3A_766 = tpu.memref_slice %arg5[%dma_wait3A_764, %dma_wait3A_765] : memref<32x1000000xf32, #tpu.memory_space<hbm>> -> memref<32x128xf32, #tpu.memory_space<hbm>>
      %dma_wait3A_767 = tpu.memref_slice %arg13[%dma_wait3A_759] : memref<8x!tpu.dma_semaphore, #tpu.memory_space<semaphore_mem>> -> memref<1x!tpu.dma_semaphore, #tpu.memory_space<semaphore_mem>>
      %dma_wait3A_768 = tpu.memref_squeeze %dma_wait3A_767 : memref<1x!tpu.dma_semaphore, #tpu.memory_space<semaphore_mem>> -> memref<!tpu.dma_semaphore, #tpu.memory_space<semaphore_mem>>
      %dma_wait3A_769 = arith.constant 0 : i32
      %dma_wait3A_770 = arith.constant 0 : i32
      %dma_wait3A_771 = tpu.memref_slice %arg10[%dma_wait3A_758, %dma_wait3A_769, %dma_wait3A_770] : memref<8x32x128xf32, #tpu.memory_space<vmem>> -> memref<1x32x128xf32, #tpu.memory_space<vmem>>
      %dma_wait3A_772 = tpu.memref_squeeze %dma_wait3A_771 : memref<1x32x128xf32, #tpu.memory_space<vmem>> -> memref<32x128xf32, #tpu.memory_space<vmem>>
      %dma_wait3A_773 = arith.constant 0 : i32
      %dma_wait3A_774 = arith.constant 0 : i32
      %dma_wait3A_775 = tpu.memref_slice %arg5[%dma_wait3A_773, %dma_wait3A_774] : memref<32x1000000xf32, #tpu.memory_space<hbm>> -> memref<32x128xf32, #tpu.memory_space<hbm>>
      tpu.wait_dma2 semaphore(%dma_wait3A_768 : memref<!tpu.dma_semaphore, #tpu.memory_space<semaphore_mem>>) src(%dma_wait3A_775 : memref<32x128xf32, #tpu.memory_space<hbm>>) dst(%dma_wait3A_772 : memref<32x128xf32, #tpu.memory_space<vmem>>)
      %shift_right_arithmetic3A_776 = arith.constant 4 : i32
      %shift_right_arithmetic3A_777 = arith.shrsi %add3A_739, %shift_right_arithmetic3A_776 : i32
      %shift_left3A_778 = arith.constant 4 : i32
      %shift_left3A_779 = arith.shli %shift_right_arithmetic3A_777, %shift_left3A_778 : i32
      %get3A_780 = arith.index_cast %shift_left3A_779 : i32 to index
      %get3A_781 = tpu.vector_load %arg7[%get3A_780] {strides = array<i32>} : memref<512xi32, #tpu.memory_space<vmem>>, vector<16xi32>,
      %and3A_782 = arith.constant 15 : i32
      %and3A_783 = arith.andi %add3A_739, %and3A_782 : i32
      %eq3A_784 = vector.broadcast %and3A_783 : i32 to vector<16xi32>
      %eq3A_785 = arith.cmpi eq, %iota3A, %eq3A_784 : vector<16xi32>
      %jit3A_786 = arith.constant 0 : i32
      %broadcast_in_dim3A_787 = vector.broadcast %jit3A_786 : i32 to vector<16xi32>
      %select_n3A_788 = arith.select %eq3A_785, %get3A_781, %broadcast_in_dim3A_787 : vector<16xi1>, vector<16xi32>
      %reduce_sum3A_789 = arith.constant true
      %reduce_sum3A_790 = vector.broadcast %reduce_sum3A_789 : i1 to vector<16xi1>
      %reduce_sum3A_791 = tpu.scan <sum>, %select_n3A_788 masked %reduce_sum3A_790 : vector<16xi32>, vector<16xi1> -> vector<16xi32>
      %reduce_sum3A_792 = vector.extract %reduce_sum3A_791[15] : i32 from vector<16xi32>
      %and3A_793 = arith.constant 127 : i32
      %and3A_794 = arith.andi %reduce_sum3A_792, %and3A_793 : i32
      %broadcast_in_dim3A_795 = vector.broadcast %and3A_794 : i32 to vector<16xi32>
      %shift_right_arithmetic3A_796 = arith.constant 4 : i32
      %shift_right_arithmetic3A_797 = arith.shrsi %add3A_739, %shift_right_arithmetic3A_796 : i32
      %shift_left3A_798 = arith.constant 4 : i32
      %shift_left3A_799 = arith.shli %shift_right_arithmetic3A_797, %shift_left3A_798 : i32
      %get3A_800 = arith.index_cast %shift_left3A_799 : i32 to index
      %get3A_801 = tpu.vector_load %arg8[%get3A_800] {strides = array<i32>} : memref<512xi32, #tpu.memory_space<vmem>>, vector<16xi32>,
      %and3A_802 = arith.constant 15 : i32
      %and3A_803 = arith.andi %add3A_739, %and3A_802 : i32
      %eq3A_804 = vector.broadcast %and3A_803 : i32 to vector<16xi32>
      %eq3A_805 = arith.cmpi eq, %iota3A, %eq3A_804 : vector<16xi32>
      %jit3A_806 = arith.constant 0 : i32
      %broadcast_in_dim3A_807 = vector.broadcast %jit3A_806 : i32 to vector<16xi32>
      %select_n3A_808 = arith.select %eq3A_805, %get3A_801, %broadcast_in_dim3A_807 : vector<16xi1>, vector<16xi32>
      %reduce_sum3A_809 = arith.constant true
      %reduce_sum3A_810 = vector.broadcast %reduce_sum3A_809 : i1 to vector<16xi1>
      %reduce_sum3A_811 = tpu.scan <sum>, %select_n3A_808 masked %reduce_sum3A_810 : vector<16xi32>, vector<16xi1> -> vector<16xi32>
      %reduce_sum3A_812 = vector.extract %reduce_sum3A_811[15] : i32 from vector<16xi32>
      %and3A_813 = arith.constant 127 : i32
      %and3A_814 = arith.andi %reduce_sum3A_812, %and3A_813 : i32
      %broadcast_in_dim3A_815 = vector.broadcast %and3A_814 : i32 to vector<16xi32>
      %broadcast_in_dim3A_816 = arith.constant 2 : i32
      %broadcast_in_dim3A_817 = vector.broadcast %broadcast_in_dim3A_816 : i32 to vector<16xi32>
      %gather3A_818 = tpu.vector_load_idx %arg9[%broadcast_in_dim3A_817, %iota3A, %broadcast_in_dim3A_795] : memref<8x32x128xf32, #tpu.memory_space<vmem>>[vector<16xi32>, vector<16xi32>, vector<16xi32>], vector<16xf32>,
      %gather3A_819 = tpu.vector_load_idx %arg9[%broadcast_in_dim3A_817, %add3A_524, %broadcast_in_dim3A_795] : memref<8x32x128xf32, #tpu.memory_space<vmem>>[vector<16xi32>, vector<16xi32>, vector<16xi32>], vector<16xf32>,
      %gather3A_820 = tpu.vector_load_idx %arg10[%broadcast_in_dim3A_817, %iota3A, %broadcast_in_dim3A_815] : memref<8x32x128xf32, #tpu.memory_space<vmem>>[vector<16xi32>, vector<16xi32>, vector<16xi32>], vector<16xf32>,
      %gather3A_821 = tpu.vector_load_idx %arg10[%broadcast_in_dim3A_817, %add3A_524, %broadcast_in_dim3A_815] : memref<8x32x128xf32, #tpu.memory_space<vmem>>[vector<16xi32>, vector<16xi32>, vector<16xi32>], vector<16xf32>,
      %add3A_822 = arith.constant 8 : i32
      %add3A_823 = arith.addi %add3A_739, %add3A_822 : i32
      %lt3A_824 = arith.constant 512 : i32
      %lt3A_825 = arith.cmpi slt, %add3A_823, %lt3A_824 : i32
      %convert_element_type3A_826 = arith.extui %lt3A_825 : i1 to i32
      %cond3A_827 = arith.constant 0 : i32
      %cond3A_828 = arith.cmpi ne, %convert_element_type3A_826, %cond3A_827 : i32
      scf.if %cond3A_828 {
        %shift_right_arithmetic3A_1367 = arith.constant 4 : i32
        %shift_right_arithmetic3A_1368 = arith.shrsi %add3A_823, %shift_right_arithmetic3A_1367 : i32
        %shift_left3A_1369 = arith.constant 4 : i32
        %shift_left3A_1370 = arith.shli %shift_right_arithmetic3A_1368, %shift_left3A_1369 : i32
        %get3A_1371 = arith.index_cast %shift_left3A_1370 : i32 to index
        %get3A_1372 = tpu.vector_load %arg7[%get3A_1371] {strides = array<i32>} : memref<512xi32, #tpu.memory_space<vmem>>, vector<16xi32>,
        %and3A_1373 = arith.constant 15 : i32
        %and3A_1374 = arith.andi %add3A_823, %and3A_1373 : i32
        %eq3A_1375 = vector.broadcast %and3A_1374 : i32 to vector<16xi32>
        %eq3A_1376 = arith.cmpi eq, %iota3A, %eq3A_1375 : vector<16xi32>
        %jit3A_1377 = arith.constant 0 : i32
        %broadcast_in_dim3A_1378 = vector.broadcast %jit3A_1377 : i32 to vector<16xi32>
        %select_n3A_1379 = arith.select %eq3A_1376, %get3A_1372, %broadcast_in_dim3A_1378 : vector<16xi1>, vector<16xi32>
        %reduce_sum3A_1380 = arith.constant true
        %reduce_sum3A_1381 = vector.broadcast %reduce_sum3A_1380 : i1 to vector<16xi1>
        %reduce_sum3A_1382 = tpu.scan <sum>, %select_n3A_1379 masked %reduce_sum3A_1381 : vector<16xi32>, vector<16xi1> -> vector<16xi32>
        %reduce_sum3A_1383 = vector.extract %reduce_sum3A_1382[15] : i32 from vector<16xi32>
        %shift_right_arithmetic3A_1384 = arith.constant 7 : i32
        %shift_right_arithmetic3A_1385 = arith.shrsi %reduce_sum3A_1383, %shift_right_arithmetic3A_1384 : i32
        %mul3A_1386 = arith.constant 128 : i32
        %mul3A_1387 = arith.muli %shift_right_arithmetic3A_1385, %mul3A_1386 : i32
        %multiple_of3A_1388 = tpu.assume_multiple %mul3A_1387, 128 : i32
        %shift_right_arithmetic3A_1389 = arith.constant 4 : i32
        %shift_right_arithmetic3A_1390 = arith.shrsi %add3A_823, %shift_right_arithmetic3A_1389 : i32
        %shift_left3A_1391 = arith.constant 4 : i32
        %shift_left3A_1392 = arith.shli %shift_right_arithmetic3A_1390, %shift_left3A_1391 : i32
        %get3A_1393 = arith.index_cast %shift_left3A_1392 : i32 to index
        %get3A_1394 = tpu.vector_load %arg8[%get3A_1393] {strides = array<i32>} : memref<512xi32, #tpu.memory_space<vmem>>, vector<16xi32>,
        %and3A_1395 = arith.constant 15 : i32
        %and3A_1396 = arith.andi %add3A_823, %and3A_1395 : i32
        %eq3A_1397 = vector.broadcast %and3A_1396 : i32 to vector<16xi32>
        %eq3A_1398 = arith.cmpi eq, %iota3A, %eq3A_1397 : vector<16xi32>
        %jit3A_1399 = arith.constant 0 : i32
        %broadcast_in_dim3A_1400 = vector.broadcast %jit3A_1399 : i32 to vector<16xi32>
        %select_n3A_1401 = arith.select %eq3A_1398, %get3A_1394, %broadcast_in_dim3A_1400 : vector<16xi1>, vector<16xi32>
        %reduce_sum3A_1402 = arith.constant true
        %reduce_sum3A_1403 = vector.broadcast %reduce_sum3A_1402 : i1 to vector<16xi1>
        %reduce_sum3A_1404 = tpu.scan <sum>, %select_n3A_1401 masked %reduce_sum3A_1403 : vector<16xi32>, vector<16xi1> -> vector<16xi32>
        %reduce_sum3A_1405 = vector.extract %reduce_sum3A_1404[15] : i32 from vector<16xi32>
        %shift_right_arithmetic3A_1406 = arith.constant 7 : i32
        %shift_right_arithmetic3A_1407 = arith.shrsi %reduce_sum3A_1405, %shift_right_arithmetic3A_1406 : i32
        %mul3A_1408 = arith.constant 128 : i32
        %mul3A_1409 = arith.muli %shift_right_arithmetic3A_1407, %mul3A_1408 : i32
        %multiple_of3A_1410 = tpu.assume_multiple %mul3A_1409, 128 : i32
        %dma_start3A_1411 = arith.constant 2 : i32
        %dma_start3A_1412 = arith.constant 2 : i32
        %dma_start3A_1413 = arith.constant 0 : i32
        %dma_start3A_1414 = arith.constant 0 : i32
        %dma_start3A_1415 = tpu.memref_slice %arg9[%dma_start3A_1411, %dma_start3A_1413, %dma_start3A_1414] : memref<8x32x128xf32, #tpu.memory_space<vmem>> -> memref<1x32x128xf32, #tpu.memory_space<vmem>>
        %dma_start3A_1416 = tpu.memref_squeeze %dma_start3A_1415 : memref<1x32x128xf32, #tpu.memory_space<vmem>> -> memref<32x128xf32, #tpu.memory_space<vmem>>
        %dma_start3A_1417 = arith.constant 0 : i32
        %dma_start3A_1418 = tpu.memref_slice %arg4[%dma_start3A_1417, %multiple_of3A_1388] : memref<32x1000000xf32, #tpu.memory_space<hbm>> -> memref<32x128xf32, #tpu.memory_space<hbm>>
        %dma_start3A_1419 = tpu.memref_slice %arg12[%dma_start3A_1412] : memref<8x!tpu.dma_semaphore, #tpu.memory_space<semaphore_mem>> -> memref<1x!tpu.dma_semaphore, #tpu.memory_space<semaphore_mem>>
        %dma_start3A_1420 = tpu.memref_squeeze %dma_start3A_1419 : memref<1x!tpu.dma_semaphore, #tpu.memory_space<semaphore_mem>> -> memref<!tpu.dma_semaphore, #tpu.memory_space<semaphore_mem>>
        %dma_start3A_1421 = arith.constant 0 : i32
        %dma_start3A_1422 = arith.constant 0 : i32
        %dma_start3A_1423 = tpu.memref_slice %arg9[%dma_start3A_1411, %dma_start3A_1421, %dma_start3A_1422] : memref<8x32x128xf32, #tpu.memory_space<vmem>> -> memref<1x32x128xf32, #tpu.memory_space<vmem>>
        %dma_start3A_1424 = tpu.memref_squeeze %dma_start3A_1423 : memref<1x32x128xf32, #tpu.memory_space<vmem>> -> memref<32x128xf32, #tpu.memory_space<vmem>>
        %dma_start3A_1425 = arith.constant 0 : i32
        %dma_start3A_1426 = tpu.memref_slice %arg4[%dma_start3A_1425, %multiple_of3A_1388] : memref<32x1000000xf32, #tpu.memory_space<hbm>> -> memref<32x128xf32, #tpu.memory_space<hbm>>
        tpu.enqueue_dma source(%dma_start3A_1426 : memref<32x128xf32, #tpu.memory_space<hbm>>) target(%dma_start3A_1424 : memref<32x128xf32, #tpu.memory_space<vmem>>) target_semaphore(%dma_start3A_1420 : memref<!tpu.dma_semaphore, #tpu.memory_space<semaphore_mem>>)
        %dma_start3A_1427 = arith.constant 2 : i32
        %dma_start3A_1428 = arith.constant 2 : i32
        %dma_start3A_1429 = arith.constant 0 : i32
        %dma_start3A_1430 = arith.constant 0 : i32
        %dma_start3A_1431 = tpu.memref_slice %arg10[%dma_start3A_1427, %dma_start3A_1429, %dma_start3A_1430] : memref<8x32x128xf32, #tpu.memory_space<vmem>> -> memref<1x32x128xf32, #tpu.memory_space<vmem>>
        %dma_start3A_1432 = tpu.memref_squeeze %dma_start3A_1431 : memref<1x32x128xf32, #tpu.memory_space<vmem>> -> memref<32x128xf32, #tpu.memory_space<vmem>>
        %dma_start3A_1433 = arith.constant 0 : i32
        %dma_start3A_1434 = tpu.memref_slice %arg5[%dma_start3A_1433, %multiple_of3A_1410] : memref<32x1000000xf32, #tpu.memory_space<hbm>> -> memref<32x128xf32, #tpu.memory_space<hbm>>
        %dma_start3A_1435 = tpu.memref_slice %arg13[%dma_start3A_1428] : memref<8x!tpu.dma_semaphore, #tpu.memory_space<semaphore_mem>> -> memref<1x!tpu.dma_semaphore, #tpu.memory_space<semaphore_mem>>
        %dma_start3A_1436 = tpu.memref_squeeze %dma_start3A_1435 : memref<1x!tpu.dma_semaphore, #tpu.memory_space<semaphore_mem>> -> memref<!tpu.dma_semaphore, #tpu.memory_space<semaphore_mem>>
        %dma_start3A_1437 = arith.constant 0 : i32
        %dma_start3A_1438 = arith.constant 0 : i32
        %dma_start3A_1439 = tpu.memref_slice %arg10[%dma_start3A_1427, %dma_start3A_1437, %dma_start3A_1438] : memref<8x32x128xf32, #tpu.memory_space<vmem>> -> memref<1x32x128xf32, #tpu.memory_space<vmem>>
        %dma_start3A_1440 = tpu.memref_squeeze %dma_start3A_1439 : memref<1x32x128xf32, #tpu.memory_space<vmem>> -> memref<32x128xf32, #tpu.memory_space<vmem>>
        %dma_start3A_1441 = arith.constant 0 : i32
        %dma_start3A_1442 = tpu.memref_slice %arg5[%dma_start3A_1441, %multiple_of3A_1410] : memref<32x1000000xf32, #tpu.memory_space<hbm>> -> memref<32x128xf32, #tpu.memory_space<hbm>>
        tpu.enqueue_dma source(%dma_start3A_1442 : memref<32x128xf32, #tpu.memory_space<hbm>>) target(%dma_start3A_1440 : memref<32x128xf32, #tpu.memory_space<vmem>>) target_semaphore(%dma_start3A_1436 : memref<!tpu.dma_semaphore, #tpu.memory_space<semaphore_mem>>)
      } else {
      }
      %mul3A_829 = arith.mulf %gather3A_818, %gather3A_820 : vector<16xf32>
      %mul3A_830 = arith.mulf %gather3A_819, %gather3A_821 : vector<16xf32>
      %add3A_831 = arith.addf %mul3A_829, %mul3A_830 : vector<16xf32>
      %reduce_sum3A_832 = arith.constant true
      %reduce_sum3A_833 = vector.broadcast %reduce_sum3A_832 : i1 to vector<16xi1>
      %reduce_sum3A_834 = tpu.scan <sum>, %add3A_831 masked %reduce_sum3A_833 : vector<16xf32>, vector<16xi1> -> vector<16xf32>
      %reduce_sum3A_835 = vector.extract %reduce_sum3A_834[15] : f32 from vector<16xf32>
      %broadcast_in_dim3A_836 = vector.broadcast %add3A_739 : i32 to vector<16xi32>
      %broadcast_in_dim3A_837 = vector.broadcast %reduce_sum3A_835 : f32 to vector<16xf32>
      %eq3A_838 = arith.constant 0 : i32
      %eq3A_839 = vector.broadcast %eq3A_838 : i32 to vector<16xi32>
      %eq3A_840 = arith.cmpi eq, %iota3A, %eq3A_839 : vector<16xi32>
      tpu.vector_store_idx %arg11[%broadcast_in_dim3A_836], %broadcast_in_dim3A_837 masked %eq3A_840 : memref<512xf32, #tpu.memory_space<vmem>>[vector<16xi32>], vector<16xf32>, vector<16xi1>
      %mul3A_841 = arith.constant 8 : i32
      %mul3A_842 = arith.muli %scan3A_531, %mul3A_841 : i32
      %add3A_843 = arith.constant 3 : i32
      %add3A_844 = arith.addi %mul3A_842, %add3A_843 : i32
      %dma_wait3A_845 = arith.constant 3 : i32
      %dma_wait3A_846 = arith.constant 3 : i32
      %dma_wait3A_847 = arith.constant 0 : i32
      %dma_wait3A_848 = arith.constant 0 : i32
      %dma_wait3A_849 = tpu.memref_slice %arg9[%dma_wait3A_845, %dma_wait3A_847, %dma_wait3A_848] : memref<8x32x128xf32, #tpu.memory_space<vmem>> -> memref<1x32x128xf32, #tpu.memory_space<vmem>>
      %dma_wait3A_850 = tpu.memref_squeeze %dma_wait3A_849 : memref<1x32x128xf32, #tpu.memory_space<vmem>> -> memref<32x128xf32, #tpu.memory_space<vmem>>
      %dma_wait3A_851 = arith.constant 0 : i32
      %dma_wait3A_852 = arith.constant 0 : i32
      %dma_wait3A_853 = tpu.memref_slice %arg4[%dma_wait3A_851, %dma_wait3A_852] : memref<32x1000000xf32, #tpu.memory_space<hbm>> -> memref<32x128xf32, #tpu.memory_space<hbm>>
      %dma_wait3A_854 = tpu.memref_slice %arg12[%dma_wait3A_846] : memref<8x!tpu.dma_semaphore, #tpu.memory_space<semaphore_mem>> -> memref<1x!tpu.dma_semaphore, #tpu.memory_space<semaphore_mem>>
      %dma_wait3A_855 = tpu.memref_squeeze %dma_wait3A_854 : memref<1x!tpu.dma_semaphore, #tpu.memory_space<semaphore_mem>> -> memref<!tpu.dma_semaphore, #tpu.memory_space<semaphore_mem>>
      %dma_wait3A_856 = arith.constant 0 : i32
      %dma_wait3A_857 = arith.constant 0 : i32
      %dma_wait3A_858 = tpu.memref_slice %arg9[%dma_wait3A_845, %dma_wait3A_856, %dma_wait3A_857] : memref<8x32x128xf32, #tpu.memory_space<vmem>> -> memref<1x32x128xf32, #tpu.memory_space<vmem>>
      %dma_wait3A_859 = tpu.memref_squeeze %dma_wait3A_858 : memref<1x32x128xf32, #tpu.memory_space<vmem>> -> memref<32x128xf32, #tpu.memory_space<vmem>>
      %dma_wait3A_860 = arith.constant 0 : i32
      %dma_wait3A_861 = arith.constant 0 : i32
      %dma_wait3A_862 = tpu.memref_slice %arg4[%dma_wait3A_860, %dma_wait3A_861] : memref<32x1000000xf32, #tpu.memory_space<hbm>> -> memref<32x128xf32, #tpu.memory_space<hbm>>
      tpu.wait_dma2 semaphore(%dma_wait3A_855 : memref<!tpu.dma_semaphore, #tpu.memory_space<semaphore_mem>>) src(%dma_wait3A_862 : memref<32x128xf32, #tpu.memory_space<hbm>>) dst(%dma_wait3A_859 : memref<32x128xf32, #tpu.memory_space<vmem>>)
      %dma_wait3A_863 = arith.constant 3 : i32
      %dma_wait3A_864 = arith.constant 3 : i32
      %dma_wait3A_865 = arith.constant 0 : i32
      %dma_wait3A_866 = arith.constant 0 : i32
      %dma_wait3A_867 = tpu.memref_slice %arg10[%dma_wait3A_863, %dma_wait3A_865, %dma_wait3A_866] : memref<8x32x128xf32, #tpu.memory_space<vmem>> -> memref<1x32x128xf32, #tpu.memory_space<vmem>>
      %dma_wait3A_868 = tpu.memref_squeeze %dma_wait3A_867 : memref<1x32x128xf32, #tpu.memory_space<vmem>> -> memref<32x128xf32, #tpu.memory_space<vmem>>
      %dma_wait3A_869 = arith.constant 0 : i32
      %dma_wait3A_870 = arith.constant 0 : i32
      %dma_wait3A_871 = tpu.memref_slice %arg5[%dma_wait3A_869, %dma_wait3A_870] : memref<32x1000000xf32, #tpu.memory_space<hbm>> -> memref<32x128xf32, #tpu.memory_space<hbm>>
      %dma_wait3A_872 = tpu.memref_slice %arg13[%dma_wait3A_864] : memref<8x!tpu.dma_semaphore, #tpu.memory_space<semaphore_mem>> -> memref<1x!tpu.dma_semaphore, #tpu.memory_space<semaphore_mem>>
      %dma_wait3A_873 = tpu.memref_squeeze %dma_wait3A_872 : memref<1x!tpu.dma_semaphore, #tpu.memory_space<semaphore_mem>> -> memref<!tpu.dma_semaphore, #tpu.memory_space<semaphore_mem>>
      %dma_wait3A_874 = arith.constant 0 : i32
      %dma_wait3A_875 = arith.constant 0 : i32
      %dma_wait3A_876 = tpu.memref_slice %arg10[%dma_wait3A_863, %dma_wait3A_874, %dma_wait3A_875] : memref<8x32x128xf32, #tpu.memory_space<vmem>> -> memref<1x32x128xf32, #tpu.memory_space<vmem>>
      %dma_wait3A_877 = tpu.memref_squeeze %dma_wait3A_876 : memref<1x32x128xf32, #tpu.memory_space<vmem>> -> memref<32x128xf32, #tpu.memory_space<vmem>>
      %dma_wait3A_878 = arith.constant 0 : i32
      %dma_wait3A_879 = arith.constant 0 : i32
      %dma_wait3A_880 = tpu.memref_slice %arg5[%dma_wait3A_878, %dma_wait3A_879] : memref<32x1000000xf32, #tpu.memory_space<hbm>> -> memref<32x128xf32, #tpu.memory_space<hbm>>
      tpu.wait_dma2 semaphore(%dma_wait3A_873 : memref<!tpu.dma_semaphore, #tpu.memory_space<semaphore_mem>>) src(%dma_wait3A_880 : memref<32x128xf32, #tpu.memory_space<hbm>>) dst(%dma_wait3A_877 : memref<32x128xf32, #tpu.memory_space<vmem>>)
      %shift_right_arithmetic3A_881 = arith.constant 4 : i32
      %shift_right_arithmetic3A_882 = arith.shrsi %add3A_844, %shift_right_arithmetic3A_881 : i32
      %shift_left3A_883 = arith.constant 4 : i32
      %shift_left3A_884 = arith.shli %shift_right_arithmetic3A_882, %shift_left3A_883 : i32
      %get3A_885 = arith.index_cast %shift_left3A_884 : i32 to index
      %get3A_886 = tpu.vector_load %arg7[%get3A_885] {strides = array<i32>} : memref<512xi32, #tpu.memory_space<vmem>>, vector<16xi32>,
      %and3A_887 = arith.constant 15 : i32
      %and3A_888 = arith.andi %add3A_844, %and3A_887 : i32
      %eq3A_889 = vector.broadcast %and3A_888 : i32 to vector<16xi32>
      %eq3A_890 = arith.cmpi eq, %iota3A, %eq3A_889 : vector<16xi32>
      %jit3A_891 = arith.constant 0 : i32
      %broadcast_in_dim3A_892 = vector.broadcast %jit3A_891 : i32 to vector<16xi32>
      %select_n3A_893 = arith.select %eq3A_890, %get3A_886, %broadcast_in_dim3A_892 : vector<16xi1>, vector<16xi32>
      %reduce_sum3A_894 = arith.constant true
      %reduce_sum3A_895 = vector.broadcast %reduce_sum3A_894 : i1 to vector<16xi1>
      %reduce_sum3A_896 = tpu.scan <sum>, %select_n3A_893 masked %reduce_sum3A_895 : vector<16xi32>, vector<16xi1> -> vector<16xi32>
      %reduce_sum3A_897 = vector.extract %reduce_sum3A_896[15] : i32 from vector<16xi32>
      %and3A_898 = arith.constant 127 : i32
      %and3A_899 = arith.andi %reduce_sum3A_897, %and3A_898 : i32
      %broadcast_in_dim3A_900 = vector.broadcast %and3A_899 : i32 to vector<16xi32>
      %shift_right_arithmetic3A_901 = arith.constant 4 : i32
      %shift_right_arithmetic3A_902 = arith.shrsi %add3A_844, %shift_right_arithmetic3A_901 : i32
      %shift_left3A_903 = arith.constant 4 : i32
      %shift_left3A_904 = arith.shli %shift_right_arithmetic3A_902, %shift_left3A_903 : i32
      %get3A_905 = arith.index_cast %shift_left3A_904 : i32 to index
      %get3A_906 = tpu.vector_load %arg8[%get3A_905] {strides = array<i32>} : memref<512xi32, #tpu.memory_space<vmem>>, vector<16xi32>,
      %and3A_907 = arith.constant 15 : i32
      %and3A_908 = arith.andi %add3A_844, %and3A_907 : i32
      %eq3A_909 = vector.broadcast %and3A_908 : i32 to vector<16xi32>
      %eq3A_910 = arith.cmpi eq, %iota3A, %eq3A_909 : vector<16xi32>
      %jit3A_911 = arith.constant 0 : i32
      %broadcast_in_dim3A_912 = vector.broadcast %jit3A_911 : i32 to vector<16xi32>
      %select_n3A_913 = arith.select %eq3A_910, %get3A_906, %broadcast_in_dim3A_912 : vector<16xi1>, vector<16xi32>
      %reduce_sum3A_914 = arith.constant true
      %reduce_sum3A_915 = vector.broadcast %reduce_sum3A_914 : i1 to vector<16xi1>
      %reduce_sum3A_916 = tpu.scan <sum>, %select_n3A_913 masked %reduce_sum3A_915 : vector<16xi32>, vector<16xi1> -> vector<16xi32>
      %reduce_sum3A_917 = vector.extract %reduce_sum3A_916[15] : i32 from vector<16xi32>
      %and3A_918 = arith.constant 127 : i32
      %and3A_919 = arith.andi %reduce_sum3A_917, %and3A_918 : i32
      %broadcast_in_dim3A_920 = vector.broadcast %and3A_919 : i32 to vector<16xi32>
      %broadcast_in_dim3A_921 = arith.constant 3 : i32
      %broadcast_in_dim3A_922 = vector.broadcast %broadcast_in_dim3A_921 : i32 to vector<16xi32>
      %gather3A_923 = tpu.vector_load_idx %arg9[%broadcast_in_dim3A_922, %iota3A, %broadcast_in_dim3A_900] : memref<8x32x128xf32, #tpu.memory_space<vmem>>[vector<16xi32>, vector<16xi32>, vector<16xi32>], vector<16xf32>,
      %gather3A_924 = tpu.vector_load_idx %arg9[%broadcast_in_dim3A_922, %add3A_524, %broadcast_in_dim3A_900] : memref<8x32x128xf32, #tpu.memory_space<vmem>>[vector<16xi32>, vector<16xi32>, vector<16xi32>], vector<16xf32>,
      %gather3A_925 = tpu.vector_load_idx %arg10[%broadcast_in_dim3A_922, %iota3A, %broadcast_in_dim3A_920] : memref<8x32x128xf32, #tpu.memory_space<vmem>>[vector<16xi32>, vector<16xi32>, vector<16xi32>], vector<16xf32>,
      %gather3A_926 = tpu.vector_load_idx %arg10[%broadcast_in_dim3A_922, %add3A_524, %broadcast_in_dim3A_920] : memref<8x32x128xf32, #tpu.memory_space<vmem>>[vector<16xi32>, vector<16xi32>, vector<16xi32>], vector<16xf32>,
      %add3A_927 = arith.constant 8 : i32
      %add3A_928 = arith.addi %add3A_844, %add3A_927 : i32
      %lt3A_929 = arith.constant 512 : i32
      %lt3A_930 = arith.cmpi slt, %add3A_928, %lt3A_929 : i32
      %convert_element_type3A_931 = arith.extui %lt3A_930 : i1 to i32
      %cond3A_932 = arith.constant 0 : i32
      %cond3A_933 = arith.cmpi ne, %convert_element_type3A_931, %cond3A_932 : i32
      scf.if %cond3A_933 {
        %shift_right_arithmetic3A_1367 = arith.constant 4 : i32
        %shift_right_arithmetic3A_1368 = arith.shrsi %add3A_928, %shift_right_arithmetic3A_1367 : i32
        %shift_left3A_1369 = arith.constant 4 : i32
        %shift_left3A_1370 = arith.shli %shift_right_arithmetic3A_1368, %shift_left3A_1369 : i32
        %get3A_1371 = arith.index_cast %shift_left3A_1370 : i32 to index
        %get3A_1372 = tpu.vector_load %arg7[%get3A_1371] {strides = array<i32>} : memref<512xi32, #tpu.memory_space<vmem>>, vector<16xi32>,
        %and3A_1373 = arith.constant 15 : i32
        %and3A_1374 = arith.andi %add3A_928, %and3A_1373 : i32
        %eq3A_1375 = vector.broadcast %and3A_1374 : i32 to vector<16xi32>
        %eq3A_1376 = arith.cmpi eq, %iota3A, %eq3A_1375 : vector<16xi32>
        %jit3A_1377 = arith.constant 0 : i32
        %broadcast_in_dim3A_1378 = vector.broadcast %jit3A_1377 : i32 to vector<16xi32>
        %select_n3A_1379 = arith.select %eq3A_1376, %get3A_1372, %broadcast_in_dim3A_1378 : vector<16xi1>, vector<16xi32>
        %reduce_sum3A_1380 = arith.constant true
        %reduce_sum3A_1381 = vector.broadcast %reduce_sum3A_1380 : i1 to vector<16xi1>
        %reduce_sum3A_1382 = tpu.scan <sum>, %select_n3A_1379 masked %reduce_sum3A_1381 : vector<16xi32>, vector<16xi1> -> vector<16xi32>
        %reduce_sum3A_1383 = vector.extract %reduce_sum3A_1382[15] : i32 from vector<16xi32>
        %shift_right_arithmetic3A_1384 = arith.constant 7 : i32
        %shift_right_arithmetic3A_1385 = arith.shrsi %reduce_sum3A_1383, %shift_right_arithmetic3A_1384 : i32
        %mul3A_1386 = arith.constant 128 : i32
        %mul3A_1387 = arith.muli %shift_right_arithmetic3A_1385, %mul3A_1386 : i32
        %multiple_of3A_1388 = tpu.assume_multiple %mul3A_1387, 128 : i32
        %shift_right_arithmetic3A_1389 = arith.constant 4 : i32
        %shift_right_arithmetic3A_1390 = arith.shrsi %add3A_928, %shift_right_arithmetic3A_1389 : i32
        %shift_left3A_1391 = arith.constant 4 : i32
        %shift_left3A_1392 = arith.shli %shift_right_arithmetic3A_1390, %shift_left3A_1391 : i32
        %get3A_1393 = arith.index_cast %shift_left3A_1392 : i32 to index
        %get3A_1394 = tpu.vector_load %arg8[%get3A_1393] {strides = array<i32>} : memref<512xi32, #tpu.memory_space<vmem>>, vector<16xi32>,
        %and3A_1395 = arith.constant 15 : i32
        %and3A_1396 = arith.andi %add3A_928, %and3A_1395 : i32
        %eq3A_1397 = vector.broadcast %and3A_1396 : i32 to vector<16xi32>
        %eq3A_1398 = arith.cmpi eq, %iota3A, %eq3A_1397 : vector<16xi32>
        %jit3A_1399 = arith.constant 0 : i32
        %broadcast_in_dim3A_1400 = vector.broadcast %jit3A_1399 : i32 to vector<16xi32>
        %select_n3A_1401 = arith.select %eq3A_1398, %get3A_1394, %broadcast_in_dim3A_1400 : vector<16xi1>, vector<16xi32>
        %reduce_sum3A_1402 = arith.constant true
        %reduce_sum3A_1403 = vector.broadcast %reduce_sum3A_1402 : i1 to vector<16xi1>
        %reduce_sum3A_1404 = tpu.scan <sum>, %select_n3A_1401 masked %reduce_sum3A_1403 : vector<16xi32>, vector<16xi1> -> vector<16xi32>
        %reduce_sum3A_1405 = vector.extract %reduce_sum3A_1404[15] : i32 from vector<16xi32>
        %shift_right_arithmetic3A_1406 = arith.constant 7 : i32
        %shift_right_arithmetic3A_1407 = arith.shrsi %reduce_sum3A_1405, %shift_right_arithmetic3A_1406 : i32
        %mul3A_1408 = arith.constant 128 : i32
        %mul3A_1409 = arith.muli %shift_right_arithmetic3A_1407, %mul3A_1408 : i32
        %multiple_of3A_1410 = tpu.assume_multiple %mul3A_1409, 128 : i32
        %dma_start3A_1411 = arith.constant 3 : i32
        %dma_start3A_1412 = arith.constant 3 : i32
        %dma_start3A_1413 = arith.constant 0 : i32
        %dma_start3A_1414 = arith.constant 0 : i32
        %dma_start3A_1415 = tpu.memref_slice %arg9[%dma_start3A_1411, %dma_start3A_1413, %dma_start3A_1414] : memref<8x32x128xf32, #tpu.memory_space<vmem>> -> memref<1x32x128xf32, #tpu.memory_space<vmem>>
        %dma_start3A_1416 = tpu.memref_squeeze %dma_start3A_1415 : memref<1x32x128xf32, #tpu.memory_space<vmem>> -> memref<32x128xf32, #tpu.memory_space<vmem>>
        %dma_start3A_1417 = arith.constant 0 : i32
        %dma_start3A_1418 = tpu.memref_slice %arg4[%dma_start3A_1417, %multiple_of3A_1388] : memref<32x1000000xf32, #tpu.memory_space<hbm>> -> memref<32x128xf32, #tpu.memory_space<hbm>>
        %dma_start3A_1419 = tpu.memref_slice %arg12[%dma_start3A_1412] : memref<8x!tpu.dma_semaphore, #tpu.memory_space<semaphore_mem>> -> memref<1x!tpu.dma_semaphore, #tpu.memory_space<semaphore_mem>>
        %dma_start3A_1420 = tpu.memref_squeeze %dma_start3A_1419 : memref<1x!tpu.dma_semaphore, #tpu.memory_space<semaphore_mem>> -> memref<!tpu.dma_semaphore, #tpu.memory_space<semaphore_mem>>
        %dma_start3A_1421 = arith.constant 0 : i32
        %dma_start3A_1422 = arith.constant 0 : i32
        %dma_start3A_1423 = tpu.memref_slice %arg9[%dma_start3A_1411, %dma_start3A_1421, %dma_start3A_1422] : memref<8x32x128xf32, #tpu.memory_space<vmem>> -> memref<1x32x128xf32, #tpu.memory_space<vmem>>
        %dma_start3A_1424 = tpu.memref_squeeze %dma_start3A_1423 : memref<1x32x128xf32, #tpu.memory_space<vmem>> -> memref<32x128xf32, #tpu.memory_space<vmem>>
        %dma_start3A_1425 = arith.constant 0 : i32
        %dma_start3A_1426 = tpu.memref_slice %arg4[%dma_start3A_1425, %multiple_of3A_1388] : memref<32x1000000xf32, #tpu.memory_space<hbm>> -> memref<32x128xf32, #tpu.memory_space<hbm>>
        tpu.enqueue_dma source(%dma_start3A_1426 : memref<32x128xf32, #tpu.memory_space<hbm>>) target(%dma_start3A_1424 : memref<32x128xf32, #tpu.memory_space<vmem>>) target_semaphore(%dma_start3A_1420 : memref<!tpu.dma_semaphore, #tpu.memory_space<semaphore_mem>>)
        %dma_start3A_1427 = arith.constant 3 : i32
        %dma_start3A_1428 = arith.constant 3 : i32
        %dma_start3A_1429 = arith.constant 0 : i32
        %dma_start3A_1430 = arith.constant 0 : i32
        %dma_start3A_1431 = tpu.memref_slice %arg10[%dma_start3A_1427, %dma_start3A_1429, %dma_start3A_1430] : memref<8x32x128xf32, #tpu.memory_space<vmem>> -> memref<1x32x128xf32, #tpu.memory_space<vmem>>
        %dma_start3A_1432 = tpu.memref_squeeze %dma_start3A_1431 : memref<1x32x128xf32, #tpu.memory_space<vmem>> -> memref<32x128xf32, #tpu.memory_space<vmem>>
        %dma_start3A_1433 = arith.constant 0 : i32
        %dma_start3A_1434 = tpu.memref_slice %arg5[%dma_start3A_1433, %multiple_of3A_1410] : memref<32x1000000xf32, #tpu.memory_space<hbm>> -> memref<32x128xf32, #tpu.memory_space<hbm>>
        %dma_start3A_1435 = tpu.memref_slice %arg13[%dma_start3A_1428] : memref<8x!tpu.dma_semaphore, #tpu.memory_space<semaphore_mem>> -> memref<1x!tpu.dma_semaphore, #tpu.memory_space<semaphore_mem>>
        %dma_start3A_1436 = tpu.memref_squeeze %dma_start3A_1435 : memref<1x!tpu.dma_semaphore, #tpu.memory_space<semaphore_mem>> -> memref<!tpu.dma_semaphore, #tpu.memory_space<semaphore_mem>>
        %dma_start3A_1437 = arith.constant 0 : i32
        %dma_start3A_1438 = arith.constant 0 : i32
        %dma_start3A_1439 = tpu.memref_slice %arg10[%dma_start3A_1427, %dma_start3A_1437, %dma_start3A_1438] : memref<8x32x128xf32, #tpu.memory_space<vmem>> -> memref<1x32x128xf32, #tpu.memory_space<vmem>>
        %dma_start3A_1440 = tpu.memref_squeeze %dma_start3A_1439 : memref<1x32x128xf32, #tpu.memory_space<vmem>> -> memref<32x128xf32, #tpu.memory_space<vmem>>
        %dma_start3A_1441 = arith.constant 0 : i32
        %dma_start3A_1442 = tpu.memref_slice %arg5[%dma_start3A_1441, %multiple_of3A_1410] : memref<32x1000000xf32, #tpu.memory_space<hbm>> -> memref<32x128xf32, #tpu.memory_space<hbm>>
        tpu.enqueue_dma source(%dma_start3A_1442 : memref<32x128xf32, #tpu.memory_space<hbm>>) target(%dma_start3A_1440 : memref<32x128xf32, #tpu.memory_space<vmem>>) target_semaphore(%dma_start3A_1436 : memref<!tpu.dma_semaphore, #tpu.memory_space<semaphore_mem>>)
      } else {
      }
      %mul3A_934 = arith.mulf %gather3A_923, %gather3A_925 : vector<16xf32>
      %mul3A_935 = arith.mulf %gather3A_924, %gather3A_926 : vector<16xf32>
      %add3A_936 = arith.addf %mul3A_934, %mul3A_935 : vector<16xf32>
      %reduce_sum3A_937 = arith.constant true
      %reduce_sum3A_938 = vector.broadcast %reduce_sum3A_937 : i1 to vector<16xi1>
      %reduce_sum3A_939 = tpu.scan <sum>, %add3A_936 masked %reduce_sum3A_938 : vector<16xf32>, vector<16xi1> -> vector<16xf32>
      %reduce_sum3A_940 = vector.extract %reduce_sum3A_939[15] : f32 from vector<16xf32>
      %broadcast_in_dim3A_941 = vector.broadcast %add3A_844 : i32 to vector<16xi32>
      %broadcast_in_dim3A_942 = vector.broadcast %reduce_sum3A_940 : f32 to vector<16xf32>
      %eq3A_943 = arith.constant 0 : i32
      %eq3A_944 = vector.broadcast %eq3A_943 : i32 to vector<16xi32>
      %eq3A_945 = arith.cmpi eq, %iota3A, %eq3A_944 : vector<16xi32>
      tpu.vector_store_idx %arg11[%broadcast_in_dim3A_941], %broadcast_in_dim3A_942 masked %eq3A_945 : memref<512xf32, #tpu.memory_space<vmem>>[vector<16xi32>], vector<16xf32>, vector<16xi1>
      %mul3A_946 = arith.constant 8 : i32
      %mul3A_947 = arith.muli %scan3A_531, %mul3A_946 : i32
      %add3A_948 = arith.constant 4 : i32
      %add3A_949 = arith.addi %mul3A_947, %add3A_948 : i32
      %dma_wait3A_950 = arith.constant 4 : i32
      %dma_wait3A_951 = arith.constant 4 : i32
      %dma_wait3A_952 = arith.constant 0 : i32
      %dma_wait3A_953 = arith.constant 0 : i32
      %dma_wait3A_954 = tpu.memref_slice %arg9[%dma_wait3A_950, %dma_wait3A_952, %dma_wait3A_953] : memref<8x32x128xf32, #tpu.memory_space<vmem>> -> memref<1x32x128xf32, #tpu.memory_space<vmem>>
      %dma_wait3A_955 = tpu.memref_squeeze %dma_wait3A_954 : memref<1x32x128xf32, #tpu.memory_space<vmem>> -> memref<32x128xf32, #tpu.memory_space<vmem>>
      %dma_wait3A_956 = arith.constant 0 : i32
      %dma_wait3A_957 = arith.constant 0 : i32
      %dma_wait3A_958 = tpu.memref_slice %arg4[%dma_wait3A_956, %dma_wait3A_957] : memref<32x1000000xf32, #tpu.memory_space<hbm>> -> memref<32x128xf32, #tpu.memory_space<hbm>>
      %dma_wait3A_959 = tpu.memref_slice %arg12[%dma_wait3A_951] : memref<8x!tpu.dma_semaphore, #tpu.memory_space<semaphore_mem>> -> memref<1x!tpu.dma_semaphore, #tpu.memory_space<semaphore_mem>>
      %dma_wait3A_960 = tpu.memref_squeeze %dma_wait3A_959 : memref<1x!tpu.dma_semaphore, #tpu.memory_space<semaphore_mem>> -> memref<!tpu.dma_semaphore, #tpu.memory_space<semaphore_mem>>
      %dma_wait3A_961 = arith.constant 0 : i32
      %dma_wait3A_962 = arith.constant 0 : i32
      %dma_wait3A_963 = tpu.memref_slice %arg9[%dma_wait3A_950, %dma_wait3A_961, %dma_wait3A_962] : memref<8x32x128xf32, #tpu.memory_space<vmem>> -> memref<1x32x128xf32, #tpu.memory_space<vmem>>
      %dma_wait3A_964 = tpu.memref_squeeze %dma_wait3A_963 : memref<1x32x128xf32, #tpu.memory_space<vmem>> -> memref<32x128xf32, #tpu.memory_space<vmem>>
      %dma_wait3A_965 = arith.constant 0 : i32
      %dma_wait3A_966 = arith.constant 0 : i32
      %dma_wait3A_967 = tpu.memref_slice %arg4[%dma_wait3A_965, %dma_wait3A_966] : memref<32x1000000xf32, #tpu.memory_space<hbm>> -> memref<32x128xf32, #tpu.memory_space<hbm>>
      tpu.wait_dma2 semaphore(%dma_wait3A_960 : memref<!tpu.dma_semaphore, #tpu.memory_space<semaphore_mem>>) src(%dma_wait3A_967 : memref<32x128xf32, #tpu.memory_space<hbm>>) dst(%dma_wait3A_964 : memref<32x128xf32, #tpu.memory_space<vmem>>)
      %dma_wait3A_968 = arith.constant 4 : i32
      %dma_wait3A_969 = arith.constant 4 : i32
      %dma_wait3A_970 = arith.constant 0 : i32
      %dma_wait3A_971 = arith.constant 0 : i32
      %dma_wait3A_972 = tpu.memref_slice %arg10[%dma_wait3A_968, %dma_wait3A_970, %dma_wait3A_971] : memref<8x32x128xf32, #tpu.memory_space<vmem>> -> memref<1x32x128xf32, #tpu.memory_space<vmem>>
      %dma_wait3A_973 = tpu.memref_squeeze %dma_wait3A_972 : memref<1x32x128xf32, #tpu.memory_space<vmem>> -> memref<32x128xf32, #tpu.memory_space<vmem>>
      %dma_wait3A_974 = arith.constant 0 : i32
      %dma_wait3A_975 = arith.constant 0 : i32
      %dma_wait3A_976 = tpu.memref_slice %arg5[%dma_wait3A_974, %dma_wait3A_975] : memref<32x1000000xf32, #tpu.memory_space<hbm>> -> memref<32x128xf32, #tpu.memory_space<hbm>>
      %dma_wait3A_977 = tpu.memref_slice %arg13[%dma_wait3A_969] : memref<8x!tpu.dma_semaphore, #tpu.memory_space<semaphore_mem>> -> memref<1x!tpu.dma_semaphore, #tpu.memory_space<semaphore_mem>>
      %dma_wait3A_978 = tpu.memref_squeeze %dma_wait3A_977 : memref<1x!tpu.dma_semaphore, #tpu.memory_space<semaphore_mem>> -> memref<!tpu.dma_semaphore, #tpu.memory_space<semaphore_mem>>
      %dma_wait3A_979 = arith.constant 0 : i32
      %dma_wait3A_980 = arith.constant 0 : i32
      %dma_wait3A_981 = tpu.memref_slice %arg10[%dma_wait3A_968, %dma_wait3A_979, %dma_wait3A_980] : memref<8x32x128xf32, #tpu.memory_space<vmem>> -> memref<1x32x128xf32, #tpu.memory_space<vmem>>
      %dma_wait3A_982 = tpu.memref_squeeze %dma_wait3A_981 : memref<1x32x128xf32, #tpu.memory_space<vmem>> -> memref<32x128xf32, #tpu.memory_space<vmem>>
      %dma_wait3A_983 = arith.constant 0 : i32
      %dma_wait3A_984 = arith.constant 0 : i32
      %dma_wait3A_985 = tpu.memref_slice %arg5[%dma_wait3A_983, %dma_wait3A_984] : memref<32x1000000xf32, #tpu.memory_space<hbm>> -> memref<32x128xf32, #tpu.memory_space<hbm>>
      tpu.wait_dma2 semaphore(%dma_wait3A_978 : memref<!tpu.dma_semaphore, #tpu.memory_space<semaphore_mem>>) src(%dma_wait3A_985 : memref<32x128xf32, #tpu.memory_space<hbm>>) dst(%dma_wait3A_982 : memref<32x128xf32, #tpu.memory_space<vmem>>)
      %shift_right_arithmetic3A_986 = arith.constant 4 : i32
      %shift_right_arithmetic3A_987 = arith.shrsi %add3A_949, %shift_right_arithmetic3A_986 : i32
      %shift_left3A_988 = arith.constant 4 : i32
      %shift_left3A_989 = arith.shli %shift_right_arithmetic3A_987, %shift_left3A_988 : i32
      %get3A_990 = arith.index_cast %shift_left3A_989 : i32 to index
      %get3A_991 = tpu.vector_load %arg7[%get3A_990] {strides = array<i32>} : memref<512xi32, #tpu.memory_space<vmem>>, vector<16xi32>,
      %and3A_992 = arith.constant 15 : i32
      %and3A_993 = arith.andi %add3A_949, %and3A_992 : i32
      %eq3A_994 = vector.broadcast %and3A_993 : i32 to vector<16xi32>
      %eq3A_995 = arith.cmpi eq, %iota3A, %eq3A_994 : vector<16xi32>
      %jit3A_996 = arith.constant 0 : i32
      %broadcast_in_dim3A_997 = vector.broadcast %jit3A_996 : i32 to vector<16xi32>
      %select_n3A_998 = arith.select %eq3A_995, %get3A_991, %broadcast_in_dim3A_997 : vector<16xi1>, vector<16xi32>
      %reduce_sum3A_999 = arith.constant true
      %reduce_sum3A_1000 = vector.broadcast %reduce_sum3A_999 : i1 to vector<16xi1>
      %reduce_sum3A_1001 = tpu.scan <sum>, %select_n3A_998 masked %reduce_sum3A_1000 : vector<16xi32>, vector<16xi1> -> vector<16xi32>
      %reduce_sum3A_1002 = vector.extract %reduce_sum3A_1001[15] : i32 from vector<16xi32>
      %and3A_1003 = arith.constant 127 : i32
      %and3A_1004 = arith.andi %reduce_sum3A_1002, %and3A_1003 : i32
      %broadcast_in_dim3A_1005 = vector.broadcast %and3A_1004 : i32 to vector<16xi32>
      %shift_right_arithmetic3A_1006 = arith.constant 4 : i32
      %shift_right_arithmetic3A_1007 = arith.shrsi %add3A_949, %shift_right_arithmetic3A_1006 : i32
      %shift_left3A_1008 = arith.constant 4 : i32
      %shift_left3A_1009 = arith.shli %shift_right_arithmetic3A_1007, %shift_left3A_1008 : i32
      %get3A_1010 = arith.index_cast %shift_left3A_1009 : i32 to index
      %get3A_1011 = tpu.vector_load %arg8[%get3A_1010] {strides = array<i32>} : memref<512xi32, #tpu.memory_space<vmem>>, vector<16xi32>,
      %and3A_1012 = arith.constant 15 : i32
      %and3A_1013 = arith.andi %add3A_949, %and3A_1012 : i32
      %eq3A_1014 = vector.broadcast %and3A_1013 : i32 to vector<16xi32>
      %eq3A_1015 = arith.cmpi eq, %iota3A, %eq3A_1014 : vector<16xi32>
      %jit3A_1016 = arith.constant 0 : i32
      %broadcast_in_dim3A_1017 = vector.broadcast %jit3A_1016 : i32 to vector<16xi32>
      %select_n3A_1018 = arith.select %eq3A_1015, %get3A_1011, %broadcast_in_dim3A_1017 : vector<16xi1>, vector<16xi32>
      %reduce_sum3A_1019 = arith.constant true
      %reduce_sum3A_1020 = vector.broadcast %reduce_sum3A_1019 : i1 to vector<16xi1>
      %reduce_sum3A_1021 = tpu.scan <sum>, %select_n3A_1018 masked %reduce_sum3A_1020 : vector<16xi32>, vector<16xi1> -> vector<16xi32>
      %reduce_sum3A_1022 = vector.extract %reduce_sum3A_1021[15] : i32 from vector<16xi32>
      %and3A_1023 = arith.constant 127 : i32
      %and3A_1024 = arith.andi %reduce_sum3A_1022, %and3A_1023 : i32
      %broadcast_in_dim3A_1025 = vector.broadcast %and3A_1024 : i32 to vector<16xi32>
      %broadcast_in_dim3A_1026 = arith.constant 4 : i32
      %broadcast_in_dim3A_1027 = vector.broadcast %broadcast_in_dim3A_1026 : i32 to vector<16xi32>
      %gather3A_1028 = tpu.vector_load_idx %arg9[%broadcast_in_dim3A_1027, %iota3A, %broadcast_in_dim3A_1005] : memref<8x32x128xf32, #tpu.memory_space<vmem>>[vector<16xi32>, vector<16xi32>, vector<16xi32>], vector<16xf32>,
      %gather3A_1029 = tpu.vector_load_idx %arg9[%broadcast_in_dim3A_1027, %add3A_524, %broadcast_in_dim3A_1005] : memref<8x32x128xf32, #tpu.memory_space<vmem>>[vector<16xi32>, vector<16xi32>, vector<16xi32>], vector<16xf32>,
      %gather3A_1030 = tpu.vector_load_idx %arg10[%broadcast_in_dim3A_1027, %iota3A, %broadcast_in_dim3A_1025] : memref<8x32x128xf32, #tpu.memory_space<vmem>>[vector<16xi32>, vector<16xi32>, vector<16xi32>], vector<16xf32>,
      %gather3A_1031 = tpu.vector_load_idx %arg10[%broadcast_in_dim3A_1027, %add3A_524, %broadcast_in_dim3A_1025] : memref<8x32x128xf32, #tpu.memory_space<vmem>>[vector<16xi32>, vector<16xi32>, vector<16xi32>], vector<16xf32>,
      %add3A_1032 = arith.constant 8 : i32
      %add3A_1033 = arith.addi %add3A_949, %add3A_1032 : i32
      %lt3A_1034 = arith.constant 512 : i32
      %lt3A_1035 = arith.cmpi slt, %add3A_1033, %lt3A_1034 : i32
      %convert_element_type3A_1036 = arith.extui %lt3A_1035 : i1 to i32
      %cond3A_1037 = arith.constant 0 : i32
      %cond3A_1038 = arith.cmpi ne, %convert_element_type3A_1036, %cond3A_1037 : i32
      scf.if %cond3A_1038 {
        %shift_right_arithmetic3A_1367 = arith.constant 4 : i32
        %shift_right_arithmetic3A_1368 = arith.shrsi %add3A_1033, %shift_right_arithmetic3A_1367 : i32
        %shift_left3A_1369 = arith.constant 4 : i32
        %shift_left3A_1370 = arith.shli %shift_right_arithmetic3A_1368, %shift_left3A_1369 : i32
        %get3A_1371 = arith.index_cast %shift_left3A_1370 : i32 to index
        %get3A_1372 = tpu.vector_load %arg7[%get3A_1371] {strides = array<i32>} : memref<512xi32, #tpu.memory_space<vmem>>, vector<16xi32>,
        %and3A_1373 = arith.constant 15 : i32
        %and3A_1374 = arith.andi %add3A_1033, %and3A_1373 : i32
        %eq3A_1375 = vector.broadcast %and3A_1374 : i32 to vector<16xi32>
        %eq3A_1376 = arith.cmpi eq, %iota3A, %eq3A_1375 : vector<16xi32>
        %jit3A_1377 = arith.constant 0 : i32
        %broadcast_in_dim3A_1378 = vector.broadcast %jit3A_1377 : i32 to vector<16xi32>
        %select_n3A_1379 = arith.select %eq3A_1376, %get3A_1372, %broadcast_in_dim3A_1378 : vector<16xi1>, vector<16xi32>
        %reduce_sum3A_1380 = arith.constant true
        %reduce_sum3A_1381 = vector.broadcast %reduce_sum3A_1380 : i1 to vector<16xi1>
        %reduce_sum3A_1382 = tpu.scan <sum>, %select_n3A_1379 masked %reduce_sum3A_1381 : vector<16xi32>, vector<16xi1> -> vector<16xi32>
        %reduce_sum3A_1383 = vector.extract %reduce_sum3A_1382[15] : i32 from vector<16xi32>
        %shift_right_arithmetic3A_1384 = arith.constant 7 : i32
        %shift_right_arithmetic3A_1385 = arith.shrsi %reduce_sum3A_1383, %shift_right_arithmetic3A_1384 : i32
        %mul3A_1386 = arith.constant 128 : i32
        %mul3A_1387 = arith.muli %shift_right_arithmetic3A_1385, %mul3A_1386 : i32
        %multiple_of3A_1388 = tpu.assume_multiple %mul3A_1387, 128 : i32
        %shift_right_arithmetic3A_1389 = arith.constant 4 : i32
        %shift_right_arithmetic3A_1390 = arith.shrsi %add3A_1033, %shift_right_arithmetic3A_1389 : i32
        %shift_left3A_1391 = arith.constant 4 : i32
        %shift_left3A_1392 = arith.shli %shift_right_arithmetic3A_1390, %shift_left3A_1391 : i32
        %get3A_1393 = arith.index_cast %shift_left3A_1392 : i32 to index
        %get3A_1394 = tpu.vector_load %arg8[%get3A_1393] {strides = array<i32>} : memref<512xi32, #tpu.memory_space<vmem>>, vector<16xi32>,
        %and3A_1395 = arith.constant 15 : i32
        %and3A_1396 = arith.andi %add3A_1033, %and3A_1395 : i32
        %eq3A_1397 = vector.broadcast %and3A_1396 : i32 to vector<16xi32>
        %eq3A_1398 = arith.cmpi eq, %iota3A, %eq3A_1397 : vector<16xi32>
        %jit3A_1399 = arith.constant 0 : i32
        %broadcast_in_dim3A_1400 = vector.broadcast %jit3A_1399 : i32 to vector<16xi32>
        %select_n3A_1401 = arith.select %eq3A_1398, %get3A_1394, %broadcast_in_dim3A_1400 : vector<16xi1>, vector<16xi32>
        %reduce_sum3A_1402 = arith.constant true
        %reduce_sum3A_1403 = vector.broadcast %reduce_sum3A_1402 : i1 to vector<16xi1>
        %reduce_sum3A_1404 = tpu.scan <sum>, %select_n3A_1401 masked %reduce_sum3A_1403 : vector<16xi32>, vector<16xi1> -> vector<16xi32>
        %reduce_sum3A_1405 = vector.extract %reduce_sum3A_1404[15] : i32 from vector<16xi32>
        %shift_right_arithmetic3A_1406 = arith.constant 7 : i32
        %shift_right_arithmetic3A_1407 = arith.shrsi %reduce_sum3A_1405, %shift_right_arithmetic3A_1406 : i32
        %mul3A_1408 = arith.constant 128 : i32
        %mul3A_1409 = arith.muli %shift_right_arithmetic3A_1407, %mul3A_1408 : i32
        %multiple_of3A_1410 = tpu.assume_multiple %mul3A_1409, 128 : i32
        %dma_start3A_1411 = arith.constant 4 : i32
        %dma_start3A_1412 = arith.constant 4 : i32
        %dma_start3A_1413 = arith.constant 0 : i32
        %dma_start3A_1414 = arith.constant 0 : i32
        %dma_start3A_1415 = tpu.memref_slice %arg9[%dma_start3A_1411, %dma_start3A_1413, %dma_start3A_1414] : memref<8x32x128xf32, #tpu.memory_space<vmem>> -> memref<1x32x128xf32, #tpu.memory_space<vmem>>
        %dma_start3A_1416 = tpu.memref_squeeze %dma_start3A_1415 : memref<1x32x128xf32, #tpu.memory_space<vmem>> -> memref<32x128xf32, #tpu.memory_space<vmem>>
        %dma_start3A_1417 = arith.constant 0 : i32
        %dma_start3A_1418 = tpu.memref_slice %arg4[%dma_start3A_1417, %multiple_of3A_1388] : memref<32x1000000xf32, #tpu.memory_space<hbm>> -> memref<32x128xf32, #tpu.memory_space<hbm>>
        %dma_start3A_1419 = tpu.memref_slice %arg12[%dma_start3A_1412] : memref<8x!tpu.dma_semaphore, #tpu.memory_space<semaphore_mem>> -> memref<1x!tpu.dma_semaphore, #tpu.memory_space<semaphore_mem>>
        %dma_start3A_1420 = tpu.memref_squeeze %dma_start3A_1419 : memref<1x!tpu.dma_semaphore, #tpu.memory_space<semaphore_mem>> -> memref<!tpu.dma_semaphore, #tpu.memory_space<semaphore_mem>>
        %dma_start3A_1421 = arith.constant 0 : i32
        %dma_start3A_1422 = arith.constant 0 : i32
        %dma_start3A_1423 = tpu.memref_slice %arg9[%dma_start3A_1411, %dma_start3A_1421, %dma_start3A_1422] : memref<8x32x128xf32, #tpu.memory_space<vmem>> -> memref<1x32x128xf32, #tpu.memory_space<vmem>>
        %dma_start3A_1424 = tpu.memref_squeeze %dma_start3A_1423 : memref<1x32x128xf32, #tpu.memory_space<vmem>> -> memref<32x128xf32, #tpu.memory_space<vmem>>
        %dma_start3A_1425 = arith.constant 0 : i32
        %dma_start3A_1426 = tpu.memref_slice %arg4[%dma_start3A_1425, %multiple_of3A_1388] : memref<32x1000000xf32, #tpu.memory_space<hbm>> -> memref<32x128xf32, #tpu.memory_space<hbm>>
        tpu.enqueue_dma source(%dma_start3A_1426 : memref<32x128xf32, #tpu.memory_space<hbm>>) target(%dma_start3A_1424 : memref<32x128xf32, #tpu.memory_space<vmem>>) target_semaphore(%dma_start3A_1420 : memref<!tpu.dma_semaphore, #tpu.memory_space<semaphore_mem>>)
        %dma_start3A_1427 = arith.constant 4 : i32
        %dma_start3A_1428 = arith.constant 4 : i32
        %dma_start3A_1429 = arith.constant 0 : i32
        %dma_start3A_1430 = arith.constant 0 : i32
        %dma_start3A_1431 = tpu.memref_slice %arg10[%dma_start3A_1427, %dma_start3A_1429, %dma_start3A_1430] : memref<8x32x128xf32, #tpu.memory_space<vmem>> -> memref<1x32x128xf32, #tpu.memory_space<vmem>>
        %dma_start3A_1432 = tpu.memref_squeeze %dma_start3A_1431 : memref<1x32x128xf32, #tpu.memory_space<vmem>> -> memref<32x128xf32, #tpu.memory_space<vmem>>
        %dma_start3A_1433 = arith.constant 0 : i32
        %dma_start3A_1434 = tpu.memref_slice %arg5[%dma_start3A_1433, %multiple_of3A_1410] : memref<32x1000000xf32, #tpu.memory_space<hbm>> -> memref<32x128xf32, #tpu.memory_space<hbm>>
        %dma_start3A_1435 = tpu.memref_slice %arg13[%dma_start3A_1428] : memref<8x!tpu.dma_semaphore, #tpu.memory_space<semaphore_mem>> -> memref<1x!tpu.dma_semaphore, #tpu.memory_space<semaphore_mem>>
        %dma_start3A_1436 = tpu.memref_squeeze %dma_start3A_1435 : memref<1x!tpu.dma_semaphore, #tpu.memory_space<semaphore_mem>> -> memref<!tpu.dma_semaphore, #tpu.memory_space<semaphore_mem>>
        %dma_start3A_1437 = arith.constant 0 : i32
        %dma_start3A_1438 = arith.constant 0 : i32
        %dma_start3A_1439 = tpu.memref_slice %arg10[%dma_start3A_1427, %dma_start3A_1437, %dma_start3A_1438] : memref<8x32x128xf32, #tpu.memory_space<vmem>> -> memref<1x32x128xf32, #tpu.memory_space<vmem>>
        %dma_start3A_1440 = tpu.memref_squeeze %dma_start3A_1439 : memref<1x32x128xf32, #tpu.memory_space<vmem>> -> memref<32x128xf32, #tpu.memory_space<vmem>>
        %dma_start3A_1441 = arith.constant 0 : i32
        %dma_start3A_1442 = tpu.memref_slice %arg5[%dma_start3A_1441, %multiple_of3A_1410] : memref<32x1000000xf32, #tpu.memory_space<hbm>> -> memref<32x128xf32, #tpu.memory_space<hbm>>
        tpu.enqueue_dma source(%dma_start3A_1442 : memref<32x128xf32, #tpu.memory_space<hbm>>) target(%dma_start3A_1440 : memref<32x128xf32, #tpu.memory_space<vmem>>) target_semaphore(%dma_start3A_1436 : memref<!tpu.dma_semaphore, #tpu.memory_space<semaphore_mem>>)
      } else {
      }
      %mul3A_1039 = arith.mulf %gather3A_1028, %gather3A_1030 : vector<16xf32>
      %mul3A_1040 = arith.mulf %gather3A_1029, %gather3A_1031 : vector<16xf32>
      %add3A_1041 = arith.addf %mul3A_1039, %mul3A_1040 : vector<16xf32>
      %reduce_sum3A_1042 = arith.constant true
      %reduce_sum3A_1043 = vector.broadcast %reduce_sum3A_1042 : i1 to vector<16xi1>
      %reduce_sum3A_1044 = tpu.scan <sum>, %add3A_1041 masked %reduce_sum3A_1043 : vector<16xf32>, vector<16xi1> -> vector<16xf32>
      %reduce_sum3A_1045 = vector.extract %reduce_sum3A_1044[15] : f32 from vector<16xf32>
      %broadcast_in_dim3A_1046 = vector.broadcast %add3A_949 : i32 to vector<16xi32>
      %broadcast_in_dim3A_1047 = vector.broadcast %reduce_sum3A_1045 : f32 to vector<16xf32>
      %eq3A_1048 = arith.constant 0 : i32
      %eq3A_1049 = vector.broadcast %eq3A_1048 : i32 to vector<16xi32>
      %eq3A_1050 = arith.cmpi eq, %iota3A, %eq3A_1049 : vector<16xi32>
      tpu.vector_store_idx %arg11[%broadcast_in_dim3A_1046], %broadcast_in_dim3A_1047 masked %eq3A_1050 : memref<512xf32, #tpu.memory_space<vmem>>[vector<16xi32>], vector<16xf32>, vector<16xi1>
      %mul3A_1051 = arith.constant 8 : i32
      %mul3A_1052 = arith.muli %scan3A_531, %mul3A_1051 : i32
      %add3A_1053 = arith.constant 5 : i32
      %add3A_1054 = arith.addi %mul3A_1052, %add3A_1053 : i32
      %dma_wait3A_1055 = arith.constant 5 : i32
      %dma_wait3A_1056 = arith.constant 5 : i32
      %dma_wait3A_1057 = arith.constant 0 : i32
      %dma_wait3A_1058 = arith.constant 0 : i32
      %dma_wait3A_1059 = tpu.memref_slice %arg9[%dma_wait3A_1055, %dma_wait3A_1057, %dma_wait3A_1058] : memref<8x32x128xf32, #tpu.memory_space<vmem>> -> memref<1x32x128xf32, #tpu.memory_space<vmem>>
      %dma_wait3A_1060 = tpu.memref_squeeze %dma_wait3A_1059 : memref<1x32x128xf32, #tpu.memory_space<vmem>> -> memref<32x128xf32, #tpu.memory_space<vmem>>
      %dma_wait3A_1061 = arith.constant 0 : i32
      %dma_wait3A_1062 = arith.constant 0 : i32
      %dma_wait3A_1063 = tpu.memref_slice %arg4[%dma_wait3A_1061, %dma_wait3A_1062] : memref<32x1000000xf32, #tpu.memory_space<hbm>> -> memref<32x128xf32, #tpu.memory_space<hbm>>
      %dma_wait3A_1064 = tpu.memref_slice %arg12[%dma_wait3A_1056] : memref<8x!tpu.dma_semaphore, #tpu.memory_space<semaphore_mem>> -> memref<1x!tpu.dma_semaphore, #tpu.memory_space<semaphore_mem>>
      %dma_wait3A_1065 = tpu.memref_squeeze %dma_wait3A_1064 : memref<1x!tpu.dma_semaphore, #tpu.memory_space<semaphore_mem>> -> memref<!tpu.dma_semaphore, #tpu.memory_space<semaphore_mem>>
      %dma_wait3A_1066 = arith.constant 0 : i32
      %dma_wait3A_1067 = arith.constant 0 : i32
      %dma_wait3A_1068 = tpu.memref_slice %arg9[%dma_wait3A_1055, %dma_wait3A_1066, %dma_wait3A_1067] : memref<8x32x128xf32, #tpu.memory_space<vmem>> -> memref<1x32x128xf32, #tpu.memory_space<vmem>>
      %dma_wait3A_1069 = tpu.memref_squeeze %dma_wait3A_1068 : memref<1x32x128xf32, #tpu.memory_space<vmem>> -> memref<32x128xf32, #tpu.memory_space<vmem>>
      %dma_wait3A_1070 = arith.constant 0 : i32
      %dma_wait3A_1071 = arith.constant 0 : i32
      %dma_wait3A_1072 = tpu.memref_slice %arg4[%dma_wait3A_1070, %dma_wait3A_1071] : memref<32x1000000xf32, #tpu.memory_space<hbm>> -> memref<32x128xf32, #tpu.memory_space<hbm>>
      tpu.wait_dma2 semaphore(%dma_wait3A_1065 : memref<!tpu.dma_semaphore, #tpu.memory_space<semaphore_mem>>) src(%dma_wait3A_1072 : memref<32x128xf32, #tpu.memory_space<hbm>>) dst(%dma_wait3A_1069 : memref<32x128xf32, #tpu.memory_space<vmem>>)
      %dma_wait3A_1073 = arith.constant 5 : i32
      %dma_wait3A_1074 = arith.constant 5 : i32
      %dma_wait3A_1075 = arith.constant 0 : i32
      %dma_wait3A_1076 = arith.constant 0 : i32
      %dma_wait3A_1077 = tpu.memref_slice %arg10[%dma_wait3A_1073, %dma_wait3A_1075, %dma_wait3A_1076] : memref<8x32x128xf32, #tpu.memory_space<vmem>> -> memref<1x32x128xf32, #tpu.memory_space<vmem>>
      %dma_wait3A_1078 = tpu.memref_squeeze %dma_wait3A_1077 : memref<1x32x128xf32, #tpu.memory_space<vmem>> -> memref<32x128xf32, #tpu.memory_space<vmem>>
      %dma_wait3A_1079 = arith.constant 0 : i32
      %dma_wait3A_1080 = arith.constant 0 : i32
      %dma_wait3A_1081 = tpu.memref_slice %arg5[%dma_wait3A_1079, %dma_wait3A_1080] : memref<32x1000000xf32, #tpu.memory_space<hbm>> -> memref<32x128xf32, #tpu.memory_space<hbm>>
      %dma_wait3A_1082 = tpu.memref_slice %arg13[%dma_wait3A_1074] : memref<8x!tpu.dma_semaphore, #tpu.memory_space<semaphore_mem>> -> memref<1x!tpu.dma_semaphore, #tpu.memory_space<semaphore_mem>>
      %dma_wait3A_1083 = tpu.memref_squeeze %dma_wait3A_1082 : memref<1x!tpu.dma_semaphore, #tpu.memory_space<semaphore_mem>> -> memref<!tpu.dma_semaphore, #tpu.memory_space<semaphore_mem>>
      %dma_wait3A_1084 = arith.constant 0 : i32
      %dma_wait3A_1085 = arith.constant 0 : i32
      %dma_wait3A_1086 = tpu.memref_slice %arg10[%dma_wait3A_1073, %dma_wait3A_1084, %dma_wait3A_1085] : memref<8x32x128xf32, #tpu.memory_space<vmem>> -> memref<1x32x128xf32, #tpu.memory_space<vmem>>
      %dma_wait3A_1087 = tpu.memref_squeeze %dma_wait3A_1086 : memref<1x32x128xf32, #tpu.memory_space<vmem>> -> memref<32x128xf32, #tpu.memory_space<vmem>>
      %dma_wait3A_1088 = arith.constant 0 : i32
      %dma_wait3A_1089 = arith.constant 0 : i32
      %dma_wait3A_1090 = tpu.memref_slice %arg5[%dma_wait3A_1088, %dma_wait3A_1089] : memref<32x1000000xf32, #tpu.memory_space<hbm>> -> memref<32x128xf32, #tpu.memory_space<hbm>>
      tpu.wait_dma2 semaphore(%dma_wait3A_1083 : memref<!tpu.dma_semaphore, #tpu.memory_space<semaphore_mem>>) src(%dma_wait3A_1090 : memref<32x128xf32, #tpu.memory_space<hbm>>) dst(%dma_wait3A_1087 : memref<32x128xf32, #tpu.memory_space<vmem>>)
      %shift_right_arithmetic3A_1091 = arith.constant 4 : i32
      %shift_right_arithmetic3A_1092 = arith.shrsi %add3A_1054, %shift_right_arithmetic3A_1091 : i32
      %shift_left3A_1093 = arith.constant 4 : i32
      %shift_left3A_1094 = arith.shli %shift_right_arithmetic3A_1092, %shift_left3A_1093 : i32
      %get3A_1095 = arith.index_cast %shift_left3A_1094 : i32 to index
      %get3A_1096 = tpu.vector_load %arg7[%get3A_1095] {strides = array<i32>} : memref<512xi32, #tpu.memory_space<vmem>>, vector<16xi32>,
      %and3A_1097 = arith.constant 15 : i32
      %and3A_1098 = arith.andi %add3A_1054, %and3A_1097 : i32
      %eq3A_1099 = vector.broadcast %and3A_1098 : i32 to vector<16xi32>
      %eq3A_1100 = arith.cmpi eq, %iota3A, %eq3A_1099 : vector<16xi32>
      %jit3A_1101 = arith.constant 0 : i32
      %broadcast_in_dim3A_1102 = vector.broadcast %jit3A_1101 : i32 to vector<16xi32>
      %select_n3A_1103 = arith.select %eq3A_1100, %get3A_1096, %broadcast_in_dim3A_1102 : vector<16xi1>, vector<16xi32>
      %reduce_sum3A_1104 = arith.constant true
      %reduce_sum3A_1105 = vector.broadcast %reduce_sum3A_1104 : i1 to vector<16xi1>
      %reduce_sum3A_1106 = tpu.scan <sum>, %select_n3A_1103 masked %reduce_sum3A_1105 : vector<16xi32>, vector<16xi1> -> vector<16xi32>
      %reduce_sum3A_1107 = vector.extract %reduce_sum3A_1106[15] : i32 from vector<16xi32>
      %and3A_1108 = arith.constant 127 : i32
      %and3A_1109 = arith.andi %reduce_sum3A_1107, %and3A_1108 : i32
      %broadcast_in_dim3A_1110 = vector.broadcast %and3A_1109 : i32 to vector<16xi32>
      %shift_right_arithmetic3A_1111 = arith.constant 4 : i32
      %shift_right_arithmetic3A_1112 = arith.shrsi %add3A_1054, %shift_right_arithmetic3A_1111 : i32
      %shift_left3A_1113 = arith.constant 4 : i32
      %shift_left3A_1114 = arith.shli %shift_right_arithmetic3A_1112, %shift_left3A_1113 : i32
      %get3A_1115 = arith.index_cast %shift_left3A_1114 : i32 to index
      %get3A_1116 = tpu.vector_load %arg8[%get3A_1115] {strides = array<i32>} : memref<512xi32, #tpu.memory_space<vmem>>, vector<16xi32>,
      %and3A_1117 = arith.constant 15 : i32
      %and3A_1118 = arith.andi %add3A_1054, %and3A_1117 : i32
      %eq3A_1119 = vector.broadcast %and3A_1118 : i32 to vector<16xi32>
      %eq3A_1120 = arith.cmpi eq, %iota3A, %eq3A_1119 : vector<16xi32>
      %jit3A_1121 = arith.constant 0 : i32
      %broadcast_in_dim3A_1122 = vector.broadcast %jit3A_1121 : i32 to vector<16xi32>
      %select_n3A_1123 = arith.select %eq3A_1120, %get3A_1116, %broadcast_in_dim3A_1122 : vector<16xi1>, vector<16xi32>
      %reduce_sum3A_1124 = arith.constant true
      %reduce_sum3A_1125 = vector.broadcast %reduce_sum3A_1124 : i1 to vector<16xi1>
      %reduce_sum3A_1126 = tpu.scan <sum>, %select_n3A_1123 masked %reduce_sum3A_1125 : vector<16xi32>, vector<16xi1> -> vector<16xi32>
      %reduce_sum3A_1127 = vector.extract %reduce_sum3A_1126[15] : i32 from vector<16xi32>
      %and3A_1128 = arith.constant 127 : i32
      %and3A_1129 = arith.andi %reduce_sum3A_1127, %and3A_1128 : i32
      %broadcast_in_dim3A_1130 = vector.broadcast %and3A_1129 : i32 to vector<16xi32>
      %broadcast_in_dim3A_1131 = arith.constant 5 : i32
      %broadcast_in_dim3A_1132 = vector.broadcast %broadcast_in_dim3A_1131 : i32 to vector<16xi32>
      %gather3A_1133 = tpu.vector_load_idx %arg9[%broadcast_in_dim3A_1132, %iota3A, %broadcast_in_dim3A_1110] : memref<8x32x128xf32, #tpu.memory_space<vmem>>[vector<16xi32>, vector<16xi32>, vector<16xi32>], vector<16xf32>,
      %gather3A_1134 = tpu.vector_load_idx %arg9[%broadcast_in_dim3A_1132, %add3A_524, %broadcast_in_dim3A_1110] : memref<8x32x128xf32, #tpu.memory_space<vmem>>[vector<16xi32>, vector<16xi32>, vector<16xi32>], vector<16xf32>,
      %gather3A_1135 = tpu.vector_load_idx %arg10[%broadcast_in_dim3A_1132, %iota3A, %broadcast_in_dim3A_1130] : memref<8x32x128xf32, #tpu.memory_space<vmem>>[vector<16xi32>, vector<16xi32>, vector<16xi32>], vector<16xf32>,
      %gather3A_1136 = tpu.vector_load_idx %arg10[%broadcast_in_dim3A_1132, %add3A_524, %broadcast_in_dim3A_1130] : memref<8x32x128xf32, #tpu.memory_space<vmem>>[vector<16xi32>, vector<16xi32>, vector<16xi32>], vector<16xf32>,
      %add3A_1137 = arith.constant 8 : i32
      %add3A_1138 = arith.addi %add3A_1054, %add3A_1137 : i32
      %lt3A_1139 = arith.constant 512 : i32
      %lt3A_1140 = arith.cmpi slt, %add3A_1138, %lt3A_1139 : i32
      %convert_element_type3A_1141 = arith.extui %lt3A_1140 : i1 to i32
      %cond3A_1142 = arith.constant 0 : i32
      %cond3A_1143 = arith.cmpi ne, %convert_element_type3A_1141, %cond3A_1142 : i32
      scf.if %cond3A_1143 {
        %shift_right_arithmetic3A_1367 = arith.constant 4 : i32
        %shift_right_arithmetic3A_1368 = arith.shrsi %add3A_1138, %shift_right_arithmetic3A_1367 : i32
        %shift_left3A_1369 = arith.constant 4 : i32
        %shift_left3A_1370 = arith.shli %shift_right_arithmetic3A_1368, %shift_left3A_1369 : i32
        %get3A_1371 = arith.index_cast %shift_left3A_1370 : i32 to index
        %get3A_1372 = tpu.vector_load %arg7[%get3A_1371] {strides = array<i32>} : memref<512xi32, #tpu.memory_space<vmem>>, vector<16xi32>,
        %and3A_1373 = arith.constant 15 : i32
        %and3A_1374 = arith.andi %add3A_1138, %and3A_1373 : i32
        %eq3A_1375 = vector.broadcast %and3A_1374 : i32 to vector<16xi32>
        %eq3A_1376 = arith.cmpi eq, %iota3A, %eq3A_1375 : vector<16xi32>
        %jit3A_1377 = arith.constant 0 : i32
        %broadcast_in_dim3A_1378 = vector.broadcast %jit3A_1377 : i32 to vector<16xi32>
        %select_n3A_1379 = arith.select %eq3A_1376, %get3A_1372, %broadcast_in_dim3A_1378 : vector<16xi1>, vector<16xi32>
        %reduce_sum3A_1380 = arith.constant true
        %reduce_sum3A_1381 = vector.broadcast %reduce_sum3A_1380 : i1 to vector<16xi1>
        %reduce_sum3A_1382 = tpu.scan <sum>, %select_n3A_1379 masked %reduce_sum3A_1381 : vector<16xi32>, vector<16xi1> -> vector<16xi32>
        %reduce_sum3A_1383 = vector.extract %reduce_sum3A_1382[15] : i32 from vector<16xi32>
        %shift_right_arithmetic3A_1384 = arith.constant 7 : i32
        %shift_right_arithmetic3A_1385 = arith.shrsi %reduce_sum3A_1383, %shift_right_arithmetic3A_1384 : i32
        %mul3A_1386 = arith.constant 128 : i32
        %mul3A_1387 = arith.muli %shift_right_arithmetic3A_1385, %mul3A_1386 : i32
        %multiple_of3A_1388 = tpu.assume_multiple %mul3A_1387, 128 : i32
        %shift_right_arithmetic3A_1389 = arith.constant 4 : i32
        %shift_right_arithmetic3A_1390 = arith.shrsi %add3A_1138, %shift_right_arithmetic3A_1389 : i32
        %shift_left3A_1391 = arith.constant 4 : i32
        %shift_left3A_1392 = arith.shli %shift_right_arithmetic3A_1390, %shift_left3A_1391 : i32
        %get3A_1393 = arith.index_cast %shift_left3A_1392 : i32 to index
        %get3A_1394 = tpu.vector_load %arg8[%get3A_1393] {strides = array<i32>} : memref<512xi32, #tpu.memory_space<vmem>>, vector<16xi32>,
        %and3A_1395 = arith.constant 15 : i32
        %and3A_1396 = arith.andi %add3A_1138, %and3A_1395 : i32
        %eq3A_1397 = vector.broadcast %and3A_1396 : i32 to vector<16xi32>
        %eq3A_1398 = arith.cmpi eq, %iota3A, %eq3A_1397 : vector<16xi32>
        %jit3A_1399 = arith.constant 0 : i32
        %broadcast_in_dim3A_1400 = vector.broadcast %jit3A_1399 : i32 to vector<16xi32>
        %select_n3A_1401 = arith.select %eq3A_1398, %get3A_1394, %broadcast_in_dim3A_1400 : vector<16xi1>, vector<16xi32>
        %reduce_sum3A_1402 = arith.constant true
        %reduce_sum3A_1403 = vector.broadcast %reduce_sum3A_1402 : i1 to vector<16xi1>
        %reduce_sum3A_1404 = tpu.scan <sum>, %select_n3A_1401 masked %reduce_sum3A_1403 : vector<16xi32>, vector<16xi1> -> vector<16xi32>
        %reduce_sum3A_1405 = vector.extract %reduce_sum3A_1404[15] : i32 from vector<16xi32>
        %shift_right_arithmetic3A_1406 = arith.constant 7 : i32
        %shift_right_arithmetic3A_1407 = arith.shrsi %reduce_sum3A_1405, %shift_right_arithmetic3A_1406 : i32
        %mul3A_1408 = arith.constant 128 : i32
        %mul3A_1409 = arith.muli %shift_right_arithmetic3A_1407, %mul3A_1408 : i32
        %multiple_of3A_1410 = tpu.assume_multiple %mul3A_1409, 128 : i32
        %dma_start3A_1411 = arith.constant 5 : i32
        %dma_start3A_1412 = arith.constant 5 : i32
        %dma_start3A_1413 = arith.constant 0 : i32
        %dma_start3A_1414 = arith.constant 0 : i32
        %dma_start3A_1415 = tpu.memref_slice %arg9[%dma_start3A_1411, %dma_start3A_1413, %dma_start3A_1414] : memref<8x32x128xf32, #tpu.memory_space<vmem>> -> memref<1x32x128xf32, #tpu.memory_space<vmem>>
        %dma_start3A_1416 = tpu.memref_squeeze %dma_start3A_1415 : memref<1x32x128xf32, #tpu.memory_space<vmem>> -> memref<32x128xf32, #tpu.memory_space<vmem>>
        %dma_start3A_1417 = arith.constant 0 : i32
        %dma_start3A_1418 = tpu.memref_slice %arg4[%dma_start3A_1417, %multiple_of3A_1388] : memref<32x1000000xf32, #tpu.memory_space<hbm>> -> memref<32x128xf32, #tpu.memory_space<hbm>>
        %dma_start3A_1419 = tpu.memref_slice %arg12[%dma_start3A_1412] : memref<8x!tpu.dma_semaphore, #tpu.memory_space<semaphore_mem>> -> memref<1x!tpu.dma_semaphore, #tpu.memory_space<semaphore_mem>>
        %dma_start3A_1420 = tpu.memref_squeeze %dma_start3A_1419 : memref<1x!tpu.dma_semaphore, #tpu.memory_space<semaphore_mem>> -> memref<!tpu.dma_semaphore, #tpu.memory_space<semaphore_mem>>
        %dma_start3A_1421 = arith.constant 0 : i32
        %dma_start3A_1422 = arith.constant 0 : i32
        %dma_start3A_1423 = tpu.memref_slice %arg9[%dma_start3A_1411, %dma_start3A_1421, %dma_start3A_1422] : memref<8x32x128xf32, #tpu.memory_space<vmem>> -> memref<1x32x128xf32, #tpu.memory_space<vmem>>
        %dma_start3A_1424 = tpu.memref_squeeze %dma_start3A_1423 : memref<1x32x128xf32, #tpu.memory_space<vmem>> -> memref<32x128xf32, #tpu.memory_space<vmem>>
        %dma_start3A_1425 = arith.constant 0 : i32
        %dma_start3A_1426 = tpu.memref_slice %arg4[%dma_start3A_1425, %multiple_of3A_1388] : memref<32x1000000xf32, #tpu.memory_space<hbm>> -> memref<32x128xf32, #tpu.memory_space<hbm>>
        tpu.enqueue_dma source(%dma_start3A_1426 : memref<32x128xf32, #tpu.memory_space<hbm>>) target(%dma_start3A_1424 : memref<32x128xf32, #tpu.memory_space<vmem>>) target_semaphore(%dma_start3A_1420 : memref<!tpu.dma_semaphore, #tpu.memory_space<semaphore_mem>>)
        %dma_start3A_1427 = arith.constant 5 : i32
        %dma_start3A_1428 = arith.constant 5 : i32
        %dma_start3A_1429 = arith.constant 0 : i32
        %dma_start3A_1430 = arith.constant 0 : i32
        %dma_start3A_1431 = tpu.memref_slice %arg10[%dma_start3A_1427, %dma_start3A_1429, %dma_start3A_1430] : memref<8x32x128xf32, #tpu.memory_space<vmem>> -> memref<1x32x128xf32, #tpu.memory_space<vmem>>
        %dma_start3A_1432 = tpu.memref_squeeze %dma_start3A_1431 : memref<1x32x128xf32, #tpu.memory_space<vmem>> -> memref<32x128xf32, #tpu.memory_space<vmem>>
        %dma_start3A_1433 = arith.constant 0 : i32
        %dma_start3A_1434 = tpu.memref_slice %arg5[%dma_start3A_1433, %multiple_of3A_1410] : memref<32x1000000xf32, #tpu.memory_space<hbm>> -> memref<32x128xf32, #tpu.memory_space<hbm>>
        %dma_start3A_1435 = tpu.memref_slice %arg13[%dma_start3A_1428] : memref<8x!tpu.dma_semaphore, #tpu.memory_space<semaphore_mem>> -> memref<1x!tpu.dma_semaphore, #tpu.memory_space<semaphore_mem>>
        %dma_start3A_1436 = tpu.memref_squeeze %dma_start3A_1435 : memref<1x!tpu.dma_semaphore, #tpu.memory_space<semaphore_mem>> -> memref<!tpu.dma_semaphore, #tpu.memory_space<semaphore_mem>>
        %dma_start3A_1437 = arith.constant 0 : i32
        %dma_start3A_1438 = arith.constant 0 : i32
        %dma_start3A_1439 = tpu.memref_slice %arg10[%dma_start3A_1427, %dma_start3A_1437, %dma_start3A_1438] : memref<8x32x128xf32, #tpu.memory_space<vmem>> -> memref<1x32x128xf32, #tpu.memory_space<vmem>>
        %dma_start3A_1440 = tpu.memref_squeeze %dma_start3A_1439 : memref<1x32x128xf32, #tpu.memory_space<vmem>> -> memref<32x128xf32, #tpu.memory_space<vmem>>
        %dma_start3A_1441 = arith.constant 0 : i32
        %dma_start3A_1442 = tpu.memref_slice %arg5[%dma_start3A_1441, %multiple_of3A_1410] : memref<32x1000000xf32, #tpu.memory_space<hbm>> -> memref<32x128xf32, #tpu.memory_space<hbm>>
        tpu.enqueue_dma source(%dma_start3A_1442 : memref<32x128xf32, #tpu.memory_space<hbm>>) target(%dma_start3A_1440 : memref<32x128xf32, #tpu.memory_space<vmem>>) target_semaphore(%dma_start3A_1436 : memref<!tpu.dma_semaphore, #tpu.memory_space<semaphore_mem>>)
      } else {
      }
      %mul3A_1144 = arith.mulf %gather3A_1133, %gather3A_1135 : vector<16xf32>
      %mul3A_1145 = arith.mulf %gather3A_1134, %gather3A_1136 : vector<16xf32>
      %add3A_1146 = arith.addf %mul3A_1144, %mul3A_1145 : vector<16xf32>
      %reduce_sum3A_1147 = arith.constant true
      %reduce_sum3A_1148 = vector.broadcast %reduce_sum3A_1147 : i1 to vector<16xi1>
      %reduce_sum3A_1149 = tpu.scan <sum>, %add3A_1146 masked %reduce_sum3A_1148 : vector<16xf32>, vector<16xi1> -> vector<16xf32>
      %reduce_sum3A_1150 = vector.extract %reduce_sum3A_1149[15] : f32 from vector<16xf32>
      %broadcast_in_dim3A_1151 = vector.broadcast %add3A_1054 : i32 to vector<16xi32>
      %broadcast_in_dim3A_1152 = vector.broadcast %reduce_sum3A_1150 : f32 to vector<16xf32>
      %eq3A_1153 = arith.constant 0 : i32
      %eq3A_1154 = vector.broadcast %eq3A_1153 : i32 to vector<16xi32>
      %eq3A_1155 = arith.cmpi eq, %iota3A, %eq3A_1154 : vector<16xi32>
      tpu.vector_store_idx %arg11[%broadcast_in_dim3A_1151], %broadcast_in_dim3A_1152 masked %eq3A_1155 : memref<512xf32, #tpu.memory_space<vmem>>[vector<16xi32>], vector<16xf32>, vector<16xi1>
      %mul3A_1156 = arith.constant 8 : i32
      %mul3A_1157 = arith.muli %scan3A_531, %mul3A_1156 : i32
      %add3A_1158 = arith.constant 6 : i32
      %add3A_1159 = arith.addi %mul3A_1157, %add3A_1158 : i32
      %dma_wait3A_1160 = arith.constant 6 : i32
      %dma_wait3A_1161 = arith.constant 6 : i32
      %dma_wait3A_1162 = arith.constant 0 : i32
      %dma_wait3A_1163 = arith.constant 0 : i32
      %dma_wait3A_1164 = tpu.memref_slice %arg9[%dma_wait3A_1160, %dma_wait3A_1162, %dma_wait3A_1163] : memref<8x32x128xf32, #tpu.memory_space<vmem>> -> memref<1x32x128xf32, #tpu.memory_space<vmem>>
      %dma_wait3A_1165 = tpu.memref_squeeze %dma_wait3A_1164 : memref<1x32x128xf32, #tpu.memory_space<vmem>> -> memref<32x128xf32, #tpu.memory_space<vmem>>
      %dma_wait3A_1166 = arith.constant 0 : i32
      %dma_wait3A_1167 = arith.constant 0 : i32
      %dma_wait3A_1168 = tpu.memref_slice %arg4[%dma_wait3A_1166, %dma_wait3A_1167] : memref<32x1000000xf32, #tpu.memory_space<hbm>> -> memref<32x128xf32, #tpu.memory_space<hbm>>
      %dma_wait3A_1169 = tpu.memref_slice %arg12[%dma_wait3A_1161] : memref<8x!tpu.dma_semaphore, #tpu.memory_space<semaphore_mem>> -> memref<1x!tpu.dma_semaphore, #tpu.memory_space<semaphore_mem>>
      %dma_wait3A_1170 = tpu.memref_squeeze %dma_wait3A_1169 : memref<1x!tpu.dma_semaphore, #tpu.memory_space<semaphore_mem>> -> memref<!tpu.dma_semaphore, #tpu.memory_space<semaphore_mem>>
      %dma_wait3A_1171 = arith.constant 0 : i32
      %dma_wait3A_1172 = arith.constant 0 : i32
      %dma_wait3A_1173 = tpu.memref_slice %arg9[%dma_wait3A_1160, %dma_wait3A_1171, %dma_wait3A_1172] : memref<8x32x128xf32, #tpu.memory_space<vmem>> -> memref<1x32x128xf32, #tpu.memory_space<vmem>>
      %dma_wait3A_1174 = tpu.memref_squeeze %dma_wait3A_1173 : memref<1x32x128xf32, #tpu.memory_space<vmem>> -> memref<32x128xf32, #tpu.memory_space<vmem>>
      %dma_wait3A_1175 = arith.constant 0 : i32
      %dma_wait3A_1176 = arith.constant 0 : i32
      %dma_wait3A_1177 = tpu.memref_slice %arg4[%dma_wait3A_1175, %dma_wait3A_1176] : memref<32x1000000xf32, #tpu.memory_space<hbm>> -> memref<32x128xf32, #tpu.memory_space<hbm>>
      tpu.wait_dma2 semaphore(%dma_wait3A_1170 : memref<!tpu.dma_semaphore, #tpu.memory_space<semaphore_mem>>) src(%dma_wait3A_1177 : memref<32x128xf32, #tpu.memory_space<hbm>>) dst(%dma_wait3A_1174 : memref<32x128xf32, #tpu.memory_space<vmem>>)
      %dma_wait3A_1178 = arith.constant 6 : i32
      %dma_wait3A_1179 = arith.constant 6 : i32
      %dma_wait3A_1180 = arith.constant 0 : i32
      %dma_wait3A_1181 = arith.constant 0 : i32
      %dma_wait3A_1182 = tpu.memref_slice %arg10[%dma_wait3A_1178, %dma_wait3A_1180, %dma_wait3A_1181] : memref<8x32x128xf32, #tpu.memory_space<vmem>> -> memref<1x32x128xf32, #tpu.memory_space<vmem>>
      %dma_wait3A_1183 = tpu.memref_squeeze %dma_wait3A_1182 : memref<1x32x128xf32, #tpu.memory_space<vmem>> -> memref<32x128xf32, #tpu.memory_space<vmem>>
      %dma_wait3A_1184 = arith.constant 0 : i32
      %dma_wait3A_1185 = arith.constant 0 : i32
      %dma_wait3A_1186 = tpu.memref_slice %arg5[%dma_wait3A_1184, %dma_wait3A_1185] : memref<32x1000000xf32, #tpu.memory_space<hbm>> -> memref<32x128xf32, #tpu.memory_space<hbm>>
      %dma_wait3A_1187 = tpu.memref_slice %arg13[%dma_wait3A_1179] : memref<8x!tpu.dma_semaphore, #tpu.memory_space<semaphore_mem>> -> memref<1x!tpu.dma_semaphore, #tpu.memory_space<semaphore_mem>>
      %dma_wait3A_1188 = tpu.memref_squeeze %dma_wait3A_1187 : memref<1x!tpu.dma_semaphore, #tpu.memory_space<semaphore_mem>> -> memref<!tpu.dma_semaphore, #tpu.memory_space<semaphore_mem>>
      %dma_wait3A_1189 = arith.constant 0 : i32
      %dma_wait3A_1190 = arith.constant 0 : i32
      %dma_wait3A_1191 = tpu.memref_slice %arg10[%dma_wait3A_1178, %dma_wait3A_1189, %dma_wait3A_1190] : memref<8x32x128xf32, #tpu.memory_space<vmem>> -> memref<1x32x128xf32, #tpu.memory_space<vmem>>
      %dma_wait3A_1192 = tpu.memref_squeeze %dma_wait3A_1191 : memref<1x32x128xf32, #tpu.memory_space<vmem>> -> memref<32x128xf32, #tpu.memory_space<vmem>>
      %dma_wait3A_1193 = arith.constant 0 : i32
      %dma_wait3A_1194 = arith.constant 0 : i32
      %dma_wait3A_1195 = tpu.memref_slice %arg5[%dma_wait3A_1193, %dma_wait3A_1194] : memref<32x1000000xf32, #tpu.memory_space<hbm>> -> memref<32x128xf32, #tpu.memory_space<hbm>>
      tpu.wait_dma2 semaphore(%dma_wait3A_1188 : memref<!tpu.dma_semaphore, #tpu.memory_space<semaphore_mem>>) src(%dma_wait3A_1195 : memref<32x128xf32, #tpu.memory_space<hbm>>) dst(%dma_wait3A_1192 : memref<32x128xf32, #tpu.memory_space<vmem>>)
      %shift_right_arithmetic3A_1196 = arith.constant 4 : i32
      %shift_right_arithmetic3A_1197 = arith.shrsi %add3A_1159, %shift_right_arithmetic3A_1196 : i32
      %shift_left3A_1198 = arith.constant 4 : i32
      %shift_left3A_1199 = arith.shli %shift_right_arithmetic3A_1197, %shift_left3A_1198 : i32
      %get3A_1200 = arith.index_cast %shift_left3A_1199 : i32 to index
      %get3A_1201 = tpu.vector_load %arg7[%get3A_1200] {strides = array<i32>} : memref<512xi32, #tpu.memory_space<vmem>>, vector<16xi32>,
      %and3A_1202 = arith.constant 15 : i32
      %and3A_1203 = arith.andi %add3A_1159, %and3A_1202 : i32
      %eq3A_1204 = vector.broadcast %and3A_1203 : i32 to vector<16xi32>
      %eq3A_1205 = arith.cmpi eq, %iota3A, %eq3A_1204 : vector<16xi32>
      %jit3A_1206 = arith.constant 0 : i32
      %broadcast_in_dim3A_1207 = vector.broadcast %jit3A_1206 : i32 to vector<16xi32>
      %select_n3A_1208 = arith.select %eq3A_1205, %get3A_1201, %broadcast_in_dim3A_1207 : vector<16xi1>, vector<16xi32>
      %reduce_sum3A_1209 = arith.constant true
      %reduce_sum3A_1210 = vector.broadcast %reduce_sum3A_1209 : i1 to vector<16xi1>
      %reduce_sum3A_1211 = tpu.scan <sum>, %select_n3A_1208 masked %reduce_sum3A_1210 : vector<16xi32>, vector<16xi1> -> vector<16xi32>
      %reduce_sum3A_1212 = vector.extract %reduce_sum3A_1211[15] : i32 from vector<16xi32>
      %and3A_1213 = arith.constant 127 : i32
      %and3A_1214 = arith.andi %reduce_sum3A_1212, %and3A_1213 : i32
      %broadcast_in_dim3A_1215 = vector.broadcast %and3A_1214 : i32 to vector<16xi32>
      %shift_right_arithmetic3A_1216 = arith.constant 4 : i32
      %shift_right_arithmetic3A_1217 = arith.shrsi %add3A_1159, %shift_right_arithmetic3A_1216 : i32
      %shift_left3A_1218 = arith.constant 4 : i32
      %shift_left3A_1219 = arith.shli %shift_right_arithmetic3A_1217, %shift_left3A_1218 : i32
      %get3A_1220 = arith.index_cast %shift_left3A_1219 : i32 to index
      %get3A_1221 = tpu.vector_load %arg8[%get3A_1220] {strides = array<i32>} : memref<512xi32, #tpu.memory_space<vmem>>, vector<16xi32>,
      %and3A_1222 = arith.constant 15 : i32
      %and3A_1223 = arith.andi %add3A_1159, %and3A_1222 : i32
      %eq3A_1224 = vector.broadcast %and3A_1223 : i32 to vector<16xi32>
      %eq3A_1225 = arith.cmpi eq, %iota3A, %eq3A_1224 : vector<16xi32>
      %jit3A_1226 = arith.constant 0 : i32
      %broadcast_in_dim3A_1227 = vector.broadcast %jit3A_1226 : i32 to vector<16xi32>
      %select_n3A_1228 = arith.select %eq3A_1225, %get3A_1221, %broadcast_in_dim3A_1227 : vector<16xi1>, vector<16xi32>
      %reduce_sum3A_1229 = arith.constant true
      %reduce_sum3A_1230 = vector.broadcast %reduce_sum3A_1229 : i1 to vector<16xi1>
      %reduce_sum3A_1231 = tpu.scan <sum>, %select_n3A_1228 masked %reduce_sum3A_1230 : vector<16xi32>, vector<16xi1> -> vector<16xi32>
      %reduce_sum3A_1232 = vector.extract %reduce_sum3A_1231[15] : i32 from vector<16xi32>
      %and3A_1233 = arith.constant 127 : i32
      %and3A_1234 = arith.andi %reduce_sum3A_1232, %and3A_1233 : i32
      %broadcast_in_dim3A_1235 = vector.broadcast %and3A_1234 : i32 to vector<16xi32>
      %broadcast_in_dim3A_1236 = arith.constant 6 : i32
      %broadcast_in_dim3A_1237 = vector.broadcast %broadcast_in_dim3A_1236 : i32 to vector<16xi32>
      %gather3A_1238 = tpu.vector_load_idx %arg9[%broadcast_in_dim3A_1237, %iota3A, %broadcast_in_dim3A_1215] : memref<8x32x128xf32, #tpu.memory_space<vmem>>[vector<16xi32>, vector<16xi32>, vector<16xi32>], vector<16xf32>,
      %gather3A_1239 = tpu.vector_load_idx %arg9[%broadcast_in_dim3A_1237, %add3A_524, %broadcast_in_dim3A_1215] : memref<8x32x128xf32, #tpu.memory_space<vmem>>[vector<16xi32>, vector<16xi32>, vector<16xi32>], vector<16xf32>,
      %gather3A_1240 = tpu.vector_load_idx %arg10[%broadcast_in_dim3A_1237, %iota3A, %broadcast_in_dim3A_1235] : memref<8x32x128xf32, #tpu.memory_space<vmem>>[vector<16xi32>, vector<16xi32>, vector<16xi32>], vector<16xf32>,
      %gather3A_1241 = tpu.vector_load_idx %arg10[%broadcast_in_dim3A_1237, %add3A_524, %broadcast_in_dim3A_1235] : memref<8x32x128xf32, #tpu.memory_space<vmem>>[vector<16xi32>, vector<16xi32>, vector<16xi32>], vector<16xf32>,
      %add3A_1242 = arith.constant 8 : i32
      %add3A_1243 = arith.addi %add3A_1159, %add3A_1242 : i32
      %lt3A_1244 = arith.constant 512 : i32
      %lt3A_1245 = arith.cmpi slt, %add3A_1243, %lt3A_1244 : i32
      %convert_element_type3A_1246 = arith.extui %lt3A_1245 : i1 to i32
      %cond3A_1247 = arith.constant 0 : i32
      %cond3A_1248 = arith.cmpi ne, %convert_element_type3A_1246, %cond3A_1247 : i32
      scf.if %cond3A_1248 {
        %shift_right_arithmetic3A_1367 = arith.constant 4 : i32
        %shift_right_arithmetic3A_1368 = arith.shrsi %add3A_1243, %shift_right_arithmetic3A_1367 : i32
        %shift_left3A_1369 = arith.constant 4 : i32
        %shift_left3A_1370 = arith.shli %shift_right_arithmetic3A_1368, %shift_left3A_1369 : i32
        %get3A_1371 = arith.index_cast %shift_left3A_1370 : i32 to index
        %get3A_1372 = tpu.vector_load %arg7[%get3A_1371] {strides = array<i32>} : memref<512xi32, #tpu.memory_space<vmem>>, vector<16xi32>,
        %and3A_1373 = arith.constant 15 : i32
        %and3A_1374 = arith.andi %add3A_1243, %and3A_1373 : i32
        %eq3A_1375 = vector.broadcast %and3A_1374 : i32 to vector<16xi32>
        %eq3A_1376 = arith.cmpi eq, %iota3A, %eq3A_1375 : vector<16xi32>
        %jit3A_1377 = arith.constant 0 : i32
        %broadcast_in_dim3A_1378 = vector.broadcast %jit3A_1377 : i32 to vector<16xi32>
        %select_n3A_1379 = arith.select %eq3A_1376, %get3A_1372, %broadcast_in_dim3A_1378 : vector<16xi1>, vector<16xi32>
        %reduce_sum3A_1380 = arith.constant true
        %reduce_sum3A_1381 = vector.broadcast %reduce_sum3A_1380 : i1 to vector<16xi1>
        %reduce_sum3A_1382 = tpu.scan <sum>, %select_n3A_1379 masked %reduce_sum3A_1381 : vector<16xi32>, vector<16xi1> -> vector<16xi32>
        %reduce_sum3A_1383 = vector.extract %reduce_sum3A_1382[15] : i32 from vector<16xi32>
        %shift_right_arithmetic3A_1384 = arith.constant 7 : i32
        %shift_right_arithmetic3A_1385 = arith.shrsi %reduce_sum3A_1383, %shift_right_arithmetic3A_1384 : i32
        %mul3A_1386 = arith.constant 128 : i32
        %mul3A_1387 = arith.muli %shift_right_arithmetic3A_1385, %mul3A_1386 : i32
        %multiple_of3A_1388 = tpu.assume_multiple %mul3A_1387, 128 : i32
        %shift_right_arithmetic3A_1389 = arith.constant 4 : i32
        %shift_right_arithmetic3A_1390 = arith.shrsi %add3A_1243, %shift_right_arithmetic3A_1389 : i32
        %shift_left3A_1391 = arith.constant 4 : i32
        %shift_left3A_1392 = arith.shli %shift_right_arithmetic3A_1390, %shift_left3A_1391 : i32
        %get3A_1393 = arith.index_cast %shift_left3A_1392 : i32 to index
        %get3A_1394 = tpu.vector_load %arg8[%get3A_1393] {strides = array<i32>} : memref<512xi32, #tpu.memory_space<vmem>>, vector<16xi32>,
        %and3A_1395 = arith.constant 15 : i32
        %and3A_1396 = arith.andi %add3A_1243, %and3A_1395 : i32
        %eq3A_1397 = vector.broadcast %and3A_1396 : i32 to vector<16xi32>
        %eq3A_1398 = arith.cmpi eq, %iota3A, %eq3A_1397 : vector<16xi32>
        %jit3A_1399 = arith.constant 0 : i32
        %broadcast_in_dim3A_1400 = vector.broadcast %jit3A_1399 : i32 to vector<16xi32>
        %select_n3A_1401 = arith.select %eq3A_1398, %get3A_1394, %broadcast_in_dim3A_1400 : vector<16xi1>, vector<16xi32>
        %reduce_sum3A_1402 = arith.constant true
        %reduce_sum3A_1403 = vector.broadcast %reduce_sum3A_1402 : i1 to vector<16xi1>
        %reduce_sum3A_1404 = tpu.scan <sum>, %select_n3A_1401 masked %reduce_sum3A_1403 : vector<16xi32>, vector<16xi1> -> vector<16xi32>
        %reduce_sum3A_1405 = vector.extract %reduce_sum3A_1404[15] : i32 from vector<16xi32>
        %shift_right_arithmetic3A_1406 = arith.constant 7 : i32
        %shift_right_arithmetic3A_1407 = arith.shrsi %reduce_sum3A_1405, %shift_right_arithmetic3A_1406 : i32
        %mul3A_1408 = arith.constant 128 : i32
        %mul3A_1409 = arith.muli %shift_right_arithmetic3A_1407, %mul3A_1408 : i32
        %multiple_of3A_1410 = tpu.assume_multiple %mul3A_1409, 128 : i32
        %dma_start3A_1411 = arith.constant 6 : i32
        %dma_start3A_1412 = arith.constant 6 : i32
        %dma_start3A_1413 = arith.constant 0 : i32
        %dma_start3A_1414 = arith.constant 0 : i32
        %dma_start3A_1415 = tpu.memref_slice %arg9[%dma_start3A_1411, %dma_start3A_1413, %dma_start3A_1414] : memref<8x32x128xf32, #tpu.memory_space<vmem>> -> memref<1x32x128xf32, #tpu.memory_space<vmem>>
        %dma_start3A_1416 = tpu.memref_squeeze %dma_start3A_1415 : memref<1x32x128xf32, #tpu.memory_space<vmem>> -> memref<32x128xf32, #tpu.memory_space<vmem>>
        %dma_start3A_1417 = arith.constant 0 : i32
        %dma_start3A_1418 = tpu.memref_slice %arg4[%dma_start3A_1417, %multiple_of3A_1388] : memref<32x1000000xf32, #tpu.memory_space<hbm>> -> memref<32x128xf32, #tpu.memory_space<hbm>>
        %dma_start3A_1419 = tpu.memref_slice %arg12[%dma_start3A_1412] : memref<8x!tpu.dma_semaphore, #tpu.memory_space<semaphore_mem>> -> memref<1x!tpu.dma_semaphore, #tpu.memory_space<semaphore_mem>>
        %dma_start3A_1420 = tpu.memref_squeeze %dma_start3A_1419 : memref<1x!tpu.dma_semaphore, #tpu.memory_space<semaphore_mem>> -> memref<!tpu.dma_semaphore, #tpu.memory_space<semaphore_mem>>
        %dma_start3A_1421 = arith.constant 0 : i32
        %dma_start3A_1422 = arith.constant 0 : i32
        %dma_start3A_1423 = tpu.memref_slice %arg9[%dma_start3A_1411, %dma_start3A_1421, %dma_start3A_1422] : memref<8x32x128xf32, #tpu.memory_space<vmem>> -> memref<1x32x128xf32, #tpu.memory_space<vmem>>
        %dma_start3A_1424 = tpu.memref_squeeze %dma_start3A_1423 : memref<1x32x128xf32, #tpu.memory_space<vmem>> -> memref<32x128xf32, #tpu.memory_space<vmem>>
        %dma_start3A_1425 = arith.constant 0 : i32
        %dma_start3A_1426 = tpu.memref_slice %arg4[%dma_start3A_1425, %multiple_of3A_1388] : memref<32x1000000xf32, #tpu.memory_space<hbm>> -> memref<32x128xf32, #tpu.memory_space<hbm>>
        tpu.enqueue_dma source(%dma_start3A_1426 : memref<32x128xf32, #tpu.memory_space<hbm>>) target(%dma_start3A_1424 : memref<32x128xf32, #tpu.memory_space<vmem>>) target_semaphore(%dma_start3A_1420 : memref<!tpu.dma_semaphore, #tpu.memory_space<semaphore_mem>>)
        %dma_start3A_1427 = arith.constant 6 : i32
        %dma_start3A_1428 = arith.constant 6 : i32
        %dma_start3A_1429 = arith.constant 0 : i32
        %dma_start3A_1430 = arith.constant 0 : i32
        %dma_start3A_1431 = tpu.memref_slice %arg10[%dma_start3A_1427, %dma_start3A_1429, %dma_start3A_1430] : memref<8x32x128xf32, #tpu.memory_space<vmem>> -> memref<1x32x128xf32, #tpu.memory_space<vmem>>
        %dma_start3A_1432 = tpu.memref_squeeze %dma_start3A_1431 : memref<1x32x128xf32, #tpu.memory_space<vmem>> -> memref<32x128xf32, #tpu.memory_space<vmem>>
        %dma_start3A_1433 = arith.constant 0 : i32
        %dma_start3A_1434 = tpu.memref_slice %arg5[%dma_start3A_1433, %multiple_of3A_1410] : memref<32x1000000xf32, #tpu.memory_space<hbm>> -> memref<32x128xf32, #tpu.memory_space<hbm>>
        %dma_start3A_1435 = tpu.memref_slice %arg13[%dma_start3A_1428] : memref<8x!tpu.dma_semaphore, #tpu.memory_space<semaphore_mem>> -> memref<1x!tpu.dma_semaphore, #tpu.memory_space<semaphore_mem>>
        %dma_start3A_1436 = tpu.memref_squeeze %dma_start3A_1435 : memref<1x!tpu.dma_semaphore, #tpu.memory_space<semaphore_mem>> -> memref<!tpu.dma_semaphore, #tpu.memory_space<semaphore_mem>>
        %dma_start3A_1437 = arith.constant 0 : i32
        %dma_start3A_1438 = arith.constant 0 : i32
        %dma_start3A_1439 = tpu.memref_slice %arg10[%dma_start3A_1427, %dma_start3A_1437, %dma_start3A_1438] : memref<8x32x128xf32, #tpu.memory_space<vmem>> -> memref<1x32x128xf32, #tpu.memory_space<vmem>>
        %dma_start3A_1440 = tpu.memref_squeeze %dma_start3A_1439 : memref<1x32x128xf32, #tpu.memory_space<vmem>> -> memref<32x128xf32, #tpu.memory_space<vmem>>
        %dma_start3A_1441 = arith.constant 0 : i32
        %dma_start3A_1442 = tpu.memref_slice %arg5[%dma_start3A_1441, %multiple_of3A_1410] : memref<32x1000000xf32, #tpu.memory_space<hbm>> -> memref<32x128xf32, #tpu.memory_space<hbm>>
        tpu.enqueue_dma source(%dma_start3A_1442 : memref<32x128xf32, #tpu.memory_space<hbm>>) target(%dma_start3A_1440 : memref<32x128xf32, #tpu.memory_space<vmem>>) target_semaphore(%dma_start3A_1436 : memref<!tpu.dma_semaphore, #tpu.memory_space<semaphore_mem>>)
      } else {
      }
      %mul3A_1249 = arith.mulf %gather3A_1238, %gather3A_1240 : vector<16xf32>
      %mul3A_1250 = arith.mulf %gather3A_1239, %gather3A_1241 : vector<16xf32>
      %add3A_1251 = arith.addf %mul3A_1249, %mul3A_1250 : vector<16xf32>
      %reduce_sum3A_1252 = arith.constant true
      %reduce_sum3A_1253 = vector.broadcast %reduce_sum3A_1252 : i1 to vector<16xi1>
      %reduce_sum3A_1254 = tpu.scan <sum>, %add3A_1251 masked %reduce_sum3A_1253 : vector<16xf32>, vector<16xi1> -> vector<16xf32>
      %reduce_sum3A_1255 = vector.extract %reduce_sum3A_1254[15] : f32 from vector<16xf32>
      %broadcast_in_dim3A_1256 = vector.broadcast %add3A_1159 : i32 to vector<16xi32>
      %broadcast_in_dim3A_1257 = vector.broadcast %reduce_sum3A_1255 : f32 to vector<16xf32>
      %eq3A_1258 = arith.constant 0 : i32
      %eq3A_1259 = vector.broadcast %eq3A_1258 : i32 to vector<16xi32>
      %eq3A_1260 = arith.cmpi eq, %iota3A, %eq3A_1259 : vector<16xi32>
      tpu.vector_store_idx %arg11[%broadcast_in_dim3A_1256], %broadcast_in_dim3A_1257 masked %eq3A_1260 : memref<512xf32, #tpu.memory_space<vmem>>[vector<16xi32>], vector<16xf32>, vector<16xi1>
      %mul3A_1261 = arith.constant 8 : i32
      %mul3A_1262 = arith.muli %scan3A_531, %mul3A_1261 : i32
      %add3A_1263 = arith.constant 7 : i32
      %add3A_1264 = arith.addi %mul3A_1262, %add3A_1263 : i32
      %dma_wait3A_1265 = arith.constant 7 : i32
      %dma_wait3A_1266 = arith.constant 7 : i32
      %dma_wait3A_1267 = arith.constant 0 : i32
      %dma_wait3A_1268 = arith.constant 0 : i32
      %dma_wait3A_1269 = tpu.memref_slice %arg9[%dma_wait3A_1265, %dma_wait3A_1267, %dma_wait3A_1268] : memref<8x32x128xf32, #tpu.memory_space<vmem>> -> memref<1x32x128xf32, #tpu.memory_space<vmem>>
      %dma_wait3A_1270 = tpu.memref_squeeze %dma_wait3A_1269 : memref<1x32x128xf32, #tpu.memory_space<vmem>> -> memref<32x128xf32, #tpu.memory_space<vmem>>
      %dma_wait3A_1271 = arith.constant 0 : i32
      %dma_wait3A_1272 = arith.constant 0 : i32
      %dma_wait3A_1273 = tpu.memref_slice %arg4[%dma_wait3A_1271, %dma_wait3A_1272] : memref<32x1000000xf32, #tpu.memory_space<hbm>> -> memref<32x128xf32, #tpu.memory_space<hbm>>
      %dma_wait3A_1274 = tpu.memref_slice %arg12[%dma_wait3A_1266] : memref<8x!tpu.dma_semaphore, #tpu.memory_space<semaphore_mem>> -> memref<1x!tpu.dma_semaphore, #tpu.memory_space<semaphore_mem>>
      %dma_wait3A_1275 = tpu.memref_squeeze %dma_wait3A_1274 : memref<1x!tpu.dma_semaphore, #tpu.memory_space<semaphore_mem>> -> memref<!tpu.dma_semaphore, #tpu.memory_space<semaphore_mem>>
      %dma_wait3A_1276 = arith.constant 0 : i32
      %dma_wait3A_1277 = arith.constant 0 : i32
      %dma_wait3A_1278 = tpu.memref_slice %arg9[%dma_wait3A_1265, %dma_wait3A_1276, %dma_wait3A_1277] : memref<8x32x128xf32, #tpu.memory_space<vmem>> -> memref<1x32x128xf32, #tpu.memory_space<vmem>>
      %dma_wait3A_1279 = tpu.memref_squeeze %dma_wait3A_1278 : memref<1x32x128xf32, #tpu.memory_space<vmem>> -> memref<32x128xf32, #tpu.memory_space<vmem>>
      %dma_wait3A_1280 = arith.constant 0 : i32
      %dma_wait3A_1281 = arith.constant 0 : i32
      %dma_wait3A_1282 = tpu.memref_slice %arg4[%dma_wait3A_1280, %dma_wait3A_1281] : memref<32x1000000xf32, #tpu.memory_space<hbm>> -> memref<32x128xf32, #tpu.memory_space<hbm>>
      tpu.wait_dma2 semaphore(%dma_wait3A_1275 : memref<!tpu.dma_semaphore, #tpu.memory_space<semaphore_mem>>) src(%dma_wait3A_1282 : memref<32x128xf32, #tpu.memory_space<hbm>>) dst(%dma_wait3A_1279 : memref<32x128xf32, #tpu.memory_space<vmem>>)
      %dma_wait3A_1283 = arith.constant 7 : i32
      %dma_wait3A_1284 = arith.constant 7 : i32
      %dma_wait3A_1285 = arith.constant 0 : i32
      %dma_wait3A_1286 = arith.constant 0 : i32
      %dma_wait3A_1287 = tpu.memref_slice %arg10[%dma_wait3A_1283, %dma_wait3A_1285, %dma_wait3A_1286] : memref<8x32x128xf32, #tpu.memory_space<vmem>> -> memref<1x32x128xf32, #tpu.memory_space<vmem>>
      %dma_wait3A_1288 = tpu.memref_squeeze %dma_wait3A_1287 : memref<1x32x128xf32, #tpu.memory_space<vmem>> -> memref<32x128xf32, #tpu.memory_space<vmem>>
      %dma_wait3A_1289 = arith.constant 0 : i32
      %dma_wait3A_1290 = arith.constant 0 : i32
      %dma_wait3A_1291 = tpu.memref_slice %arg5[%dma_wait3A_1289, %dma_wait3A_1290] : memref<32x1000000xf32, #tpu.memory_space<hbm>> -> memref<32x128xf32, #tpu.memory_space<hbm>>
      %dma_wait3A_1292 = tpu.memref_slice %arg13[%dma_wait3A_1284] : memref<8x!tpu.dma_semaphore, #tpu.memory_space<semaphore_mem>> -> memref<1x!tpu.dma_semaphore, #tpu.memory_space<semaphore_mem>>
      %dma_wait3A_1293 = tpu.memref_squeeze %dma_wait3A_1292 : memref<1x!tpu.dma_semaphore, #tpu.memory_space<semaphore_mem>> -> memref<!tpu.dma_semaphore, #tpu.memory_space<semaphore_mem>>
      %dma_wait3A_1294 = arith.constant 0 : i32
      %dma_wait3A_1295 = arith.constant 0 : i32
      %dma_wait3A_1296 = tpu.memref_slice %arg10[%dma_wait3A_1283, %dma_wait3A_1294, %dma_wait3A_1295] : memref<8x32x128xf32, #tpu.memory_space<vmem>> -> memref<1x32x128xf32, #tpu.memory_space<vmem>>
      %dma_wait3A_1297 = tpu.memref_squeeze %dma_wait3A_1296 : memref<1x32x128xf32, #tpu.memory_space<vmem>> -> memref<32x128xf32, #tpu.memory_space<vmem>>
      %dma_wait3A_1298 = arith.constant 0 : i32
      %dma_wait3A_1299 = arith.constant 0 : i32
      %dma_wait3A_1300 = tpu.memref_slice %arg5[%dma_wait3A_1298, %dma_wait3A_1299] : memref<32x1000000xf32, #tpu.memory_space<hbm>> -> memref<32x128xf32, #tpu.memory_space<hbm>>
      tpu.wait_dma2 semaphore(%dma_wait3A_1293 : memref<!tpu.dma_semaphore, #tpu.memory_space<semaphore_mem>>) src(%dma_wait3A_1300 : memref<32x128xf32, #tpu.memory_space<hbm>>) dst(%dma_wait3A_1297 : memref<32x128xf32, #tpu.memory_space<vmem>>)
      %shift_right_arithmetic3A_1301 = arith.constant 4 : i32
      %shift_right_arithmetic3A_1302 = arith.shrsi %add3A_1264, %shift_right_arithmetic3A_1301 : i32
      %shift_left3A_1303 = arith.constant 4 : i32
      %shift_left3A_1304 = arith.shli %shift_right_arithmetic3A_1302, %shift_left3A_1303 : i32
      %get3A_1305 = arith.index_cast %shift_left3A_1304 : i32 to index
      %get3A_1306 = tpu.vector_load %arg7[%get3A_1305] {strides = array<i32>} : memref<512xi32, #tpu.memory_space<vmem>>, vector<16xi32>,
      %and3A_1307 = arith.constant 15 : i32
      %and3A_1308 = arith.andi %add3A_1264, %and3A_1307 : i32
      %eq3A_1309 = vector.broadcast %and3A_1308 : i32 to vector<16xi32>
      %eq3A_1310 = arith.cmpi eq, %iota3A, %eq3A_1309 : vector<16xi32>
      %jit3A_1311 = arith.constant 0 : i32
      %broadcast_in_dim3A_1312 = vector.broadcast %jit3A_1311 : i32 to vector<16xi32>
      %select_n3A_1313 = arith.select %eq3A_1310, %get3A_1306, %broadcast_in_dim3A_1312 : vector<16xi1>, vector<16xi32>
      %reduce_sum3A_1314 = arith.constant true
      %reduce_sum3A_1315 = vector.broadcast %reduce_sum3A_1314 : i1 to vector<16xi1>
      %reduce_sum3A_1316 = tpu.scan <sum>, %select_n3A_1313 masked %reduce_sum3A_1315 : vector<16xi32>, vector<16xi1> -> vector<16xi32>
      %reduce_sum3A_1317 = vector.extract %reduce_sum3A_1316[15] : i32 from vector<16xi32>
      %and3A_1318 = arith.constant 127 : i32
      %and3A_1319 = arith.andi %reduce_sum3A_1317, %and3A_1318 : i32
      %broadcast_in_dim3A_1320 = vector.broadcast %and3A_1319 : i32 to vector<16xi32>
      %shift_right_arithmetic3A_1321 = arith.constant 4 : i32
      %shift_right_arithmetic3A_1322 = arith.shrsi %add3A_1264, %shift_right_arithmetic3A_1321 : i32
      %shift_left3A_1323 = arith.constant 4 : i32
      %shift_left3A_1324 = arith.shli %shift_right_arithmetic3A_1322, %shift_left3A_1323 : i32
      %get3A_1325 = arith.index_cast %shift_left3A_1324 : i32 to index
      %get3A_1326 = tpu.vector_load %arg8[%get3A_1325] {strides = array<i32>} : memref<512xi32, #tpu.memory_space<vmem>>, vector<16xi32>,
      %and3A_1327 = arith.constant 15 : i32
      %and3A_1328 = arith.andi %add3A_1264, %and3A_1327 : i32
      %eq3A_1329 = vector.broadcast %and3A_1328 : i32 to vector<16xi32>
      %eq3A_1330 = arith.cmpi eq, %iota3A, %eq3A_1329 : vector<16xi32>
      %jit3A_1331 = arith.constant 0 : i32
      %broadcast_in_dim3A_1332 = vector.broadcast %jit3A_1331 : i32 to vector<16xi32>
      %select_n3A_1333 = arith.select %eq3A_1330, %get3A_1326, %broadcast_in_dim3A_1332 : vector<16xi1>, vector<16xi32>
      %reduce_sum3A_1334 = arith.constant true
      %reduce_sum3A_1335 = vector.broadcast %reduce_sum3A_1334 : i1 to vector<16xi1>
      %reduce_sum3A_1336 = tpu.scan <sum>, %select_n3A_1333 masked %reduce_sum3A_1335 : vector<16xi32>, vector<16xi1> -> vector<16xi32>
      %reduce_sum3A_1337 = vector.extract %reduce_sum3A_1336[15] : i32 from vector<16xi32>
      %and3A_1338 = arith.constant 127 : i32
      %and3A_1339 = arith.andi %reduce_sum3A_1337, %and3A_1338 : i32
      %broadcast_in_dim3A_1340 = vector.broadcast %and3A_1339 : i32 to vector<16xi32>
      %broadcast_in_dim3A_1341 = arith.constant 7 : i32
      %broadcast_in_dim3A_1342 = vector.broadcast %broadcast_in_dim3A_1341 : i32 to vector<16xi32>
      %gather3A_1343 = tpu.vector_load_idx %arg9[%broadcast_in_dim3A_1342, %iota3A, %broadcast_in_dim3A_1320] : memref<8x32x128xf32, #tpu.memory_space<vmem>>[vector<16xi32>, vector<16xi32>, vector<16xi32>], vector<16xf32>,
      %gather3A_1344 = tpu.vector_load_idx %arg9[%broadcast_in_dim3A_1342, %add3A_524, %broadcast_in_dim3A_1320] : memref<8x32x128xf32, #tpu.memory_space<vmem>>[vector<16xi32>, vector<16xi32>, vector<16xi32>], vector<16xf32>,
      %gather3A_1345 = tpu.vector_load_idx %arg10[%broadcast_in_dim3A_1342, %iota3A, %broadcast_in_dim3A_1340] : memref<8x32x128xf32, #tpu.memory_space<vmem>>[vector<16xi32>, vector<16xi32>, vector<16xi32>], vector<16xf32>,
      %gather3A_1346 = tpu.vector_load_idx %arg10[%broadcast_in_dim3A_1342, %add3A_524, %broadcast_in_dim3A_1340] : memref<8x32x128xf32, #tpu.memory_space<vmem>>[vector<16xi32>, vector<16xi32>, vector<16xi32>], vector<16xf32>,
      %add3A_1347 = arith.constant 8 : i32
      %add3A_1348 = arith.addi %add3A_1264, %add3A_1347 : i32
      %lt3A_1349 = arith.constant 512 : i32
      %lt3A_1350 = arith.cmpi slt, %add3A_1348, %lt3A_1349 : i32
      %convert_element_type3A_1351 = arith.extui %lt3A_1350 : i1 to i32
      %cond3A_1352 = arith.constant 0 : i32
      %cond3A_1353 = arith.cmpi ne, %convert_element_type3A_1351, %cond3A_1352 : i32
      scf.if %cond3A_1353 {
        %shift_right_arithmetic3A_1367 = arith.constant 4 : i32
        %shift_right_arithmetic3A_1368 = arith.shrsi %add3A_1348, %shift_right_arithmetic3A_1367 : i32
        %shift_left3A_1369 = arith.constant 4 : i32
        %shift_left3A_1370 = arith.shli %shift_right_arithmetic3A_1368, %shift_left3A_1369 : i32
        %get3A_1371 = arith.index_cast %shift_left3A_1370 : i32 to index
        %get3A_1372 = tpu.vector_load %arg7[%get3A_1371] {strides = array<i32>} : memref<512xi32, #tpu.memory_space<vmem>>, vector<16xi32>,
        %and3A_1373 = arith.constant 15 : i32
        %and3A_1374 = arith.andi %add3A_1348, %and3A_1373 : i32
        %eq3A_1375 = vector.broadcast %and3A_1374 : i32 to vector<16xi32>
        %eq3A_1376 = arith.cmpi eq, %iota3A, %eq3A_1375 : vector<16xi32>
        %jit3A_1377 = arith.constant 0 : i32
        %broadcast_in_dim3A_1378 = vector.broadcast %jit3A_1377 : i32 to vector<16xi32>
        %select_n3A_1379 = arith.select %eq3A_1376, %get3A_1372, %broadcast_in_dim3A_1378 : vector<16xi1>, vector<16xi32>
        %reduce_sum3A_1380 = arith.constant true
        %reduce_sum3A_1381 = vector.broadcast %reduce_sum3A_1380 : i1 to vector<16xi1>
        %reduce_sum3A_1382 = tpu.scan <sum>, %select_n3A_1379 masked %reduce_sum3A_1381 : vector<16xi32>, vector<16xi1> -> vector<16xi32>
        %reduce_sum3A_1383 = vector.extract %reduce_sum3A_1382[15] : i32 from vector<16xi32>
        %shift_right_arithmetic3A_1384 = arith.constant 7 : i32
        %shift_right_arithmetic3A_1385 = arith.shrsi %reduce_sum3A_1383, %shift_right_arithmetic3A_1384 : i32
        %mul3A_1386 = arith.constant 128 : i32
        %mul3A_1387 = arith.muli %shift_right_arithmetic3A_1385, %mul3A_1386 : i32
        %multiple_of3A_1388 = tpu.assume_multiple %mul3A_1387, 128 : i32
        %shift_right_arithmetic3A_1389 = arith.constant 4 : i32
        %shift_right_arithmetic3A_1390 = arith.shrsi %add3A_1348, %shift_right_arithmetic3A_1389 : i32
        %shift_left3A_1391 = arith.constant 4 : i32
        %shift_left3A_1392 = arith.shli %shift_right_arithmetic3A_1390, %shift_left3A_1391 : i32
        %get3A_1393 = arith.index_cast %shift_left3A_1392 : i32 to index
        %get3A_1394 = tpu.vector_load %arg8[%get3A_1393] {strides = array<i32>} : memref<512xi32, #tpu.memory_space<vmem>>, vector<16xi32>,
        %and3A_1395 = arith.constant 15 : i32
        %and3A_1396 = arith.andi %add3A_1348, %and3A_1395 : i32
        %eq3A_1397 = vector.broadcast %and3A_1396 : i32 to vector<16xi32>
        %eq3A_1398 = arith.cmpi eq, %iota3A, %eq3A_1397 : vector<16xi32>
        %jit3A_1399 = arith.constant 0 : i32
        %broadcast_in_dim3A_1400 = vector.broadcast %jit3A_1399 : i32 to vector<16xi32>
        %select_n3A_1401 = arith.select %eq3A_1398, %get3A_1394, %broadcast_in_dim3A_1400 : vector<16xi1>, vector<16xi32>
        %reduce_sum3A_1402 = arith.constant true
        %reduce_sum3A_1403 = vector.broadcast %reduce_sum3A_1402 : i1 to vector<16xi1>
        %reduce_sum3A_1404 = tpu.scan <sum>, %select_n3A_1401 masked %reduce_sum3A_1403 : vector<16xi32>, vector<16xi1> -> vector<16xi32>
        %reduce_sum3A_1405 = vector.extract %reduce_sum3A_1404[15] : i32 from vector<16xi32>
        %shift_right_arithmetic3A_1406 = arith.constant 7 : i32
        %shift_right_arithmetic3A_1407 = arith.shrsi %reduce_sum3A_1405, %shift_right_arithmetic3A_1406 : i32
        %mul3A_1408 = arith.constant 128 : i32
        %mul3A_1409 = arith.muli %shift_right_arithmetic3A_1407, %mul3A_1408 : i32
        %multiple_of3A_1410 = tpu.assume_multiple %mul3A_1409, 128 : i32
        %dma_start3A_1411 = arith.constant 7 : i32
        %dma_start3A_1412 = arith.constant 7 : i32
        %dma_start3A_1413 = arith.constant 0 : i32
        %dma_start3A_1414 = arith.constant 0 : i32
        %dma_start3A_1415 = tpu.memref_slice %arg9[%dma_start3A_1411, %dma_start3A_1413, %dma_start3A_1414] : memref<8x32x128xf32, #tpu.memory_space<vmem>> -> memref<1x32x128xf32, #tpu.memory_space<vmem>>
        %dma_start3A_1416 = tpu.memref_squeeze %dma_start3A_1415 : memref<1x32x128xf32, #tpu.memory_space<vmem>> -> memref<32x128xf32, #tpu.memory_space<vmem>>
        %dma_start3A_1417 = arith.constant 0 : i32
        %dma_start3A_1418 = tpu.memref_slice %arg4[%dma_start3A_1417, %multiple_of3A_1388] : memref<32x1000000xf32, #tpu.memory_space<hbm>> -> memref<32x128xf32, #tpu.memory_space<hbm>>
        %dma_start3A_1419 = tpu.memref_slice %arg12[%dma_start3A_1412] : memref<8x!tpu.dma_semaphore, #tpu.memory_space<semaphore_mem>> -> memref<1x!tpu.dma_semaphore, #tpu.memory_space<semaphore_mem>>
        %dma_start3A_1420 = tpu.memref_squeeze %dma_start3A_1419 : memref<1x!tpu.dma_semaphore, #tpu.memory_space<semaphore_mem>> -> memref<!tpu.dma_semaphore, #tpu.memory_space<semaphore_mem>>
        %dma_start3A_1421 = arith.constant 0 : i32
        %dma_start3A_1422 = arith.constant 0 : i32
        %dma_start3A_1423 = tpu.memref_slice %arg9[%dma_start3A_1411, %dma_start3A_1421, %dma_start3A_1422] : memref<8x32x128xf32, #tpu.memory_space<vmem>> -> memref<1x32x128xf32, #tpu.memory_space<vmem>>
        %dma_start3A_1424 = tpu.memref_squeeze %dma_start3A_1423 : memref<1x32x128xf32, #tpu.memory_space<vmem>> -> memref<32x128xf32, #tpu.memory_space<vmem>>
        %dma_start3A_1425 = arith.constant 0 : i32
        %dma_start3A_1426 = tpu.memref_slice %arg4[%dma_start3A_1425, %multiple_of3A_1388] : memref<32x1000000xf32, #tpu.memory_space<hbm>> -> memref<32x128xf32, #tpu.memory_space<hbm>>
        tpu.enqueue_dma source(%dma_start3A_1426 : memref<32x128xf32, #tpu.memory_space<hbm>>) target(%dma_start3A_1424 : memref<32x128xf32, #tpu.memory_space<vmem>>) target_semaphore(%dma_start3A_1420 : memref<!tpu.dma_semaphore, #tpu.memory_space<semaphore_mem>>)
        %dma_start3A_1427 = arith.constant 7 : i32
        %dma_start3A_1428 = arith.constant 7 : i32
        %dma_start3A_1429 = arith.constant 0 : i32
        %dma_start3A_1430 = arith.constant 0 : i32
        %dma_start3A_1431 = tpu.memref_slice %arg10[%dma_start3A_1427, %dma_start3A_1429, %dma_start3A_1430] : memref<8x32x128xf32, #tpu.memory_space<vmem>> -> memref<1x32x128xf32, #tpu.memory_space<vmem>>
        %dma_start3A_1432 = tpu.memref_squeeze %dma_start3A_1431 : memref<1x32x128xf32, #tpu.memory_space<vmem>> -> memref<32x128xf32, #tpu.memory_space<vmem>>
        %dma_start3A_1433 = arith.constant 0 : i32
        %dma_start3A_1434 = tpu.memref_slice %arg5[%dma_start3A_1433, %multiple_of3A_1410] : memref<32x1000000xf32, #tpu.memory_space<hbm>> -> memref<32x128xf32, #tpu.memory_space<hbm>>
        %dma_start3A_1435 = tpu.memref_slice %arg13[%dma_start3A_1428] : memref<8x!tpu.dma_semaphore, #tpu.memory_space<semaphore_mem>> -> memref<1x!tpu.dma_semaphore, #tpu.memory_space<semaphore_mem>>
        %dma_start3A_1436 = tpu.memref_squeeze %dma_start3A_1435 : memref<1x!tpu.dma_semaphore, #tpu.memory_space<semaphore_mem>> -> memref<!tpu.dma_semaphore, #tpu.memory_space<semaphore_mem>>
        %dma_start3A_1437 = arith.constant 0 : i32
        %dma_start3A_1438 = arith.constant 0 : i32
        %dma_start3A_1439 = tpu.memref_slice %arg10[%dma_start3A_1427, %dma_start3A_1437, %dma_start3A_1438] : memref<8x32x128xf32, #tpu.memory_space<vmem>> -> memref<1x32x128xf32, #tpu.memory_space<vmem>>
        %dma_start3A_1440 = tpu.memref_squeeze %dma_start3A_1439 : memref<1x32x128xf32, #tpu.memory_space<vmem>> -> memref<32x128xf32, #tpu.memory_space<vmem>>
        %dma_start3A_1441 = arith.constant 0 : i32
        %dma_start3A_1442 = tpu.memref_slice %arg5[%dma_start3A_1441, %multiple_of3A_1410] : memref<32x1000000xf32, #tpu.memory_space<hbm>> -> memref<32x128xf32, #tpu.memory_space<hbm>>
        tpu.enqueue_dma source(%dma_start3A_1442 : memref<32x128xf32, #tpu.memory_space<hbm>>) target(%dma_start3A_1440 : memref<32x128xf32, #tpu.memory_space<vmem>>) target_semaphore(%dma_start3A_1436 : memref<!tpu.dma_semaphore, #tpu.memory_space<semaphore_mem>>)
      } else {
      }
      %mul3A_1354 = arith.mulf %gather3A_1343, %gather3A_1345 : vector<16xf32>
      %mul3A_1355 = arith.mulf %gather3A_1344, %gather3A_1346 : vector<16xf32>
      %add3A_1356 = arith.addf %mul3A_1354, %mul3A_1355 : vector<16xf32>
      %reduce_sum3A_1357 = arith.constant true
      %reduce_sum3A_1358 = vector.broadcast %reduce_sum3A_1357 : i1 to vector<16xi1>
      %reduce_sum3A_1359 = tpu.scan <sum>, %add3A_1356 masked %reduce_sum3A_1358 : vector<16xf32>, vector<16xi1> -> vector<16xf32>
      %reduce_sum3A_1360 = vector.extract %reduce_sum3A_1359[15] : f32 from vector<16xf32>
      %broadcast_in_dim3A_1361 = vector.broadcast %add3A_1264 : i32 to vector<16xi32>
      %broadcast_in_dim3A_1362 = vector.broadcast %reduce_sum3A_1360 : f32 to vector<16xf32>
      %eq3A_1363 = arith.constant 0 : i32
      %eq3A_1364 = vector.broadcast %eq3A_1363 : i32 to vector<16xi32>
      %eq3A_1365 = arith.cmpi eq, %iota3A, %eq3A_1364 : vector<16xi32>
      tpu.vector_store_idx %arg11[%broadcast_in_dim3A_1361], %broadcast_in_dim3A_1362 masked %eq3A_1365 : memref<512xf32, #tpu.memory_space<vmem>>[vector<16xi32>], vector<16xf32>, vector<16xi1>
      %scan3A_1366 = arith.constant 0 : i32
      scf.yield %scan3A_1366 : i32
    }
    %scan3A_530 = arith.constant 64 : i32
    "tpu.region"() ({
      %run_scoped3A = tpu.sem_alloc : memref<!tpu.dma_semaphore, #tpu.memory_space<semaphore_mem>>
      %dma_start3A_531 = tpu.memref_slice %arg6[%mul3A_2] : memref<16384xf32, #tpu.memory_space<hbm>> -> memref<512xf32, #tpu.memory_space<hbm>>
      %dma_start3A_532 = tpu.memref_slice %arg6[%mul3A_2] : memref<16384xf32, #tpu.memory_space<hbm>> -> memref<512xf32, #tpu.memory_space<hbm>>
      tpu.enqueue_dma source(%arg11 : memref<512xf32, #tpu.memory_space<vmem>>) target(%dma_start3A_532 : memref<512xf32, #tpu.memory_space<hbm>>) target_semaphore(%run_scoped3A : memref<!tpu.dma_semaphore, #tpu.memory_space<semaphore_mem>>)
      %dma_wait3A = tpu.memref_slice %arg6[%mul3A_2] : memref<16384xf32, #tpu.memory_space<hbm>> -> memref<512xf32, #tpu.memory_space<hbm>>
      %dma_wait3A_533 = tpu.memref_slice %arg6[%mul3A_2] : memref<16384xf32, #tpu.memory_space<hbm>> -> memref<512xf32, #tpu.memory_space<hbm>>
      tpu.wait_dma2 semaphore(%run_scoped3A : memref<!tpu.dma_semaphore, #tpu.memory_space<semaphore_mem>>) src(%arg11 : memref<512xf32, #tpu.memory_space<vmem>>) dst(%dma_wait3A_533 : memref<512xf32, #tpu.memory_space<hbm>>)
      tpu.yield
    }) : () -> ()
    return
  }
}

</mosaic_0001>

<sc_bundles>
// kernel: kernel.3.cloned.1.call-start
scs
__scs_entry_jumppad:
0x0: {  	(pc) =	sbr.rel $0x88, $3  }
0x1: {  	(tag) =	ssettag $0x0;
	lr =	simm.s32 $0x1  }
0x2: {  	[smem:$0x3F9D] =	sst lr;
	_ =	strace $0xD0000000  }
0x3: {  	_ = 	snop  }
0x4: {  	_ = 	snop  }
0x5: {  	_ = 	snop  }
0x6: {  	_ = 	snop  }
0x7: {  	_ = 	snop  }
__scs_overlays_trampoline_lowered:
0x8: {  	[smem:$0x3FAC] =	sst s0  }
0x9: {  	[smem:$0x3FAD] =	sst s1  }
0xa: {  	[smem:$0x3FAE] =	sst s2  }
0xb: {  	[smem:$0x3FAF] =	sst s3  }
0xc: {  	[smem:$0x3FB0] =	sst s4  }
0xd: {  	[smem:$0x3FB1] =	sst s5  }
0xe: {  	[smem:$0x3FB2] =	sst s6  }
0xf: {  	[smem:$0x3FB3] =	sst s7  }
0x10: {  	[smem:$0x3FB4] =	sst s8  }
0x11: {  	[smem:$0x3FB5] =	sst s9;
	s0 =	simm.s32 @!p0 $0x0  }
0x12: {  	s1 =	sld [smem:$0x3F9B];
	s0 =	simm.s32 @p0 $0x1  }
0x13: {  	[smem:$0x3FB6] =	sst s0;
	s0 =	simm.s32 @!p1 $0x0  }
0x14: {  	s2 =	sld [smem:$0x3F9A];
	s0 =	simm.s32 @p1 $0x1  }
0x15: {  	[smem:$0x3FB7] =	sst s0;
	s0 =	simm.s32 @!p2 $0x0  }
0x16: {  	s3 =	sld [smem:$0x3FDB];
	s0 =	simm.s32 @p2 $0x1  }
0x17: {  	s4 =	simm.s32 $0x1BF5;
	[smem:$0x3FB9] =	sst s0  }
0x18: {  	s0 =	sld [smem:$0x3F9C];
	_ =	swait.ge [sflag:s4], $0x0  }
0x19: {  	s7 =	sld [smem:$0x3F9D]  }
0x1a: {  	s8 =	sadd.s32 $0xFFFFE003, lr  }
0x1b: {  	s9 =	sadd.s32 $0xFFFFFEF7, lr;
	s5 =	simm.s32 $0xFFFFFFFF;
	p2 =	slt.u32 s8, $0xFFFFF086  }
0x1c: {  	p1 =	slt.u32 s9, $0xF7A;
	s5 =	simm.s32 @!p2 $0x0  }
0x1d: {  	s5 =	simm.s32 @p1 $0x1;
	p0 =	seq.s32 s7, s2  }
0x1e: {  	s7 =	smul.u32 @!p0 $0xF7A, s2;
	p2 =	seq.s32 @!p0 s5, $0x0  }
0x1f: {  	s9 =	smul.u32 $0xF7A, s1;
	s8 =	simm.s32 @!p0 $0x1BF5;
	p2 =	por !p2, p0  }
0x20: {  	[sflag:s8] =	ssyncset.s32 @!p0 $0xFFFFF086;
	s6 =	sadd.s32 @!p0 s3, s7;
	s7 =	simm.s32 @!p0 $0x108  }
0x21: {  	s3 =	sadd.s32 s3, s9;
	s6 =	sadd.s32 @!p0 $0x88, s6;
	s7 =	simm.s32 @p2 $0x1082  }
0x22: {  	[simem:s7], [sflag:s8] =	dma.local @!p0 [hbm:s6], $0xF7A  }
0x23: {  	s9 =	sor.u32 $0xD0000000, s2;
	s6 =	simm.s32 $0x108;
	_ =	swait.ge @!p0 [sflag:s8], $0x0  }
0x24: {  	s3 =	sadd.s32 $0x88, s3;
	s6 =	simm.s32 @!p1 $0x1082;
	[sflag:s4] =	ssyncset.s32 $0xFFFFF086  }
0x25: {  	[simem:s6], [sflag:s4] =	dma.local [hbm:s3], $0xF7A  }
0x26: {  	[smem:$0x3F9D] =	sst s1;
	(tag) =	ssettag s2;
	_ =	strace s9  }
0x27: {  	s1 =	sld [smem:$0x3FAD]  }
0x28: {  	s2 =	sld [smem:$0x3FAE]  }
0x29: {  	s4 =	sld [smem:$0x3FB0]  }
0x2a: {  	p0 =	seq.s32 s5, $0x0;
	s5 =	sld [smem:$0x3FB1]  }
0x2b: {  	s6 =	sld [smem:$0x3FB2]  }
0x2c: {  	s7 =	sld [smem:$0x3FB3]  }
0x2d: {  	s3 =	simm.s32 $0x108;
	s8 =	sld [smem:$0x3FB4]  }
0x2e: {  	s3 =	simm.s32 @!p0 $0x1082;
	s9 =	sld [smem:$0x3FB5]  }
0x2f: {  	lr =	sadd.s32 s0, s3;
	s0 =	sld [smem:$0x3FAC]  }
0x30: {  	s3 =	sld [smem:$0x3FAF]  }
0x31: {  	[smem:$0x3FB8] =	sst s10  }
0x32: {  	s10 =	sld [smem:$0x3FB6];
	_ =	sdelay $0x3  }
0x33: {  	p0 =	seq.s32 s10, $0x1;
	s10 =	sld [smem:$0x3FB8];
	_ =	sdelay $0x3  }
0x34: {  	[smem:$0x3FB8] =	sst s10  }
0x35: {  	s10 =	sld [smem:$0x3FB7];
	_ =	sdelay $0x3  }
0x36: {  	p1 =	seq.s32 s10, $0x1;
	s10 =	sld [smem:$0x3FB8];
	_ =	sdelay $0x3  }
0x37: {  	[smem:$0x3FB8] =	sst s10  }
0x38: {  	s10 =	sld [smem:$0x3FB9]  }
0x39: {  	_ = 	snop;
	(pc) =	sbr.ind lr, $3  }
0x3a: {  	_ = 	snop  }
0x3b: {  	_ = 	snop  }
0x3c: {  	p2 =	seq.s32 s10, $0x1;
	s10 =	sld [smem:$0x3FB8]  }
0x3d: {  	_ =	shalt  }
0x3e: {  	_ =	shalt  }
0x3f: {  	_ =	shalt  }
0x40: {  	_ =	shalt  }
0x41: {  	_ =	shalt  }
0x42: {  	_ =	shalt  }
0x43: {  	_ =	shalt  }
0x44: {  	_ =	shalt  }
0x45: {  	_ =	shalt  }
0x46: {  	_ =	shalt  }
0x47: {  	_ =	shalt  }
0x48: {  	_ =	shalt  }
0x49: {  	_ =	shalt  }
0x4a: {  	_ =	shalt  }
0x4b: {  	_ =	shalt  }
0x4c: {  	_ =	shalt  }
0x4d: {  	_ =	shalt  }
0x4e: {  	_ =	shalt  }
0x4f: {  	_ =	shalt  }
0x50: {  	_ =	shalt  }
0x51: {  	_ =	shalt  }
0x52: {  	_ =	shalt  }
0x53: {  	_ =	shalt  }
0x54: {  	_ =	shalt  }
0x55: {  	_ =	shalt  }
0x56: {  	_ =	shalt  }
0x57: {  	_ =	shalt  }
0x58: {  	_ =	shalt  }
0x59: {  	_ =	shalt  }
0x5a: {  	_ =	shalt  }
0x5b: {  	_ =	shalt  }
0x5c: {  	_ =	shalt  }
0x5d: {  	_ =	shalt  }
0x5e: {  	_ =	shalt  }
0x5f: {  	_ =	shalt  }
0x60: {  	_ =	shalt  }
0x61: {  	_ =	shalt  }
0x62: {  	_ =	shalt  }
0x63: {  	_ =	shalt  }
0x64: {  	_ =	shalt  }
0x65: {  	_ =	shalt  }
0x66: {  	_ =	shalt  }
0x67: {  	_ =	shalt  }
0x68: {  	_ =	shalt  }
0x69: {  	_ =	shalt  }
0x6a: {  	_ =	shalt  }
0x6b: {  	_ =	shalt  }
0x6c: {  	_ =	shalt  }
0x6d: {  	_ =	shalt  }
0x6e: {  	_ =	shalt  }
0x6f: {  	_ =	shalt  }
0x70: {  	_ =	shalt  }
0x71: {  	_ =	shalt  }
0x72: {  	_ =	shalt  }
0x73: {  	_ =	shalt  }
0x74: {  	_ =	shalt  }
0x75: {  	_ =	shalt  }
0x76: {  	_ =	shalt  }
0x77: {  	_ =	shalt  }
0x78: {  	_ =	shalt  }
0x79: {  	_ =	shalt  }
0x7a: {  	_ =	shalt  }
0x7b: {  	_ =	shalt  }
0x7c: {  	_ =	shalt  }
0x7d: {  	_ =	shalt  }
0x7e: {  	_ =	shalt  }
0x7f: {  	_ =	shalt  }
0x80: {  	_ =	shalt  }
0x81: {  	_ =	shalt  }
0x82: {  	_ =	shalt  }
0x83: {  	_ =	shalt  }
0x84: {  	_ =	shalt  }
0x85: {  	_ =	shalt  }
0x86: {  	_ =	shalt  }
0x87: {  	_ =	shalt  }
.Lfunc_end0:
.L_simem_size_0:
called_computation_lowered:
.L_overlay_start_0:
0x88: {  	s2 =	sld [smem:$0x3FD9]  }
0x89: {  	s3 =	sld [smem:$0x3FFE];
	_ =	sdelay $0x1  }
0x8a: {  	s1 =	srdreg.scid  }
0x8b: {  	s0 =	sand.u32 $0x1, s1  }
0x8c: {  	s18 =	sshll.u32 s0, $0xA;
	s2 =	sadd.s32 s3, s2  }
0x8d: {  	s2 =	sadd.s32 s2, s18  }
0x8e: {  	[smem:$0x3FC4] =	sst s2  }
0x8f: {  	_ = 	snop  }
0x90: {  	s2 =	sld [smem:$0x3FC9]  }
0x91: {  	s19 =	sld [smem:$0x3FC8]  }
0x92: {  	s4 =	sld [smem:$0x3FC7]  }
0x93: {  	s5 =	sld [smem:$0x3FC6]  }
0x94: {  	s6 =	sld [smem:$0x3FD0];
	(tm) =	ssettm $0x1  }
0x95: {  	s7 =	sld [smem:$0x3FFB];
	_ =	sdelay $0x3  }
0x96: {  	_ =	strace s7  }
0x97: {  	s7 =	sld [smem:$0x3FFC];
	_ =	sdelay $0x3  }
0x98: {  	_ =	strace s7  }
0x99: {  	s7 =	sld [smem:$0x3FFD];
	_ =	sdelay $0x3  }
0x9a: {  	_ =	strace s7  }
0x9b: {  	_ =	strace $0x8FFFFFFF  }
0x9c: {  	s20 =	sld [smem:$0x3FDB];
	_ =	sdelay $0x1  }
0x9d: {  	s8 =	simm.s32 $_scs_section_size  }
0x9e: {  	s9 =	simm.s32 $_size__tile_overlayer_lowered;
	s10 =	simm.s32 $_tile_overlayer_lowered  }
0x9f: {  	s23 =	simm.s32 $0x1BFF;
	s22 =	sshll.u32 s10, $0x1;
	s7 =	sadd.s32 s8, s20  }
0xa0: {  	s11 =	simm.s32 $0x0;
	s21 =	sshll.u32 s9, $0x1;
	s9 =	sadd.s32 s22, s7  }
0xa1: {  	[timem:s11], [sflag:s23] =	dma.local [hbm:s9], s21  }
0xa2: {  	_ =	swait.ge [sflag:s23], s21  }
0xa3: {  	s8 =	ssub.s32 $0x0, s21;
	[sflag:s23] =	ssyncset.done $0x0  }
0xa4: {  	[sflag:s23] =	ssyncadd.s32 s8;
	_ =	sdelay $0x1  }
0xa5: {  	s24 =	simm.s32 $0x1B8B  }
0xa6: {  	_ =	swait.ge [sflag:s24], $0x1  }
0xa7: {  	[sflag:s24] =	ssyncset.done $0x0  }
0xa8: {  	s25 =	simm.s32 $0x1B8E;
	[sflag:s24] =	ssyncadd.s32 $0xFFFFFFFF  }
0xa9: {  	s26 =	simm.s32 $execute0_lowered;
	[smem:$0x3FD2] =	sst s25  }
0xaa: {  	s8 =	sshll.u32 s26, $0x1;
	_ =	strace $0x80000046;
	[dreg:$0x1] =	wrdreg $0xFFFFFFFF  }
0xab: {  	s28 =	simm.s32 $_size_execute0_lowered;
	s7 =	sadd.s32 s7, s8;
	[dreg:$0x0] =	wrdreg $0x0  }
0xac: {  	s8 =	sshll.u32 s28, $0x1;
	[dreg:$0x2] =	wrdreg s7  }
0xad: {  	[dreg:$0x3] =	wrdreg s8  }
0xae: {  	[dreg:$0x4] =	wrdreg $0xC0  }
0xaf: {  	_ =	task [dreg:s11], $0x5FFFF  }
0xb0: {  	[dreg:$0x1] =	wrdreg $0xFFFFFFFF  }
0xb1: {  	[dreg:$0x0] =	wrdreg $0x60  }
0xb2: {  	[dreg:$0x2] =	wrdreg s2  }
0xb3: {  	[dreg:$0x3] =	wrdreg s19  }
0xb4: {  	[dreg:$0x4] =	wrdreg s4  }
0xb5: {  	[dreg:$0x5] =	wrdreg s5  }
0xb6: {  	[dreg:$0x6] =	wrdreg s6  }
0xb7: {  	[dreg:$0x7] =	wrdreg $0x9  }
0xb8: {  	_ =	task.clear_ibuf [dreg:s11], $0x8FFFF;
	_ =	strace $0x90000046  }
0xb9: {  	s29 =	simm.s32 $0x9;
	_ =	strace $0x80000048  }
0xba: {  	_ =	swait.ge [sflag:s29], $0x1  }
0xbb: {  	[sflag:s29] =	ssyncadd.s32 $0xFFFFFFFF  }
0xbc: {  	_ =	strace $0x90000048  }
0xbd: {  	_ =	sfence  }
0xbe: {  	s30 =	sld [smem:$0x0];
	_ =	sdelay $0x2  }
0xbf: {  	s31 =	sshll.u32 s1, $0xD;
	s1 =	sshrl.u32 s1, $0x2  }
0xc0: {  	s3 =	sand.u32 $0x4000, s31;
	s1 =	sadd.s32 s1, s30  }
0xc1: {  	s0 =	sor.u32 s3, s0;
	s1 =	sshll.u32 s1, $0x11  }
0xc2: {  	s0 =	sor.u32 s1, s0  }
0xc3: {  	s0 =	sadd.s32 $0x8F2B, s0  }
0xc4: {  	[sflag:s0] =	ssyncadd.remote.s32 $0x1  }
0xc5: {  	_ =	sfence.sel $0xFFFF  }
0xc6: {  	[dreg:$0x0] =	wrdreg $0xFFFFFFFF;
	(pc) =	sbr.abs _section_cstart, $3  }
0xc7: {  	[dreg:$0x1] =	wrdreg $0xFFFFFFFF  }
0xc8: {  	_ =	task.clear_ibuf [dreg:s11], $0x2FFFF;
	_ =	strace $0x9FFFFFFF  }
0xc9: {  	(tm) =	ssettm $0x7FFFFFFF  }
tec
execute0_lowered:
.L_overlay_start_1:
0x0: {  	(tag) =	ssettag $0x1  }
0x1: {  	s0 =	rddreg [dreg:$0x0]  }
0x2: {  	s3 =	rddreg [dreg:$0x1]  }
0x3: {  	s1 =	rddreg [dreg:$0x2]  }
0x4: {  	s2 =	rddreg [dreg:$0x3]  }
0x5: {  	s5 =	rddreg [dreg:$0x4]  }
0x6: {  	s26 =	simm.s32 $0x0;
	s6 =	srdreg.scid;
	s4 =	stileid.u32  }
0x7: {  	s11 =	simm.s32 $0x7A1400;
	s12 =	simm.s32 $0x400;
	s13 =	simm.s32 $0x8400  }
0x8: {  	s29 =	simm.s32 $0x1;
	s30 =	simm.s32 $0x9;
	s31 =	simm.s32 $0x10400  }
0x9: {  	s10 =	simm.s32 $0x3;
	s14 =	simm.s32 $0xB;
	s15 =	simm.s32 $0x4  }
0xa: {  	s16 =	simm.s32 $0xC;
	s17 =	simm.s32 $0x5;
	s18 =	simm.s32 $0xD  }
0xb: {  	vm0 =	vmmov $0x1;
	s19 =	simm.s32 $0x6;
	s20 =	simm.s32 $0xE;
	s6 =	sand.u32 $0x1, s6  }
0xc: {  	vm1 =	vcmask $0x308;
	vm2 =	vcmask $0x70C;
	v0 =	vlaneseq.u32;
	s8 =	sshll.u32 s4, $0x7;
	s7 =	ssub.s32 $0x2, s6;
	s6 =	sshll.u32 s6, $0x6  }
0xd: {  	vm3 =	vcmask $0xB10;
	vm4 =	vcmask $0xF14;
	s21 =	simm.s32 $0x7;
	[smem:$0x7FF] =	sst s26;
	v1 =	vmul.u32 $0x80, v0;
	s6 =	sor.u32 s6, s8  }
0xe: {  	vm5 =	vcmask $0x1318;
	vm6 =	vcmask $0x171C;
	vm7 =	vcmask $0x1B20;
	s22 =	simm.s32 $0xF;
	_ =	strace $0x80000047;
	s0 =	sadd.s32 s0, s6  }
0xf: {  	s9 =	sshrl.u32 s7, $0x1;
	v2 =	vor.u32 $0x800, v1;
	v3 =	vor.u32 $0x1000, v1;
	v4 =	vor.u32 $0x1800, v1;
	s24 =	sadd.s32 s3, s6;
	[dreg:$0x6] =	wrdreg s0  }
0x10: {  	v5 =	vor.u32 $0x2000, v1;
	v6 =	vor.u32 $0x2800, v1;
	v7 =	vor.u32 $0x3000, v1;
	s23 =	ssub.s32 s7, s9;
	s25 =	sadd.s32 s5, s6;
	[dreg:$0x7] =	wrdreg s24  }
0x11: {  	v8 =	vor.u32 $0x3800, v1;
	v9 =	vor.u32 $0x4000, v1;
	v10 =	vor.u32 $0x4800, v1;
	s9 =	simm.s32 $0x11;
	s3 =	simm.s32 $0xA;
	[dreg:$0x8] =	wrdreg s25  }
0x12: {  	v11 =	vor.u32 $0x5000, v1;
	v12 =	vor.u32 $0x5800, v1;
	v13 =	vor.u32 $0x6000, v1;
	s28 =	smax.u32 s23, $0x1;
	s0 =	simm.s32 $0x2;
	s23 =	simm.s32 $0x8  }
0x13: {  	v14 =	vor.u32 $0x6800, v1;
	v15 =	vor.u32 $0x7000, v1;
	v16 =	vor.u32 $0x7800, v1;
	s24 =	simm.s32 $0x10;
	s25 =	simm.s32 $0x0;
	[dreg:$0x9] =	wrdreg s28  }
.LBB2_1:
0x14: {  	s4 =	rddreg [dreg:$0x6]  }
0x15: {  	[tilespmem:s26], [sflag:$0x11] =	stream.linear.gather [hbm4b:s4+s26], $0x200, $0x38;
	[tilespmem:$0x10600] =	vst v63  }
0x16: {  	_ =	swait.ge [sflag:s9], $0x200  }
0x17: {  	[sflag:s9] =	ssyncset.done $0x0  }
0x18: {  	s5 =	simm.s32 $0x200;
	s28 =	rddreg [dreg:$0x7];
	[sflag:s9] =	ssyncadd.s32 $0xFFFFFE00  }
0x19: {  	[tilespmem:s5], [sflag:$0x11] =	stream.linear.gather [hbm4b:s28+s26], $0x200, $0x38;
	[tilespmem:$0x10600] =	vst v63  }
0x1a: {  	_ =	swait.ge [sflag:s9], $0x200  }
0x1b: {  	[sflag:s9] =	ssyncset.done $0x0  }
0x1c: {  	[sflag:s9] =	ssyncadd.s32 $0xFFFFFE00  }
0x1d: {  	v17 =	vld [tilespmem:$0x0];
	_ =	sdelay $0x1  }
0x1e: {  	v18 =	vld [tilespmem:$0x200];
	_ =	sdelay $0x2  }
0x1f: {  	v17 =	vnsel vm0, $0x0, v17  }
0x20: {  	(xrf0) =	vadd.scan.msk.s32 $0xffff, v17  }
0x21: {  	v17 =	vnsel vm0, $0x0, v18  }
0x22: {  	(xrf0) =	vadd.scan.msk.s32 $0xffff, v17;
	_ =	sdelay $0x3  }
0x23: {  	v17, _, _ =	vpop (xrf0)  }
0x24: {  	(v2sf) =	vpush v17, $0xF  }
0x25: {  	v17, _, _ =	vpop (xrf0)  }
0x26: {  	(v2sf) =	vpush v17, $0xF;
	_ =	sdelay $0xc  }
0x27: {  	s4 =	spop (v2sf)  }
0x28: {  	s5 =	sand.u32 $0xFFFFF80, s4  }
0x29: {  	s6 =	spop (v2sf);
	s5 =	sadd.s32 s1, s5  }
0x2a: {  	[tilespmem:s12], [sflag:$0x1] =	stream.strided.gather [hbm4b:s5+s12], $0x1000, s11, s12, $0x38;
	[tilespmem:$0x10600] =	vst v63  }
0x2b: {  	s5 =	sand.u32 $0xFFFFF80, s6  }
0x2c: {  	s5 =	sadd.s32 s2, s5  }
0x2d: {  	[tilespmem:s13], [sflag:$0x9] =	stream.strided.gather [hbm4b:s5+s12], $0x1000, s11, s12, $0x38;
	[tilespmem:$0x10600] =	vst v63  }
0x2e: {  	v17 =	vld [tilespmem:$0x0];
	_ =	sdelay $0x1  }
0x2f: {  	v18 =	vld [tilespmem:$0x200];
	_ =	sdelay $0x2  }
0x30: {  	v17 =	vsel vm1, $0x0, v17  }
0x31: {  	(xrf0) =	vadd.scan.msk.s32 $0xffff, v17  }
0x32: {  	v17 =	vsel vm1, $0x0, v18  }
0x33: {  	(xrf0) =	vadd.scan.msk.s32 $0xffff, v17;
	_ =	sdelay $0x3  }
0x34: {  	v17, _, _ =	vpop (xrf0)  }
0x35: {  	(v2sf) =	vpush v17, $0xF  }
0x36: {  	v17, _, _ =	vpop (xrf0)  }
0x37: {  	(v2sf) =	vpush v17, $0xF;
	_ =	sdelay $0xc  }
0x38: {  	s7 =	spop (v2sf)  }
0x39: {  	s5 =	sand.u32 $0xFFFFF80, s7  }
0x3a: {  	s8 =	simm.s32 $0x1400;
	s26 =	spop (v2sf);
	s5 =	sadd.s32 s1, s5  }
0x3b: {  	[tilespmem:s8], [sflag:$0x2] =	stream.strided.gather [hbm4b:s5+s12], $0x1000, s11, s12, $0x38;
	[tilespmem:$0x10600] =	vst v63  }
0x3c: {  	s5 =	sand.u32 $0xFFFFF80, s26  }
0x3d: {  	s28 =	simm.s32 $0x9400;
	s5 =	sadd.s32 s2, s5  }
0x3e: {  	[tilespmem:s28], [sflag:$0xA] =	stream.strided.gather [hbm4b:s5+s12], $0x1000, s11, s12, $0x38;
	[tilespmem:$0x10600] =	vst v63  }
0x3f: {  	v17 =	vld [tilespmem:$0x0];
	_ =	sdelay $0x1  }
0x40: {  	v18 =	vld [tilespmem:$0x200];
	_ =	sdelay $0x2  }
0x41: {  	v17 =	vsel vm2, $0x0, v17  }
0x42: {  	(xrf0) =	vadd.scan.msk.s32 $0xffff, v17  }
0x43: {  	v17 =	vsel vm2, $0x0, v18  }
0x44: {  	(xrf0) =	vadd.scan.msk.s32 $0xffff, v17;
	_ =	sdelay $0x3  }
0x45: {  	v17, _, _ =	vpop (xrf0)  }
0x46: {  	(v2sf) =	vpush v17, $0xF  }
0x47: {  	v17, _, _ =	vpop (xrf0)  }
0x48: {  	(v2sf) =	vpush v17, $0xF;
	_ =	sdelay $0xc  }
0x49: {  	s4 =	spop (v2sf)  }
0x4a: {  	s5 =	sand.u32 $0xFFFFF80, s4  }
0x4b: {  	s6 =	simm.s32 $0x2400;
	s7 =	spop (v2sf);
	s5 =	sadd.s32 s1, s5  }
0x4c: {  	[tilespmem:s6], [sflag:$0x3] =	stream.strided.gather [hbm4b:s5+s12], $0x1000, s11, s12, $0x38;
	[tilespmem:$0x10600] =	vst v63  }
0x4d: {  	s5 =	sand.u32 $0xFFFFF80, s7  }
0x4e: {  	s8 =	simm.s32 $0xA400;
	s5 =	sadd.s32 s2, s5  }
0x4f: {  	[tilespmem:s8], [sflag:$0xB] =	stream.strided.gather [hbm4b:s5+s12], $0x1000, s11, s12, $0x38;
	[tilespmem:$0x10600] =	vst v63  }
0x50: {  	v17 =	vld [tilespmem:$0x0];
	_ =	sdelay $0x1  }
0x51: {  	v18 =	vld [tilespmem:$0x200];
	_ =	sdelay $0x2  }
0x52: {  	v17 =	vsel vm3, $0x0, v17  }
0x53: {  	(xrf0) =	vadd.scan.msk.s32 $0xffff, v17  }
0x54: {  	v17 =	vsel vm3, $0x0, v18  }
0x55: {  	(xrf0) =	vadd.scan.msk.s32 $0xffff, v17;
	_ =	sdelay $0x3  }
0x56: {  	v17, _, _ =	vpop (xrf0)  }
0x57: {  	(v2sf) =	vpush v17, $0xF  }
0x58: {  	v17, _, _ =	vpop (xrf0)  }
0x59: {  	(v2sf) =	vpush v17, $0xF;
	_ =	sdelay $0xc  }
0x5a: {  	s26 =	spop (v2sf)  }
0x5b: {  	s5 =	sand.u32 $0xFFFFF80, s26  }
0x5c: {  	s28 =	simm.s32 $0x3400;
	s4 =	spop (v2sf);
	s5 =	sadd.s32 s1, s5  }
0x5d: {  	[tilespmem:s28], [sflag:$0x4] =	stream.strided.gather [hbm4b:s5+s12], $0x1000, s11, s12, $0x38;
	[tilespmem:$0x10600] =	vst v63  }
0x5e: {  	s5 =	sand.u32 $0xFFFFF80, s4  }
0x5f: {  	s6 =	simm.s32 $0xB400;
	s5 =	sadd.s32 s2, s5  }
0x60: {  	[tilespmem:s6], [sflag:$0xC] =	stream.strided.gather [hbm4b:s5+s12], $0x1000, s11, s12, $0x38;
	[tilespmem:$0x10600] =	vst v63  }
0x61: {  	v17 =	vld [tilespmem:$0x0];
	_ =	sdelay $0x1  }
0x62: {  	v18 =	vld [tilespmem:$0x200];
	_ =	sdelay $0x2  }
0x63: {  	v17 =	vsel vm4, $0x0, v17  }
0x64: {  	(xrf0) =	vadd.scan.msk.s32 $0xffff, v17  }
0x65: {  	v17 =	vsel vm4, $0x0, v18  }
0x66: {  	(xrf0) =	vadd.scan.msk.s32 $0xffff, v17;
	_ =	sdelay $0x3  }
0x67: {  	v17, _, _ =	vpop (xrf0)  }
0x68: {  	(v2sf) =	vpush v17, $0xF  }
0x69: {  	v17, _, _ =	vpop (xrf0)  }
0x6a: {  	(v2sf) =	vpush v17, $0xF;
	_ =	sdelay $0xc  }
0x6b: {  	s7 =	spop (v2sf)  }
0x6c: {  	s5 =	sand.u32 $0xFFFFF80, s7  }
0x6d: {  	s8 =	simm.s32 $0x4400;
	s26 =	spop (v2sf);
	s5 =	sadd.s32 s1, s5  }
0x6e: {  	[tilespmem:s8], [sflag:$0x5] =	stream.strided.gather [hbm4b:s5+s12], $0x1000, s11, s12, $0x38;
	[tilespmem:$0x10600] =	vst v63  }
0x6f: {  	s5 =	sand.u32 $0xFFFFF80, s26  }
0x70: {  	s28 =	simm.s32 $0xC400;
	s5 =	sadd.s32 s2, s5  }
0x71: {  	[tilespmem:s28], [sflag:$0xD] =	stream.strided.gather [hbm4b:s5+s12], $0x1000, s11, s12, $0x38;
	[tilespmem:$0x10600] =	vst v63  }
0x72: {  	v17 =	vld [tilespmem:$0x0];
	_ =	sdelay $0x1  }
0x73: {  	v18 =	vld [tilespmem:$0x200];
	_ =	sdelay $0x2  }
0x74: {  	v17 =	vsel vm5, $0x0, v17  }
0x75: {  	(xrf0) =	vadd.scan.msk.s32 $0xffff, v17  }
0x76: {  	v17 =	vsel vm5, $0x0, v18  }
0x77: {  	(xrf0) =	vadd.scan.msk.s32 $0xffff, v17;
	_ =	sdelay $0x3  }
0x78: {  	v17, _, _ =	vpop (xrf0)  }
0x79: {  	(v2sf) =	vpush v17, $0xF  }
0x7a: {  	v17, _, _ =	vpop (xrf0)  }
0x7b: {  	(v2sf) =	vpush v17, $0xF;
	_ =	sdelay $0xc  }
0x7c: {  	s4 =	spop (v2sf)  }
0x7d: {  	s5 =	sand.u32 $0xFFFFF80, s4  }
0x7e: {  	s6 =	simm.s32 $0x5400;
	s7 =	spop (v2sf);
	s5 =	sadd.s32 s1, s5  }
0x7f: {  	[tilespmem:s6], [sflag:$0x6] =	stream.strided.gather [hbm4b:s5+s12], $0x1000, s11, s12, $0x38;
	[tilespmem:$0x10600] =	vst v63  }
0x80: {  	s5 =	sand.u32 $0xFFFFF80, s7  }
0x81: {  	s8 =	simm.s32 $0xD400;
	s5 =	sadd.s32 s2, s5  }
0x82: {  	[tilespmem:s8], [sflag:$0xE] =	stream.strided.gather [hbm4b:s5+s12], $0x1000, s11, s12, $0x38;
	[tilespmem:$0x10600] =	vst v63  }
0x83: {  	v17 =	vld [tilespmem:$0x0];
	_ =	sdelay $0x1  }
0x84: {  	v18 =	vld [tilespmem:$0x200];
	_ =	sdelay $0x2  }
0x85: {  	v17 =	vsel vm6, $0x0, v17  }
0x86: {  	(xrf0) =	vadd.scan.msk.s32 $0xffff, v17  }
0x87: {  	v17 =	vsel vm6, $0x0, v18  }
0x88: {  	(xrf0) =	vadd.scan.msk.s32 $0xffff, v17;
	_ =	sdelay $0x3  }
0x89: {  	v17, _, _ =	vpop (xrf0)  }
0x8a: {  	(v2sf) =	vpush v17, $0xF  }
0x8b: {  	v17, _, _ =	vpop (xrf0)  }
0x8c: {  	(v2sf) =	vpush v17, $0xF;
	_ =	sdelay $0xc  }
0x8d: {  	s26 =	spop (v2sf)  }
0x8e: {  	s5 =	sand.u32 $0xFFFFF80, s26  }
0x8f: {  	s28 =	simm.s32 $0x6400;
	s4 =	spop (v2sf);
	s5 =	sadd.s32 s1, s5  }
0x90: {  	[tilespmem:s28], [sflag:$0x7] =	stream.strided.gather [hbm4b:s5+s12], $0x1000, s11, s12, $0x38;
	[tilespmem:$0x10600] =	vst v63  }
0x91: {  	s5 =	sand.u32 $0xFFFFF80, s4  }
0x92: {  	s6 =	simm.s32 $0xE400;
	s5 =	sadd.s32 s2, s5  }
0x93: {  	[tilespmem:s6], [sflag:$0xF] =	stream.strided.gather [hbm4b:s5+s12], $0x1000, s11, s12, $0x38;
	[tilespmem:$0x10600] =	vst v63  }
0x94: {  	v17 =	vld [tilespmem:$0x0];
	_ =	sdelay $0x1  }
0x95: {  	v18 =	vld [tilespmem:$0x200];
	_ =	sdelay $0x2  }
0x96: {  	v17 =	vsel vm7, $0x0, v17  }
0x97: {  	(xrf0) =	vadd.scan.msk.s32 $0xffff, v17  }
0x98: {  	v17 =	vsel vm7, $0x0, v18  }
0x99: {  	(xrf0) =	vadd.scan.msk.s32 $0xffff, v17;
	_ =	sdelay $0x3  }
0x9a: {  	v17, _, _ =	vpop (xrf0)  }
0x9b: {  	(v2sf) =	vpush v17, $0xF  }
0x9c: {  	v17, _, _ =	vpop (xrf0)  }
0x9d: {  	(v2sf) =	vpush v17, $0xF;
	_ =	sdelay $0xc  }
0x9e: {  	s7 =	spop (v2sf)  }
0x9f: {  	s5 =	sand.u32 $0xFFFFF80, s7  }
0xa0: {  	s8 =	simm.s32 $0x7400;
	s26 =	spop (v2sf);
	s5 =	sadd.s32 s1, s5  }
0xa1: {  	[tilespmem:s8], [sflag:$0x8] =	stream.strided.gather [hbm4b:s5+s12], $0x1000, s11, s12, $0x38;
	[tilespmem:$0x10600] =	vst v63  }
0xa2: {  	s5 =	sand.u32 $0xFFFFF80, s26  }
0xa3: {  	s28 =	simm.s32 $0xF400;
	s26 =	simm.s32 $0x0;
	s5 =	sadd.s32 s2, s5  }
0xa4: {  	[tilespmem:s28], [sflag:$0x10] =	stream.strided.gather [hbm4b:s5+s12], $0x1000, s11, s12, $0x38;
	[tilespmem:$0x10600] =	vst v63  }
.LBB2_2:
0xa5: {  	_ =	swait.ge [sflag:s29], $0x1000  }
0xa6: {  	[sflag:s29] =	ssyncset.done $0x0  }
0xa7: {  	[sflag:s29] =	ssyncadd.s32 $0xFFFFF000  }
0xa8: {  	_ =	swait.ge [sflag:s30], $0x1000  }
0xa9: {  	[sflag:s30] =	ssyncset.done $0x0  }
0xaa: {  	s28 =	sand.u32 $0x1F0, s26;
	[sflag:s30] =	ssyncadd.s32 $0xFFFFF000  }
0xab: {  	v17 =	vld [tilespmem:s28+$0x0];
	_ =	sdelay $0x1  }
0xac: {  	s5 =	sand.u32 $0x8, s26;
	v18 =	vld [tilespmem:s28+$0x200]  }
0xad: {  	v19 =	vmov s5  }
0xae: {  	vm8 =	veq.s32 v19, v0  }
0xaf: {  	v17 =	vnsel vm8, $0x0, v17  }
0xb0: {  	(xrf0) =	vadd.scan.msk.s32 $0xffff, v17  }
0xb1: {  	v17 =	vnsel vm8, $0x0, v18  }
0xb2: {  	(xrf0) =	vadd.scan.msk.s32 $0xffff, v17;
	_ =	sdelay $0x3  }
0xb3: {  	v17, _, _ =	vpop (xrf0)  }
0xb4: {  	(v2sf) =	vpush v17, $0xF  }
0xb5: {  	v17, _, _ =	vpop (xrf0)  }
0xb6: {  	(v2sf) =	vpush v17, $0xF;
	_ =	sdelay $0x5  }
0xb7: {  	p0 =	seq.s32 s26, $0x1F8  }
0xb8: {  	s5 =	sadd.s32 @!p0 $0x8, s26  }
0xb9: {  	s6 =	sand.u32 @!p0 $0x3F0, s5  }
0xba: {  	v18 =	vld @!p0 [tilespmem:s6+$0x0];
	_ =	sdelay $0x1  }
0xbb: {  	s5 =	sand.u32 @!p0 $0x8, s5  }
0xbc: {  	v19 =	vmov @!p0 s5;
	v17 =	vlaneseq.u32 @!p0  }
0xbd: {  	vm8 =	veq.s32 @!p0 v19, v17;
	v19 =	vld @!p0 [tilespmem:s6+$0x200];
	s7 =	spop (v2sf)  }
0xbe: {  	v18 =	vnsel @!p0 vm8, $0x0, v18;
	s5 =	sand.u32 $0x7F, s7  }
0xbf: {  	(xrf0) =	vadd.scan.msk.s32 @!p0 $0xffff, v18;
	s8 =	spop (v2sf);
	v20 =	vor.u32 s5, v1  }
0xc0: {  	s6 =	sand.u32 $0x7F, s8;
	v18 =	vor.u32 s5, v2  }
0xc1: {  	v21 =	vor.u32 s6, v1  }
0xc2: {  	v19 =	vnsel @!p0 vm8, $0x0, v19;
	v22 =	vor.u32 s6, v2  }
0xc3: {  	(xrf0) =	vadd.scan.msk.s32 @!p0 $0xffff, v19  }
0xc4: {  	v19 =	vld.idx.msk [tilespmem:v20+s12+$0x0], $0xffff  }
0xc5: {  	v18 =	vld.idx.msk [tilespmem:v18+s12+$0x0], $0xffff;
	v20, _, _ =	vpop @!p0 (xrf0)  }
0xc6: {  	v21 =	vld.idx.msk [tilespmem:v21+s13+$0x0], $0xffff;
	(v2sf) =	vpush @!p0 v20, $0xF  }
0xc7: {  	v31 =	vld.idx.msk [tilespmem:v22+s13+$0x0], $0xffff;
	_ =	sdelay $0x1  }
0xc8: {  	v22, _, _ =	vpop @!p0 (xrf0)  }
0xc9: {  	(v2sf) =	vpush @!p0 v22, $0xF;
	_ =	sdelay $0x1  }
0xca: {  	v19 =	vmul.f32 v21, v19;
	v18 =	vmul.f32 v31, v18;
	_ =	sdelay $0x1  }
0xcb: {  	v18 =	vadd.f32 v18, v19;
	_ =	sdelay $0x1  }
0xcc: {  	(xrf2) =	vadd.scan.msk.f32 $0xffff, v18;
	_ =	sdelay $0x4  }
0xcd: {  	v18 =	vmov s26;
	s5 =	spop @!p0 (v2sf)  }
0xce: {  	v18 =	vand.u32 $0xFFFFFFF8, v18;
	s5 =	sand.u32 @!p0 $0xFFFFF80, s5  }
0xcf: {  	s6 =	simm.s32 @!p0 $0x400;
	v18 =	vbroadcast v18, $0x0;
	s7 =	sadd.s32 @!p0 s1, s5;
	s5 =	simm.s32 @!p0 $0x7A1400  }
0xd0: {  	[tilespmem:s6], [sflag:$0x1] =	stream.strided.gather @!p0 [hbm4b:s7+s6], $0x1000, s5, s6, $0x38;
	[tilespmem:$0x10600] =	vst v63  }
0xd1: {  	s7 =	spop @!p0 (v2sf)  }
0xd2: {  	s7 =	sand.u32 @!p0 $0xFFFFF80, s7;
	v19, _, _ =	vpop (xrf2)  }
0xd3: {  	s8 =	simm.s32 @!p0 $0x8400;
	s7 =	sadd.s32 @!p0 s2, s7;
	v19 =	vbroadcast v19, $0xF  }
0xd4: {  	[tilespmem:s8], [sflag:$0x9] =	stream.strided.gather @!p0 [hbm4b:s7+s6], $0x1000, s5, s6, $0x38;
	[tilespmem:$0x10600] =	vst v63  }
0xd5: {  	[tilespmem:v18+s31+$0x0] =	vst.idx.msk $0x1, v19  }
0xd6: {  	_ =	swait.ge [sflag:s0], $0x1000  }
0xd7: {  	[sflag:s0] =	ssyncset.done $0x0  }
0xd8: {  	[sflag:s0] =	ssyncadd.s32 $0xFFFFF000  }
0xd9: {  	_ =	swait.ge [sflag:s3], $0x1000  }
0xda: {  	[sflag:s3] =	ssyncset.done $0x0  }
0xdb: {  	[sflag:s3] =	ssyncadd.s32 $0xFFFFF000  }
0xdc: {  	v18 =	vld [tilespmem:s28+$0x0]  }
0xdd: {  	s7 =	sadd.s32 $0x1, s26  }
0xde: {  	s4 =	sand.u32 $0x9, s7;
	v19 =	vld [tilespmem:s28+$0x200]  }
0xdf: {  	v32 =	vmov s4  }
0xe0: {  	vm8 =	veq.s32 v32, v0  }
0xe1: {  	v18 =	vnsel vm8, $0x0, v18  }
0xe2: {  	(xrf0) =	vadd.scan.msk.s32 $0xffff, v18  }
0xe3: {  	v18 =	vnsel vm8, $0x0, v19  }
0xe4: {  	(xrf0) =	vadd.scan.msk.s32 $0xffff, v18;
	_ =	sdelay $0x3  }
0xe5: {  	v18, _, _ =	vpop (xrf0)  }
0xe6: {  	(v2sf) =	vpush v18, $0xF  }
0xe7: {  	v18, _, _ =	vpop (xrf0)  }
0xe8: {  	(v2sf) =	vpush v18, $0xF;
	_ =	sdelay $0x6  }
0xe9: {  	s8 =	sadd.s32 @!p0 $0x9, s26  }
0xea: {  	s4 =	sand.u32 @!p0 $0x3F0, s8  }
0xeb: {  	v18 =	vld @!p0 [tilespmem:s4+$0x0];
	_ =	sdelay $0x1  }
0xec: {  	s8 =	sand.u32 @!p0 $0x9, s8  }
0xed: {  	v19 =	vmov @!p0 s8  }
0xee: {  	vm8 =	veq.s32 @!p0 v19, v17;
	v19 =	vld @!p0 [tilespmem:s4+$0x200];
	s8 =	spop (v2sf)  }
0xef: {  	v18 =	vnsel @!p0 vm8, $0x0, v18;
	s4 =	sand.u32 $0x7F, s8  }
0xf0: {  	(xrf0) =	vadd.scan.msk.s32 @!p0 $0xffff, v18;
	s8 =	spop (v2sf);
	v33 =	vor.u32 s4, v3  }
0xf1: {  	s8 =	sand.u32 $0x7F, s8;
	v18 =	vor.u32 s4, v4  }
0xf2: {  	v34 =	vor.u32 s8, v3  }
0xf3: {  	v19 =	vnsel @!p0 vm8, $0x0, v19;
	v35 =	vor.u32 s8, v4  }
0xf4: {  	(xrf0) =	vadd.scan.msk.s32 @!p0 $0xffff, v19  }
0xf5: {  	v19 =	vld.idx.msk [tilespmem:v33+s12+$0x0], $0xffff  }
0xf6: {  	v20, _, _ =	vpop @!p0 (xrf0);
	v18 =	vld.idx.msk [tilespmem:v18+s12+$0x0], $0xffff  }
0xf7: {  	(v2sf) =	vpush @!p0 v20, $0xF;
	v21 =	vld.idx.msk [tilespmem:v34+s13+$0x0], $0xffff  }
0xf8: {  	v36 =	vld.idx.msk [tilespmem:v35+s13+$0x0], $0xffff;
	_ =	sdelay $0x1  }
0xf9: {  	v22, _, _ =	vpop @!p0 (xrf0)  }
0xfa: {  	(v2sf) =	vpush @!p0 v22, $0xF;
	_ =	sdelay $0x1  }
0xfb: {  	v19 =	vmul.f32 v21, v19;
	v18 =	vmul.f32 v36, v18;
	_ =	sdelay $0x1  }
0xfc: {  	v18 =	vadd.f32 v18, v19;
	_ =	sdelay $0x1  }
0xfd: {  	(xrf2) =	vadd.scan.msk.f32 $0xffff, v18;
	_ =	sdelay $0x4  }
0xfe: {  	s4 =	spop @!p0 (v2sf);
	v18 =	vmov s7  }
0xff: {  	s4 =	sand.u32 @!p0 $0xFFFFF80, s4;
	v18 =	vand.u32 $0xFFFFFFF9, v18  }
0x100: {  	s4 =	sadd.s32 @!p0 s1, s4;
	s7 =	simm.s32 @!p0 $0x1400;
	v18 =	vbroadcast v18, $0x0  }
0x101: {  	[tilespmem:s7], [sflag:$0x2] =	stream.strided.gather @!p0 [hbm4b:s4+s6], $0x1000, s5, s6, $0x38;
	[tilespmem:$0x10600] =	vst v63  }
0x102: {  	s4 =	spop @!p0 (v2sf)  }
0x103: {  	s4 =	sand.u32 @!p0 $0xFFFFF80, s4;
	v19, _, _ =	vpop (xrf2)  }
0x104: {  	s7 =	simm.s32 @!p0 $0x9400;
	s4 =	sadd.s32 @!p0 s2, s4;
	v19 =	vbroadcast v19, $0xF  }
0x105: {  	[tilespmem:s7], [sflag:$0xA] =	stream.strided.gather @!p0 [hbm4b:s4+s6], $0x1000, s5, s6, $0x38;
	[tilespmem:$0x10600] =	vst v63  }
0x106: {  	[tilespmem:v18+s31+$0x0] =	vst.idx.msk $0x1, v19  }
0x107: {  	_ =	swait.ge [sflag:s10], $0x1000  }
0x108: {  	[sflag:s10] =	ssyncset.done $0x0  }
0x109: {  	[sflag:s10] =	ssyncadd.s32 $0xFFFFF000  }
0x10a: {  	_ =	swait.ge [sflag:s14], $0x1000  }
0x10b: {  	[sflag:s14] =	ssyncset.done $0x0  }
0x10c: {  	[sflag:s14] =	ssyncadd.s32 $0xFFFFF000  }
0x10d: {  	v18 =	vld [tilespmem:s28+$0x0]  }
0x10e: {  	s4 =	sadd.s32 $0x2, s26  }
0x10f: {  	s8 =	sand.u32 $0xA, s4;
	v19 =	vld [tilespmem:s28+$0x200]  }
0x110: {  	v37 =	vmov s8  }
0x111: {  	vm8 =	veq.s32 v37, v0  }
0x112: {  	v18 =	vnsel vm8, $0x0, v18  }
0x113: {  	(xrf0) =	vadd.scan.msk.s32 $0xffff, v18  }
0x114: {  	v18 =	vnsel vm8, $0x0, v19  }
0x115: {  	(xrf0) =	vadd.scan.msk.s32 $0xffff, v18;
	_ =	sdelay $0x3  }
0x116: {  	v18, _, _ =	vpop (xrf0)  }
0x117: {  	(v2sf) =	vpush v18, $0xF  }
0x118: {  	v18, _, _ =	vpop (xrf0)  }
0x119: {  	(v2sf) =	vpush v18, $0xF;
	_ =	sdelay $0x6  }
0x11a: {  	s7 =	sadd.s32 @!p0 $0xA, s26  }
0x11b: {  	s8 =	sand.u32 @!p0 $0x3F0, s7  }
0x11c: {  	v18 =	vld @!p0 [tilespmem:s8+$0x0];
	_ =	sdelay $0x1  }
0x11d: {  	s7 =	sand.u32 @!p0 $0xA, s7  }
0x11e: {  	v19 =	vmov @!p0 s7  }
0x11f: {  	vm8 =	veq.s32 @!p0 v19, v17;
	v19 =	vld @!p0 [tilespmem:s8+$0x200];
	s7 =	spop (v2sf)  }
0x120: {  	v18 =	vnsel @!p0 vm8, $0x0, v18;
	s7 =	sand.u32 $0x7F, s7  }
0x121: {  	(xrf0) =	vadd.scan.msk.s32 @!p0 $0xffff, v18;
	s8 =	spop (v2sf);
	v38 =	vor.u32 s7, v5  }
0x122: {  	s8 =	sand.u32 $0x7F, s8;
	v18 =	vor.u32 s7, v6  }
0x123: {  	v39 =	vor.u32 s8, v5  }
0x124: {  	v19 =	vnsel @!p0 vm8, $0x0, v19;
	v40 =	vor.u32 s8, v6  }
0x125: {  	(xrf0) =	vadd.scan.msk.s32 @!p0 $0xffff, v19  }
0x126: {  	v19 =	vld.idx.msk [tilespmem:v38+s12+$0x0], $0xffff  }
0x127: {  	v20, _, _ =	vpop @!p0 (xrf0);
	v18 =	vld.idx.msk [tilespmem:v18+s12+$0x0], $0xffff  }
0x128: {  	(v2sf) =	vpush @!p0 v20, $0xF;
	v21 =	vld.idx.msk [tilespmem:v39+s13+$0x0], $0xffff  }
0x129: {  	v41 =	vld.idx.msk [tilespmem:v40+s13+$0x0], $0xffff;
	_ =	sdelay $0x1  }
0x12a: {  	v22, _, _ =	vpop @!p0 (xrf0)  }
0x12b: {  	(v2sf) =	vpush @!p0 v22, $0xF;
	_ =	sdelay $0x1  }
0x12c: {  	v19 =	vmul.f32 v21, v19;
	v18 =	vmul.f32 v41, v18;
	_ =	sdelay $0x1  }
0x12d: {  	v18 =	vadd.f32 v18, v19;
	_ =	sdelay $0x1  }
0x12e: {  	(xrf2) =	vadd.scan.msk.f32 $0xffff, v18;
	_ =	sdelay $0x4  }
0x12f: {  	s7 =	spop @!p0 (v2sf);
	v18 =	vmov s4  }
0x130: {  	s4 =	sand.u32 @!p0 $0xFFFFF80, s7;
	v18 =	vand.u32 $0xFFFFFFFA, v18  }
0x131: {  	s7 =	simm.s32 @!p0 $0x2400;
	s4 =	sadd.s32 @!p0 s1, s4;
	v18 =	vbroadcast v18, $0x0  }
0x132: {  	[tilespmem:s7], [sflag:$0x3] =	stream.strided.gather @!p0 [hbm4b:s4+s6], $0x1000, s5, s6, $0x38;
	[tilespmem:$0x10600] =	vst v63  }
0x133: {  	s4 =	spop @!p0 (v2sf)  }
0x134: {  	s4 =	sand.u32 @!p0 $0xFFFFF80, s4;
	v19, _, _ =	vpop (xrf2)  }
0x135: {  	s7 =	simm.s32 @!p0 $0xA400;
	s4 =	sadd.s32 @!p0 s2, s4;
	v19 =	vbroadcast v19, $0xF  }
0x136: {  	[tilespmem:s7], [sflag:$0xB] =	stream.strided.gather @!p0 [hbm4b:s4+s6], $0x1000, s5, s6, $0x38;
	[tilespmem:$0x10600] =	vst v63  }
0x137: {  	[tilespmem:v18+s31+$0x0] =	vst.idx.msk $0x1, v19  }
0x138: {  	_ =	swait.ge [sflag:s15], $0x1000  }
0x139: {  	[sflag:s15] =	ssyncset.done $0x0  }
0x13a: {  	[sflag:s15] =	ssyncadd.s32 $0xFFFFF000  }
0x13b: {  	_ =	swait.ge [sflag:s16], $0x1000  }
0x13c: {  	[sflag:s16] =	ssyncset.done $0x0  }
0x13d: {  	[sflag:s16] =	ssyncadd.s32 $0xFFFFF000  }
0x13e: {  	v18 =	vld [tilespmem:s28+$0x0]  }
0x13f: {  	s4 =	sadd.s32 $0x3, s26  }
0x140: {  	s8 =	sand.u32 $0xB, s4;
	v19 =	vld [tilespmem:s28+$0x200]  }
0x141: {  	v42 =	vmov s8  }
0x142: {  	vm8 =	veq.s32 v42, v0  }
0x143: {  	v18 =	vnsel vm8, $0x0, v18  }
0x144: {  	(xrf0) =	vadd.scan.msk.s32 $0xffff, v18  }
0x145: {  	v18 =	vnsel vm8, $0x0, v19  }
0x146: {  	(xrf0) =	vadd.scan.msk.s32 $0xffff, v18;
	_ =	sdelay $0x3  }
0x147: {  	v18, _, _ =	vpop (xrf0)  }
0x148: {  	(v2sf) =	vpush v18, $0xF  }
0x149: {  	v18, _, _ =	vpop (xrf0)  }
0x14a: {  	(v2sf) =	vpush v18, $0xF;
	_ =	sdelay $0x6  }
0x14b: {  	s7 =	sadd.s32 @!p0 $0xB, s26  }
0x14c: {  	s8 =	sand.u32 @!p0 $0x3F0, s7  }
0x14d: {  	v18 =	vld @!p0 [tilespmem:s8+$0x0];
	_ =	sdelay $0x1  }
0x14e: {  	s7 =	sand.u32 @!p0 $0xB, s7  }
0x14f: {  	v19 =	vmov @!p0 s7  }
0x150: {  	vm8 =	veq.s32 @!p0 v19, v17;
	v19 =	vld @!p0 [tilespmem:s8+$0x200];
	s7 =	spop (v2sf)  }
0x151: {  	v18 =	vnsel @!p0 vm8, $0x0, v18;
	s7 =	sand.u32 $0x7F, s7  }
0x152: {  	(xrf0) =	vadd.scan.msk.s32 @!p0 $0xffff, v18;
	s8 =	spop (v2sf);
	v43 =	vor.u32 s7, v7  }
0x153: {  	s8 =	sand.u32 $0x7F, s8;
	v18 =	vor.u32 s7, v8  }
0x154: {  	v44 =	vor.u32 s8, v7  }
0x155: {  	v19 =	vnsel @!p0 vm8, $0x0, v19;
	v45 =	vor.u32 s8, v8  }
0x156: {  	(xrf0) =	vadd.scan.msk.s32 @!p0 $0xffff, v19  }
0x157: {  	v19 =	vld.idx.msk [tilespmem:v43+s12+$0x0], $0xffff  }
0x158: {  	v20, _, _ =	vpop @!p0 (xrf0);
	v18 =	vld.idx.msk [tilespmem:v18+s12+$0x0], $0xffff  }
0x159: {  	(v2sf) =	vpush @!p0 v20, $0xF;
	v21 =	vld.idx.msk [tilespmem:v44+s13+$0x0], $0xffff  }
0x15a: {  	v46 =	vld.idx.msk [tilespmem:v45+s13+$0x0], $0xffff;
	_ =	sdelay $0x1  }
0x15b: {  	v22, _, _ =	vpop @!p0 (xrf0)  }
0x15c: {  	(v2sf) =	vpush @!p0 v22, $0xF;
	_ =	sdelay $0x1  }
0x15d: {  	v19 =	vmul.f32 v21, v19;
	v18 =	vmul.f32 v46, v18;
	_ =	sdelay $0x1  }
0x15e: {  	v18 =	vadd.f32 v18, v19;
	_ =	sdelay $0x1  }
0x15f: {  	(xrf2) =	vadd.scan.msk.f32 $0xffff, v18;
	_ =	sdelay $0x4  }
0x160: {  	s7 =	spop @!p0 (v2sf);
	v18 =	vmov s4  }
0x161: {  	s4 =	sand.u32 @!p0 $0xFFFFF80, s7;
	v18 =	vand.u32 $0xFFFFFFFB, v18  }
0x162: {  	s7 =	simm.s32 @!p0 $0x3400;
	s4 =	sadd.s32 @!p0 s1, s4;
	v18 =	vbroadcast v18, $0x0  }
0x163: {  	[tilespmem:s7], [sflag:$0x4] =	stream.strided.gather @!p0 [hbm4b:s4+s6], $0x1000, s5, s6, $0x38;
	[tilespmem:$0x10600] =	vst v63  }
0x164: {  	s4 =	spop @!p0 (v2sf)  }
0x165: {  	s4 =	sand.u32 @!p0 $0xFFFFF80, s4;
	v19, _, _ =	vpop (xrf2)  }
0x166: {  	s7 =	simm.s32 @!p0 $0xB400;
	s4 =	sadd.s32 @!p0 s2, s4;
	v19 =	vbroadcast v19, $0xF  }
0x167: {  	[tilespmem:s7], [sflag:$0xC] =	stream.strided.gather @!p0 [hbm4b:s4+s6], $0x1000, s5, s6, $0x38;
	[tilespmem:$0x10600] =	vst v63  }
0x168: {  	[tilespmem:v18+s31+$0x0] =	vst.idx.msk $0x1, v19  }
0x169: {  	_ =	swait.ge [sflag:s17], $0x1000  }
0x16a: {  	[sflag:s17] =	ssyncset.done $0x0  }
0x16b: {  	[sflag:s17] =	ssyncadd.s32 $0xFFFFF000  }
0x16c: {  	_ =	swait.ge [sflag:s18], $0x1000  }
0x16d: {  	[sflag:s18] =	ssyncset.done $0x0  }
0x16e: {  	[sflag:s18] =	ssyncadd.s32 $0xFFFFF000  }
0x16f: {  	v18 =	vld [tilespmem:s28+$0x0]  }
0x170: {  	s4 =	sadd.s32 $0x4, s26  }
0x171: {  	s8 =	sand.u32 $0xC, s4;
	v19 =	vld [tilespmem:s28+$0x200]  }
0x172: {  	v47 =	vmov s8  }
0x173: {  	vm8 =	veq.s32 v47, v0  }
0x174: {  	v18 =	vnsel vm8, $0x0, v18  }
0x175: {  	(xrf0) =	vadd.scan.msk.s32 $0xffff, v18  }
0x176: {  	v18 =	vnsel vm8, $0x0, v19  }
0x177: {  	(xrf0) =	vadd.scan.msk.s32 $0xffff, v18;
	_ =	sdelay $0x3  }
0x178: {  	v18, _, _ =	vpop (xrf0)  }
0x179: {  	(v2sf) =	vpush v18, $0xF  }
0x17a: {  	v18, _, _ =	vpop (xrf0)  }
0x17b: {  	(v2sf) =	vpush v18, $0xF;
	_ =	sdelay $0x6  }
0x17c: {  	s7 =	sadd.s32 @!p0 $0xC, s26  }
0x17d: {  	s8 =	sand.u32 @!p0 $0x3F0, s7  }
0x17e: {  	v18 =	vld @!p0 [tilespmem:s8+$0x0];
	_ =	sdelay $0x1  }
0x17f: {  	s7 =	sand.u32 @!p0 $0xC, s7  }
0x180: {  	v19 =	vmov @!p0 s7  }
0x181: {  	vm8 =	veq.s32 @!p0 v19, v17;
	v19 =	vld @!p0 [tilespmem:s8+$0x200];
	s7 =	spop (v2sf)  }
0x182: {  	v18 =	vnsel @!p0 vm8, $0x0, v18;
	s7 =	sand.u32 $0x7F, s7  }
0x183: {  	(xrf0) =	vadd.scan.msk.s32 @!p0 $0xffff, v18;
	s8 =	spop (v2sf);
	v48 =	vor.u32 s7, v9  }
0x184: {  	s8 =	sand.u32 $0x7F, s8;
	v18 =	vor.u32 s7, v10  }
0x185: {  	v49 =	vor.u32 s8, v9  }
0x186: {  	v19 =	vnsel @!p0 vm8, $0x0, v19;
	v50 =	vor.u32 s8, v10  }
0x187: {  	(xrf0) =	vadd.scan.msk.s32 @!p0 $0xffff, v19  }
0x188: {  	v19 =	vld.idx.msk [tilespmem:v48+s12+$0x0], $0xffff  }
0x189: {  	v20, _, _ =	vpop @!p0 (xrf0);
	v18 =	vld.idx.msk [tilespmem:v18+s12+$0x0], $0xffff  }
0x18a: {  	(v2sf) =	vpush @!p0 v20, $0xF;
	v21 =	vld.idx.msk [tilespmem:v49+s13+$0x0], $0xffff  }
0x18b: {  	v51 =	vld.idx.msk [tilespmem:v50+s13+$0x0], $0xffff;
	_ =	sdelay $0x1  }
0x18c: {  	v22, _, _ =	vpop @!p0 (xrf0)  }
0x18d: {  	(v2sf) =	vpush @!p0 v22, $0xF;
	_ =	sdelay $0x1  }
0x18e: {  	v19 =	vmul.f32 v21, v19;
	v18 =	vmul.f32 v51, v18;
	_ =	sdelay $0x1  }
0x18f: {  	v18 =	vadd.f32 v18, v19;
	_ =	sdelay $0x1  }
0x190: {  	(xrf2) =	vadd.scan.msk.f32 $0xffff, v18;
	_ =	sdelay $0x4  }
0x191: {  	s7 =	spop @!p0 (v2sf);
	v18 =	vmov s4  }
0x192: {  	s4 =	sand.u32 @!p0 $0xFFFFF80, s7;
	v18 =	vand.u32 $0xFFFFFFFC, v18  }
0x193: {  	s7 =	simm.s32 @!p0 $0x4400;
	s4 =	sadd.s32 @!p0 s1, s4;
	v18 =	vbroadcast v18, $0x0  }
0x194: {  	[tilespmem:s7], [sflag:$0x5] =	stream.strided.gather @!p0 [hbm4b:s4+s6], $0x1000, s5, s6, $0x38;
	[tilespmem:$0x10600] =	vst v63  }
0x195: {  	s4 =	spop @!p0 (v2sf)  }
0x196: {  	s4 =	sand.u32 @!p0 $0xFFFFF80, s4;
	v19, _, _ =	vpop (xrf2)  }
0x197: {  	s7 =	simm.s32 @!p0 $0xC400;
	s4 =	sadd.s32 @!p0 s2, s4;
	v19 =	vbroadcast v19, $0xF  }
0x198: {  	[tilespmem:s7], [sflag:$0xD] =	stream.strided.gather @!p0 [hbm4b:s4+s6], $0x1000, s5, s6, $0x38;
	[tilespmem:$0x10600] =	vst v63  }
0x199: {  	[tilespmem:v18+s31+$0x0] =	vst.idx.msk $0x1, v19  }
0x19a: {  	_ =	swait.ge [sflag:s19], $0x1000  }
0x19b: {  	[sflag:s19] =	ssyncset.done $0x0  }
0x19c: {  	[sflag:s19] =	ssyncadd.s32 $0xFFFFF000  }
0x19d: {  	_ =	swait.ge [sflag:s20], $0x1000  }
0x19e: {  	[sflag:s20] =	ssyncset.done $0x0  }
0x19f: {  	[sflag:s20] =	ssyncadd.s32 $0xFFFFF000  }
0x1a0: {  	v18 =	vld [tilespmem:s28+$0x0]  }
0x1a1: {  	s4 =	sadd.s32 $0x5, s26  }
0x1a2: {  	s8 =	sand.u32 $0xD, s4;
	v19 =	vld [tilespmem:s28+$0x200]  }
0x1a3: {  	v52 =	vmov s8  }
0x1a4: {  	vm8 =	veq.s32 v52, v0  }
0x1a5: {  	v18 =	vnsel vm8, $0x0, v18  }
0x1a6: {  	(xrf0) =	vadd.scan.msk.s32 $0xffff, v18  }
0x1a7: {  	v18 =	vnsel vm8, $0x0, v19  }
0x1a8: {  	(xrf0) =	vadd.scan.msk.s32 $0xffff, v18;
	_ =	sdelay $0x3  }
0x1a9: {  	v18, _, _ =	vpop (xrf0)  }
0x1aa: {  	(v2sf) =	vpush v18, $0xF  }
0x1ab: {  	v18, _, _ =	vpop (xrf0)  }
0x1ac: {  	(v2sf) =	vpush v18, $0xF;
	_ =	sdelay $0x6  }
0x1ad: {  	s7 =	sadd.s32 @!p0 $0xD, s26  }
0x1ae: {  	s8 =	sand.u32 @!p0 $0x3F0, s7  }
0x1af: {  	v18 =	vld @!p0 [tilespmem:s8+$0x0];
	_ =	sdelay $0x1  }
0x1b0: {  	s7 =	sand.u32 @!p0 $0xD, s7  }
0x1b1: {  	v19 =	vmov @!p0 s7  }
0x1b2: {  	vm8 =	veq.s32 @!p0 v19, v17;
	v19 =	vld @!p0 [tilespmem:s8+$0x200];
	s7 =	spop (v2sf)  }
0x1b3: {  	v18 =	vnsel @!p0 vm8, $0x0, v18;
	s7 =	sand.u32 $0x7F, s7  }
0x1b4: {  	(xrf0) =	vadd.scan.msk.s32 @!p0 $0xffff, v18;
	s8 =	spop (v2sf);
	v53 =	vor.u32 s7, v11  }
0x1b5: {  	s8 =	sand.u32 $0x7F, s8;
	v18 =	vor.u32 s7, v12  }
0x1b6: {  	v54 =	vor.u32 s8, v11  }
0x1b7: {  	v19 =	vnsel @!p0 vm8, $0x0, v19;
	v55 =	vor.u32 s8, v12  }
0x1b8: {  	(xrf0) =	vadd.scan.msk.s32 @!p0 $0xffff, v19  }
0x1b9: {  	v19 =	vld.idx.msk [tilespmem:v53+s12+$0x0], $0xffff  }
0x1ba: {  	v20, _, _ =	vpop @!p0 (xrf0);
	v18 =	vld.idx.msk [tilespmem:v18+s12+$0x0], $0xffff  }
0x1bb: {  	(v2sf) =	vpush @!p0 v20, $0xF;
	v21 =	vld.idx.msk [tilespmem:v54+s13+$0x0], $0xffff  }
0x1bc: {  	v56 =	vld.idx.msk [tilespmem:v55+s13+$0x0], $0xffff;
	_ =	sdelay $0x1  }
0x1bd: {  	v22, _, _ =	vpop @!p0 (xrf0)  }
0x1be: {  	(v2sf) =	vpush @!p0 v22, $0xF;
	_ =	sdelay $0x1  }
0x1bf: {  	v19 =	vmul.f32 v21, v19;
	v18 =	vmul.f32 v56, v18;
	_ =	sdelay $0x1  }
0x1c0: {  	v18 =	vadd.f32 v18, v19;
	_ =	sdelay $0x1  }
0x1c1: {  	(xrf2) =	vadd.scan.msk.f32 $0xffff, v18;
	_ =	sdelay $0x4  }
0x1c2: {  	s7 =	spop @!p0 (v2sf);
	v18 =	vmov s4  }
0x1c3: {  	s4 =	sand.u32 @!p0 $0xFFFFF80, s7;
	v18 =	vand.u32 $0xFFFFFFFD, v18  }
0x1c4: {  	s7 =	simm.s32 @!p0 $0x5400;
	s4 =	sadd.s32 @!p0 s1, s4;
	v18 =	vbroadcast v18, $0x0  }
0x1c5: {  	[tilespmem:s7], [sflag:$0x6] =	stream.strided.gather @!p0 [hbm4b:s4+s6], $0x1000, s5, s6, $0x38;
	[tilespmem:$0x10600] =	vst v63  }
0x1c6: {  	s4 =	spop @!p0 (v2sf)  }
0x1c7: {  	s4 =	sand.u32 @!p0 $0xFFFFF80, s4;
	v19, _, _ =	vpop (xrf2)  }
0x1c8: {  	s7 =	simm.s32 @!p0 $0xD400;
	s4 =	sadd.s32 @!p0 s2, s4;
	v19 =	vbroadcast v19, $0xF  }
0x1c9: {  	[tilespmem:s7], [sflag:$0xE] =	stream.strided.gather @!p0 [hbm4b:s4+s6], $0x1000, s5, s6, $0x38;
	[tilespmem:$0x10600] =	vst v63  }
0x1ca: {  	[tilespmem:v18+s31+$0x0] =	vst.idx.msk $0x1, v19  }
0x1cb: {  	_ =	swait.ge [sflag:s21], $0x1000  }
0x1cc: {  	[sflag:s21] =	ssyncset.done $0x0  }
0x1cd: {  	[sflag:s21] =	ssyncadd.s32 $0xFFFFF000  }
0x1ce: {  	_ =	swait.ge [sflag:s22], $0x1000  }
0x1cf: {  	[sflag:s22] =	ssyncset.done $0x0  }
0x1d0: {  	[sflag:s22] =	ssyncadd.s32 $0xFFFFF000  }
0x1d1: {  	v18 =	vld [tilespmem:s28+$0x0]  }
0x1d2: {  	s4 =	sadd.s32 $0x6, s26  }
0x1d3: {  	s8 =	sand.u32 $0xE, s4;
	v19 =	vld [tilespmem:s28+$0x200]  }
0x1d4: {  	v57 =	vmov s8  }
0x1d5: {  	vm8 =	veq.s32 v57, v0  }
0x1d6: {  	v18 =	vnsel vm8, $0x0, v18  }
0x1d7: {  	(xrf0) =	vadd.scan.msk.s32 $0xffff, v18  }
0x1d8: {  	v18 =	vnsel vm8, $0x0, v19  }
0x1d9: {  	(xrf0) =	vadd.scan.msk.s32 $0xffff, v18;
	_ =	sdelay $0x3  }
0x1da: {  	v18, _, _ =	vpop (xrf0)  }
0x1db: {  	(v2sf) =	vpush v18, $0xF  }
0x1dc: {  	v18, _, _ =	vpop (xrf0)  }
0x1dd: {  	(v2sf) =	vpush v18, $0xF;
	_ =	sdelay $0x6  }
0x1de: {  	s7 =	sadd.s32 @!p0 $0xE, s26  }
0x1df: {  	s8 =	sand.u32 @!p0 $0x3F0, s7  }
0x1e0: {  	v18 =	vld @!p0 [tilespmem:s8+$0x0];
	_ =	sdelay $0x1  }
0x1e1: {  	s7 =	sand.u32 @!p0 $0xE, s7  }
0x1e2: {  	v19 =	vmov @!p0 s7  }
0x1e3: {  	vm8 =	veq.s32 @!p0 v19, v17;
	v19 =	vld @!p0 [tilespmem:s8+$0x200];
	s7 =	spop (v2sf)  }
0x1e4: {  	v18 =	vnsel @!p0 vm8, $0x0, v18;
	s7 =	sand.u32 $0x7F, s7  }
0x1e5: {  	(xrf0) =	vadd.scan.msk.s32 @!p0 $0xffff, v18;
	s8 =	spop (v2sf);
	v58 =	vor.u32 s7, v13  }
0x1e6: {  	v18 =	vor.u32 s7, v14;
	s8 =	sand.u32 $0x7F, s8  }
0x1e7: {  	v59 =	vor.u32 s8, v13  }
0x1e8: {  	v19 =	vnsel @!p0 vm8, $0x0, v19;
	v60 =	vor.u32 s8, v14  }
0x1e9: {  	(xrf0) =	vadd.scan.msk.s32 @!p0 $0xffff, v19  }
0x1ea: {  	v19 =	vld.idx.msk [tilespmem:v58+s12+$0x0], $0xffff  }
0x1eb: {  	v20, _, _ =	vpop @!p0 (xrf0);
	v18 =	vld.idx.msk [tilespmem:v18+s12+$0x0], $0xffff  }
0x1ec: {  	(v2sf) =	vpush @!p0 v20, $0xF;
	v21 =	vld.idx.msk [tilespmem:v59+s13+$0x0], $0xffff  }
0x1ed: {  	v61 =	vld.idx.msk [tilespmem:v60+s13+$0x0], $0xffff;
	_ =	sdelay $0x1  }
0x1ee: {  	v22, _, _ =	vpop @!p0 (xrf0)  }
0x1ef: {  	(v2sf) =	vpush @!p0 v22, $0xF;
	_ =	sdelay $0x1  }
0x1f0: {  	v19 =	vmul.f32 v21, v19;
	v18 =	vmul.f32 v61, v18;
	_ =	sdelay $0x1  }
0x1f1: {  	v18 =	vadd.f32 v18, v19;
	_ =	sdelay $0x1  }
0x1f2: {  	(xrf2) =	vadd.scan.msk.f32 $0xffff, v18;
	_ =	sdelay $0x4  }
0x1f3: {  	s7 =	spop @!p0 (v2sf);
	v18 =	vmov s4  }
0x1f4: {  	s4 =	sand.u32 @!p0 $0xFFFFF80, s7;
	v18 =	vand.u32 $0xFFFFFFFE, v18  }
0x1f5: {  	s7 =	simm.s32 @!p0 $0x6400;
	s4 =	sadd.s32 @!p0 s1, s4;
	v18 =	vbroadcast v18, $0x0  }
0x1f6: {  	[tilespmem:s7], [sflag:$0x7] =	stream.strided.gather @!p0 [hbm4b:s4+s6], $0x1000, s5, s6, $0x38;
	[tilespmem:$0x10600] =	vst v63  }
0x1f7: {  	s4 =	spop @!p0 (v2sf)  }
0x1f8: {  	s4 =	sand.u32 @!p0 $0xFFFFF80, s4;
	v19, _, _ =	vpop (xrf2)  }
0x1f9: {  	s7 =	simm.s32 @!p0 $0xE400;
	s4 =	sadd.s32 @!p0 s2, s4;
	v19 =	vbroadcast v19, $0xF  }
0x1fa: {  	[tilespmem:s7], [sflag:$0xF] =	stream.strided.gather @!p0 [hbm4b:s4+s6], $0x1000, s5, s6, $0x38;
	[tilespmem:$0x10600] =	vst v63  }
0x1fb: {  	[tilespmem:v18+s31+$0x0] =	vst.idx.msk $0x1, v19  }
0x1fc: {  	_ =	swait.ge [sflag:s23], $0x1000  }
0x1fd: {  	[sflag:s23] =	ssyncset.done $0x0  }
0x1fe: {  	[sflag:s23] =	ssyncadd.s32 $0xFFFFF000  }
0x1ff: {  	_ =	swait.ge [sflag:s24], $0x1000  }
0x200: {  	[sflag:s24] =	ssyncset.done $0x0  }
0x201: {  	[sflag:s24] =	ssyncadd.s32 $0xFFFFF000  }
0x202: {  	v18 =	vld [tilespmem:s28+$0x0]  }
0x203: {  	s4 =	sadd.s32 $0x7, s26  }
0x204: {  	s8 =	sand.u32 $0xF, s4;
	v19 =	vld [tilespmem:s28+$0x200]  }
0x205: {  	v62 =	vmov s8  }
0x206: {  	vm8 =	veq.s32 v62, v0  }
0x207: {  	v18 =	vnsel vm8, $0x0, v18  }
0x208: {  	(xrf0) =	vadd.scan.msk.s32 $0xffff, v18  }
0x209: {  	v18 =	vnsel vm8, $0x0, v19  }
0x20a: {  	(xrf0) =	vadd.scan.msk.s32 $0xffff, v18;
	_ =	sdelay $0x3  }
0x20b: {  	v18, _, _ =	vpop (xrf0)  }
0x20c: {  	(v2sf) =	vpush v18, $0xF  }
0x20d: {  	v18, _, _ =	vpop (xrf0)  }
0x20e: {  	(v2sf) =	vpush v18, $0xF;
	_ =	sdelay $0x1  }
0x20f: {  	s7 =	sadd.s32 @!p0 $0xF, s26  }
0x210: {  	s8 =	sand.u32 @!p0 $0x3F0, s7  }
0x211: {  	v18 =	vld @!p0 [tilespmem:s8+$0x0];
	_ =	sdelay $0x1  }
0x212: {  	s7 =	sand.u32 @!p0 $0xF, s7  }
0x213: {  	v19 =	vmov @!p0 s7  }
0x214: {  	vm8 =	veq.s32 @!p0 v19, v17;
	v17 =	vld @!p0 [tilespmem:s8+$0x200]  }
0x215: {  	v18 =	vnsel @!p0 vm8, $0x0, v18  }
0x216: {  	(xrf0) =	vadd.scan.msk.s32 @!p0 $0xffff, v18;
	_ =	sdelay $0x2  }
0x217: {  	v17 =	vnsel @!p0 vm8, $0x0, v17;
	s8 =	spop (v2sf)  }
0x218: {  	(xrf0) =	vadd.scan.msk.s32 @!p0 $0xffff, v17;
	s7 =	sand.u32 $0x7F, s8  }
0x219: {  	s28 =	spop (v2sf);
	v18 =	vor.u32 s7, v15  }
0x21a: {  	v21, _, _ =	vpop @!p0 (xrf0);
	s8 =	sand.u32 $0x7F, s28;
	v19 =	vor.u32 s7, v16  }
0x21b: {  	(v2sf) =	vpush @!p0 v21, $0xF;
	v63 =	vor.u32 s8, v15  }
0x21c: {  	v17 =	vor.u32 s8, v16;
	_ =	sdelay $0x1  }
0x21d: {  	v21, _, _ =	vpop @!p0 (xrf0);
	v18 =	vld.idx.msk [tilespmem:v18+s12+$0x0], $0xffff  }
0x21e: {  	(v2sf) =	vpush @!p0 v21, $0xF;
	v19 =	vld.idx.msk [tilespmem:v19+s12+$0x0], $0xffff  }
0x21f: {  	v20 =	vld.idx.msk [tilespmem:v63+s13+$0x0], $0xffff  }
0x220: {  	v17 =	vld.idx.msk [tilespmem:v17+s13+$0x0], $0xffff;
	_ =	sdelay $0x4  }
0x221: {  	v18 =	vmul.f32 v20, v18;
	v17 =	vmul.f32 v17, v19;
	_ =	sdelay $0x1  }
0x222: {  	v17 =	vadd.f32 v17, v18;
	_ =	sdelay $0x1  }
0x223: {  	s7 =	spop @!p0 (v2sf);
	(xrf2) =	vadd.scan.msk.f32 $0xffff, v17  }
0x224: {  	s7 =	sand.u32 @!p0 $0xFFFFF80, s7  }
0x225: {  	s8 =	simm.s32 @!p0 $0x7400;
	s7 =	sadd.s32 @!p0 s1, s7  }
0x226: {  	[tilespmem:s8], [sflag:$0x8] =	stream.strided.gather @!p0 [hbm4b:s7+s6], $0x1000, s5, s6, $0x38;
	[tilespmem:$0x10600] =	vst v63  }
0x227: {  	s7 =	spop @!p0 (v2sf)  }
0x228: {  	s7 =	sand.u32 @!p0 $0xFFFFF80, s7  }
0x229: {  	s26 =	sadd.s32 $0x8, s26;
	v17 =	vmov s4;
	s4 =	sadd.s32 @!p0 s2, s7;
	s7 =	simm.s32 @!p0 $0xF400  }
0x22a: {  	[tilespmem:s7], [sflag:$0x10] =	stream.strided.gather @!p0 [hbm4b:s4+s6], $0x1000, s5, s6, $0x38;
	[tilespmem:$0x10600] =	vst v63  }
0x22b: {  	p0 =	sne.s32 s26, $0x200  }
.Ltmp0:
0x22c: {  	_ = 	snop;
	(pc) =	sbr.rel @p0 .LBB2_2-.Ltmp0, $3  }
0x22d: {  	v18, _, _ =	vpop (xrf2)  }
0x22e: {  	v18 =	vbroadcast v18, $0xF;
	_ =	sdelay $0x1  }
0x22f: {  	[tilespmem:v17+s31+$0x0] =	vst.idx.msk $0x1, v18  }
0x230: {  	s26 =	simm.s32 $0x0;
	s4 =	rddreg [dreg:$0x8]  }
0x231: {  	[hbm4b:s4+s26] =	stream.linear.scatter [tilespmem:s31], [sflag:$0x11], $0x200, $0x38;
	[tilespmem:$0x10600] =	vst v63  }
0x232: {  	_ =	swait.ge [sflag:s9], $0x200  }
0x233: {  	s25 =	sadd.s32 $0x1, s25;
	s28 =	rddreg [dreg:$0x9]  }
0x234: {  	p0 =	sne.s32 s25, s28  }
.Ltmp1:
0x235: {  	_ = 	snop;
	(pc) =	sbr.rel @p0 .LBB2_1-.Ltmp1, $3  }
0x236: {  	_ =	sdelay $0x1  }
0x237: {  	[sflag:s9] =	ssyncset.done $0x0  }
0x238: {  	[sflag:s9] =	ssyncadd.s32 $0xFFFFFE00  }
0x239: {  	_ =	sfence.sel $0x180000  }
0x23a: {  	[bflag:$0x0] =	sbarrier.arrive $0xFFFF  }
0x23b: {  	_ =	strace $0x90000047  }
0x23c: {  	s0 =	stileid.u32;
	[bflag:$0x2] =	sbarrier.arrive $0xFFFF  }
0x23d: {  	p0 =	sne.s32 s0, $0x0;
	s0 =	rddreg [dreg:$0x5]  }
0x23e: {  	s0 =	sadd.s32 @!p0 $0x100000, s0  }
0x23f: {  	[sflag:s0] =	ssyncadd.tile.s32 @!p0 $0x1;
	_ =	shalt  }
.Lfunc_end2:
_tile_overlayer_lowered:
.L_overlay_start_2:
0x240: {  	(tag) =	ssettag $0x2  }
0x241: {  	s0 =	rddreg [dreg:$0x0];
	s2 =	stileid.u32  }
0x242: {  	s1 =	rddreg [dreg:$0x1];
	p0 =	sne.s32 s2, $0x0  }
0x243: {  	s3 =	rddreg [dreg:$0x2];
	[bflag:$0x3] =	sbarrier.arrive $0xFFFF;
	s2 =	simm.s32 @!p0 $0x1C11  }
0x244: {  	[timem:s3], [sflag:s2] =	dma.local @!p0 [hbm:s0], s1  }
0x245: {  	s0 =	simm.s32 @!p0 $0x11  }
0x246: {  	_ =	swait.ge @!p0 [sflag:s0], s1  }
0x247: {  	s1 =	ssub.s32 @!p0 $0x0, s1;
	[sflag:s0] =	ssyncset.done @!p0 $0x0  }
0x248: {  	[sflag:s0] =	ssyncadd.s32 @!p0 s1  }
0x249: {  	[bflag:$0x3] =	sbarrier.arrive $0xFFFF  }
0x24a: {  	_ =	shalt  }

</sc_bundles>
